<compile_context>
chip_gen: v7x
topology: tpu7x:2x2x1
jax: 0.10.2.dev20260603
libtpu: 0.0.44.dev20260713+nightly
codegen_flags: <defaults>
</compile_context>

<pallas_src>
import functools

import jax
import jax.numpy as jnp
from jax import lax
from jax.experimental import pallas as pl
from jax.experimental.pallas import tpu as pltpu
from jax.experimental.pallas import tpu_sc as plsc

_NUM_WORKERS = 32



def _knn_body(tpos_ref, spos_ref, sbatch_ref, *out_refs, k, n_src):
    t = tpos_ref[...]
    s = spos_ref[...]
    sb = sbatch_ref[0:1, :]
    cross = jnp.dot(t, s, preferred_element_type=jnp.float32)
    ss_t = t[:, 0:1] * t[:, 0:1] + t[:, 1:2] * t[:, 1:2] + t[:, 2:3] * t[:, 2:3]
    ss_s = s[0:1, :] * s[0:1, :] + s[1:2, :] * s[1:2, :] + s[2:3, :] * s[2:3, :]
    d2 = (ss_t + ss_s) - 2.0 * cross
    d2 = jnp.maximum(d2, 0.0)
    d2 = jnp.where(t[:, 3:4] != sb, jnp.float32(jnp.inf), d2)
    lanes = lax.broadcasted_iota(jnp.int32, d2.shape, 1)
    dists = []
    for j in range(k):
        m = jnp.min(d2, axis=1, keepdims=True)
        eq = d2 == m
        idx = jnp.min(jnp.where(eq, lanes, n_src), axis=1, keepdims=True)
        out_refs[j][...] = idx
        dists.append(m)
        if j + 1 < k:
            d2 = jnp.where(lanes == idx, jnp.float32(jnp.inf), d2)
    if k > 1:
        ws = [1.0 / jnp.maximum(d, 1e-16) for d in dists]
        tot = ws[0]
        for w in ws[1:]:
            tot = tot + w
        for j in range(k):
            out_refs[k + j][...] = ws[j] / tot


def _knn(tpos, spos, sbatch, k, tb):
    n_tgt = tpos.shape[0]
    n_src = spos.shape[1]
    n_out = 2 * k if k > 1 else 1
    outs = ([jax.ShapeDtypeStruct((n_tgt, 1), jnp.int32)] * k
            + [jax.ShapeDtypeStruct((n_tgt, 1), jnp.float32)] * (n_out - k))
    res = pl.pallas_call(
        functools.partial(_knn_body, k=k, n_src=n_src),
        grid=(n_tgt // tb,),
        in_specs=[
            pl.BlockSpec((tb, 8), lambda i: (i, 0)),
            pl.BlockSpec((8, n_src), lambda i: (0, 0)),
            pl.BlockSpec((8, n_src), lambda i: (0, 0)),
        ],
        out_specs=[pl.BlockSpec((tb, 1), lambda i: (i, 0))] * n_out,
        out_shape=outs,
    )(tpos, spos, sbatch)
    return [r.reshape(n_tgt) for r in res]


def _knn_seg_body(tpos_ref, spos_ref, sbatch_ref, *refs, ncmax, sc):
    out_refs = refs[:6]
    d_s, i_s = refs[6], refs[7]
    j = pl.program_id(1)
    tb_col0 = tpos_ref[:, 3:4]
    sb0 = sbatch_ref[0:1, :]

    @pl.when(j == 0)
    def _init():
        d_s[...] = jnp.full(d_s.shape, jnp.inf, jnp.float32)
        i_s[...] = jnp.zeros(i_s.shape, jnp.int32)

    active = ((jnp.min(sb0) <= jnp.max(tb_col0))
              & (jnp.max(sb0) >= jnp.min(tb_col0)))

    @pl.when(active)
    def _work():
        t = tpos_ref[...]
        tb_col = t[:, 3:4]
        s = spos_ref[...]
        sb = sbatch_ref[0:1, :]
        cross = jnp.dot(t, s, preferred_element_type=jnp.float32)
        ss_t = (t[:, 0:1] * t[:, 0:1] + t[:, 1:2] * t[:, 1:2]
                + t[:, 2:3] * t[:, 2:3])
        ss_s = (s[0:1, :] * s[0:1, :] + s[1:2, :] * s[1:2, :]
                + s[2:3, :] * s[2:3, :])
        d2 = jnp.maximum((ss_t + ss_s) - 2.0 * cross, 0.0)
        d2 = jnp.where(tb_col != sb, jnp.float32(jnp.inf), d2)
        gidx = j * sc + lax.broadcasted_iota(jnp.int32, d2.shape, 1)
        dp = jnp.concatenate([d_s[...], d2], axis=1)
        ip = jnp.concatenate([i_s[...], gidx], axis=1)
        ms, sels = [], []
        for _ in range(3):
            m = jnp.min(dp, axis=1, keepdims=True)
            sel = jnp.min(jnp.where(dp == m, ip, jnp.int32(1 << 30)),
                          axis=1, keepdims=True)
            ms.append(m)
            sels.append(sel)
            dp = jnp.where(ip == sel, jnp.float32(jnp.inf), dp)
        nrow = t.shape[0]
        d_s[...] = jnp.concatenate(
            ms + [jnp.full((nrow, 5), jnp.inf, jnp.float32)], axis=1)
        i_s[...] = jnp.concatenate(
            sels + [jnp.zeros((nrow, 5), jnp.int32)], axis=1)

    @pl.when(j == ncmax - 1)
    def _fin():
        dv = d_s[...]
        iv = i_s[...]
        ws = [1.0 / jnp.maximum(dv[:, jj:jj + 1], 1e-16) for jj in range(3)]
        tot = ws[0] + ws[1] + ws[2]
        for jj in range(3):
            out_refs[jj][...] = iv[:, jj:jj + 1]
            out_refs[3 + jj][...] = ws[jj] / tot


def _knn_seg(tpos, spos, sbatch, tb, sc):
    n_tgt = tpos.shape[0]
    n_src = spos.shape[1]
    nb = n_tgt // tb
    ncmax = n_src // sc
    outs = ([jax.ShapeDtypeStruct((n_tgt, 1), jnp.int32)] * 3
            + [jax.ShapeDtypeStruct((n_tgt, 1), jnp.float32)] * 3)
    res = pl.pallas_call(
        functools.partial(_knn_seg_body, ncmax=ncmax, sc=sc),
        grid=(nb, ncmax),
        in_specs=[
            pl.BlockSpec((tb, 8), lambda i, j: (i, 0)),
            pl.BlockSpec((8, sc), lambda i, j: (0, j)),
            pl.BlockSpec((8, sc), lambda i, j: (0, j)),
        ],
        out_specs=[pl.BlockSpec((tb, 1), lambda i, j: (i, 0))] * 6,
        out_shape=outs,
        scratch_shapes=[
            pltpu.VMEM((tb, 8), jnp.float32),
            pltpu.VMEM((tb, 8), jnp.int32),
        ],
    )(tpos, spos, sbatch)
    return [r.reshape(n_tgt) for r in res]


def _tgt_pos(pos, batch):
    n = pos.shape[0]
    b = batch.astype(jnp.float32).reshape(n, 1)
    z = jnp.zeros((n, 4), jnp.float32)
    return jnp.concatenate([pos, b, z], axis=1)


def _src_pos(pos, batch):
    n = pos.shape[0]
    z = jnp.zeros((n, 5), jnp.float32)
    sp = jnp.concatenate([pos, z], axis=1).T
    sb = jnp.broadcast_to(batch.astype(jnp.float32).reshape(1, n), (8, n))
    return sp, sb



def _gather_body(x_hbm, *refs, k, bpw, chunk):
    idx_hbms = refs[:k]
    out_hbms = refs[k:2 * k]
    idx_v, rows_v, sem = refs[2 * k:]
    wid = lax.axis_index("s") * 2 + lax.axis_index("c")
    base = wid * bpw
    for j in range(k):
        pltpu.sync_copy(idx_hbms[j].at[pl.ds(base, bpw)], idx_v)
        for c in range(0, bpw, chunk):
            if bpw == chunk:
                src = x_hbm.at[idx_v]
            else:
                src = x_hbm.at[idx_v.at[pl.ds(c, chunk)]]
            pltpu.async_copy(src, rows_v, sem).wait()
            pltpu.sync_copy(rows_v, out_hbms[j].at[pl.ds(base + c, chunk)])


def _gather_rows(x_src, idxs):
    n_src, ch = x_src.shape
    n_tgt = idxs[0].shape[0]
    k = len(idxs)
    bpw = n_tgt // _NUM_WORKERS
    chunk = min(bpw, 128)
    mesh = plsc.VectorSubcoreMesh(core_axis_name="c", subcore_axis_name="s")
    fn = pl.kernel(
        functools.partial(_gather_body, k=k, bpw=bpw, chunk=chunk),
        out_type=[jax.ShapeDtypeStruct((n_tgt, ch), jnp.float32)] * k,
        mesh=mesh,
        scratch_types=[
            pltpu.VMEM((bpw,), jnp.int32),
            pltpu.VMEM((chunk, ch), jnp.float32),
            pltpu.SemaphoreType.DMA,
        ],
    )
    return fn(x_src, *idxs)



def _mlp_body(w1a_ref, w1b_ref, b1_ref, w2_ref, b2_ref, skip_ref, *refs, k):
    bufs = refs[:k]
    ws = refs[k:2 * k - 1] if k == 1 else refs[k:2 * k]
    out_ref = refs[-1]
    acc = bufs[0][...] if k == 1 else ws[0][...] * bufs[0][...]
    for j in range(1, k):
        acc = acc + ws[j][...] * bufs[j][...]
    h = (jnp.dot(acc, w1a_ref[...], preferred_element_type=jnp.float32)
         + jnp.dot(skip_ref[...], w1b_ref[...],
                   preferred_element_type=jnp.float32)
         + b1_ref[...])
    h = jnp.maximum(h, 0.0)
    out_ref[...] = (jnp.dot(h, w2_ref[...], preferred_element_type=jnp.float32)
                    + b2_ref[...])


def _mlp(bufs, ws, skip, W1, b1, W2, b2, rb):
    n, cin = bufs[0].shape
    cskip = skip.shape[1]
    f2 = W1.shape[1]
    f3 = W2.shape[1]
    k = len(bufs)
    W1a = W1[:cin]
    W1b = W1[cin:]
    if cskip % 8 != 0:
        pad = 8 - cskip % 8
        skip = jnp.concatenate([skip, jnp.zeros((n, pad), jnp.float32)], 1)
        W1b = jnp.concatenate([W1b, jnp.zeros((pad, f2), jnp.float32)], 0)
        cskip += pad
    grid = n // rb
    fixed = lambda i: (0, 0)
    row = lambda i: (i, 0)
    in_specs = [
        pl.BlockSpec((cin, f2), fixed),
        pl.BlockSpec((cskip, f2), fixed),
        pl.BlockSpec((1, f2), fixed),
        pl.BlockSpec((f2, f3), fixed),
        pl.BlockSpec((1, f3), fixed),
        pl.BlockSpec((rb, cskip), row),
    ]
    in_specs += [pl.BlockSpec((rb, cin), row)] * k
    in_specs += [pl.BlockSpec((rb, 1), row)] * len(ws)
    args = [W1a, W1b, b1.reshape(1, f2), W2, b2.reshape(1, f3), skip]
    args += list(bufs)
    args += [w.reshape(n, 1) for w in ws]
    return pl.pallas_call(
        functools.partial(_mlp_body, k=k),
        grid=(grid,),
        in_specs=in_specs,
        out_specs=pl.BlockSpec((rb, f3), row),
        out_shape=jax.ShapeDtypeStruct((n, f3), jnp.float32),
    )(*args)



def kernel(sa0_x, sa0_pos, sa0_batch, sa1_x, sa1_pos, sa1_batch, sa2_x,
           sa2_pos, sa2_batch, sa3_x, sa3_pos, sa3_batch, sa4_x, sa4_pos,
           sa4_batch, fp4_W1, fp4_b1, fp4_W2, fp4_b2, fp3_W1, fp3_b1,
           fp3_W2, fp3_b2, fp2_W1, fp2_b1, fp2_W2, fp2_b2, fp1_W1, fp1_b1,
           fp1_W2, fp1_b2):
    t0 = _tgt_pos(sa0_pos, sa0_batch)
    t1 = _tgt_pos(sa1_pos, sa1_batch)
    t2 = _tgt_pos(sa2_pos, sa2_batch)
    t3 = _tgt_pos(sa3_pos, sa3_batch)
    s1p, s1b = _src_pos(sa1_pos, sa1_batch)
    s2p, s2b = _src_pos(sa2_pos, sa2_batch)
    s3p, s3b = _src_pos(sa3_pos, sa3_batch)
    s4p, s4b = _src_pos(sa4_pos, sa4_batch)

    knn4 = _knn(t3, s4p, s4b, k=1, tb=256)
    knn3 = _knn(t2, s3p, s3b, k=3, tb=1024)
    knn2 = _knn(t1, s2p, s2b, k=3, tb=512)
    knn1 = _knn_seg(t0, s1p, s1b, tb=1024, sc=1024)

    (buf,) = _gather_rows(sa4_x, knn4[:1])
    x = _mlp([buf], [], sa3_x, fp4_W1, fp4_b1, fp4_W2, fp4_b2, rb=256)

    bufs = _gather_rows(x, knn3[:3])
    x = _mlp(bufs, knn3[3:], sa2_x, fp3_W1, fp3_b1, fp3_W2, fp3_b2, rb=1024)

    bufs = _gather_rows(x, knn2[:3])
    x = _mlp(bufs, knn2[3:], sa1_x, fp2_W1, fp2_b1, fp2_W2, fp2_b2, rb=2048)

    bufs = _gather_rows(x, knn1[:3])
    x = _mlp(bufs, knn1[3:], sa0_x, fp1_W1, fp1_b1, fp1_W2, fp1_b2, rb=2048)

    return (x, sa0_pos, sa0_batch)

# --- scband reference (transcript-rebuilt; emitter-appended) ---
"""Pipeline reference for scband-point-net-ppdecoder-80272938762726 (READ-ONLY COPY).

The authoritative reference and input builder live on the scoring server;
editing this copy changes nothing except your own understanding.
"""

import jax, jax.numpy as jnp
import numpy as np

N0, N1, N2, N3, N4, B = 16384, 4096, 1024, 256, 64, 4

def _lin(k, fi, fo):
    k1, k2 = jax.random.split(k)
    W = jax.random.normal(k1, (fi, fo), jnp.float32) * (1.0 / np.sqrt(fi))
    b = jax.random.normal(k2, (fo,), jnp.float32) * 0.01
    return W, b

def pairwise_d2(a, b):
    d2 = jnp.sum(a * a, axis=1)[:, None] + jnp.sum(b * b, axis=1)[None, :] - 2.0 * (a @ b.T)
    return jnp.maximum(d2, 0.0)

def knn_interpolate(x, pos, pos_skip, batch, batch_skip, k):
    d2 = pairwise_d2(pos_skip, pos)
    mask = batch_skip[:, None] != batch[None, :]
    d2 = jnp.where(mask, jnp.inf, d2)
    vals, idx = jax.lax.top_k(-d2, k)
    d2k = -vals
    w = 1.0 / jnp.maximum(d2k, 1e-16)
    w = w / jnp.sum(w, axis=1, keepdims=True)
    return jnp.sum(x[idx] * w[..., None], axis=1)

def mlp2(x, W1, b1, W2, b2):
    h = jnp.maximum(x @ W1 + b1, 0.0)
    return h @ W2 + b2

def setup_inputs(seed: int = 0):
    key = jax.random.key(seed)
    ks = jax.random.split(key, 40)
    inp = {}
    dims = {0: (N0, 3), 1: (N1, 64), 2: (N2, 128), 3: (N3, 256), 4: (N4, 512)}
    i = 0
    for lvl, (n, c) in dims.items():
        inp['sa%d_x' % lvl] = jax.random.normal(ks[i], (n, c), jnp.float32); i += 1
        inp['sa%d_pos' % lvl] = jax.random.normal(ks[i], (n, 3), jnp.float32); i += 1
        inp['sa%d_batch' % lvl] = jnp.sort(jax.random.randint(ks[i], (n,), 0, B)); i += 1
    for name, (f1, f2, f3) in [('fp4', (768, 256, 256)), ('fp3', (384, 256, 256)), ('fp2', (320, 256, 128)), ('fp1', (131, 128, 256))]:
        W1, b1 = _lin(ks[i], f1, f2); i += 1
        W2, b2 = _lin(ks[i], f2, f3); i += 1
        inp[name + '_W1'], inp[name + '_b1'] = W1, b1
        inp[name + '_W2'], inp[name + '_b2'] = W2, b2
    return inp

def reference(sa0_x, sa0_pos, sa0_batch, sa1_x, sa1_pos, sa1_batch, sa2_x, sa2_pos, sa2_batch, sa3_x, sa3_pos, sa3_batch, sa4_x, sa4_pos, sa4_batch, fp4_W1, fp4_b1, fp4_W2, fp4_b2, fp3_W1, fp3_b1, fp3_W2, fp3_b2, fp2_W1, fp2_b1, fp2_W2, fp2_b2, fp1_W1, fp1_b1, fp1_W2, fp1_b2):
    x = knn_interpolate(sa4_x, sa4_pos, sa3_pos, sa4_batch, sa3_batch, 1)
    x = mlp2(jnp.concatenate([x, sa3_x], axis=1), fp4_W1, fp4_b1, fp4_W2, fp4_b2)
    x = knn_interpolate(x, sa3_pos, sa2_pos, sa3_batch, sa2_batch, 3)
    x = mlp2(jnp.concatenate([x, sa2_x], axis=1), fp3_W1, fp3_b1, fp3_W2, fp3_b2)
    x = knn_interpolate(x, sa2_pos, sa1_pos, sa2_batch, sa1_batch, 3)
    x = mlp2(jnp.concatenate([x, sa1_x], axis=1), fp2_W1, fp2_b1, fp2_W2, fp2_b2)
    x = knn_interpolate(x, sa1_pos, sa0_pos, sa1_batch, sa0_batch, 3)
    x = mlp2(jnp.concatenate([x, sa0_x], axis=1), fp1_W1, fp1_b1, fp1_W2, fp1_b2)
    return (x, sa0_pos, sa0_batch)

if __name__ == "__main__":
    import jax
    _d = setup_inputs()
    print(jax.jit(kernel)(*tuple(_d.values())))

</pallas_src>

<mosaic_0001>
#map = affine_map<(d0, d1) -> (0, 0)>
#map1 = affine_map<(d0, d1) -> (0)>
module attributes {stable_mosaic.version = 14 : i64} {
  func.func @_gather_body(%arg0: i32, %arg1: i32, %arg2: memref<1024x256xf32, #tpu.memory_space<hbm>>, %arg3: memref<4096xi32, #tpu.memory_space<hbm>>, %arg4: memref<4096xi32, #tpu.memory_space<hbm>>, %arg5: memref<4096xi32, #tpu.memory_space<hbm>>, %arg6: memref<4096x256xf32, #tpu.memory_space<hbm>>, %arg7: memref<4096x256xf32, #tpu.memory_space<hbm>>, %arg8: memref<4096x256xf32, #tpu.memory_space<hbm>>, %arg9: memref<128xi32, #tpu.memory_space<vmem>>, %arg10: memref<128x256xf32, #tpu.memory_space<vmem>>, %arg11: memref<!tpu.dma_semaphore, #tpu.memory_space<semaphore_mem>>) attributes {dimension_semantics = [#tpu.dimension_semantics<core_parallel>, #tpu.dimension_semantics<subcore_parallel>], iteration_bounds = array<i64: 2, 16>, scalar_prefetch = 0 : i64, scratch_operands = 3 : i64, tpu.core_type = #tpu.core_type<sc_vector_subcore>, window_params = [{transform_indices = #map}, {transform_indices = #map1}, {transform_indices = #map1}, {transform_indices = #map1}, {transform_indices = #map}, {transform_indices = #map}, {transform_indices = #map}]} {
    %mul3A = arith.constant 2 : i32
    %mul3A_0 = arith.muli %arg1, %mul3A : i32
    %add3A = arith.addi %mul3A_0, %arg0 : i32
    %mul3A_1 = arith.constant 128 : i32
    %mul3A_2 = arith.muli %add3A, %mul3A_1 : i32
    "tpu.region"() ({
      %run_scoped3A = tpu.sem_alloc : memref<!tpu.dma_semaphore, #tpu.memory_space<semaphore_mem>>
      %dma_start3A_25 = tpu.memref_slice %arg3[%mul3A_2] : memref<4096xi32, #tpu.memory_space<hbm>> -> memref<128xi32, #tpu.memory_space<hbm>>
      %dma_start3A_26 = tpu.memref_slice %arg3[%mul3A_2] : memref<4096xi32, #tpu.memory_space<hbm>> -> memref<128xi32, #tpu.memory_space<hbm>>
      tpu.enqueue_dma source(%dma_start3A_26 : memref<128xi32, #tpu.memory_space<hbm>>) target(%arg9 : memref<128xi32, #tpu.memory_space<vmem>>) target_semaphore(%run_scoped3A : memref<!tpu.dma_semaphore, #tpu.memory_space<semaphore_mem>>)
      %dma_wait3A_27 = tpu.memref_slice %arg3[%mul3A_2] : memref<4096xi32, #tpu.memory_space<hbm>> -> memref<128xi32, #tpu.memory_space<hbm>>
      %dma_wait3A_28 = tpu.memref_slice %arg3[%mul3A_2] : memref<4096xi32, #tpu.memory_space<hbm>> -> memref<128xi32, #tpu.memory_space<hbm>>
      tpu.wait_dma2 semaphore(%run_scoped3A : memref<!tpu.dma_semaphore, #tpu.memory_space<semaphore_mem>>) src(%dma_wait3A_28 : memref<128xi32, #tpu.memory_space<hbm>>) dst(%arg9 : memref<128xi32, #tpu.memory_space<vmem>>)
      tpu.yield
    }) : () -> ()
    %dma_start3A = arith.constant 0 : i32
    %dma_start3A_3 = arith.constant 0 : i32
    %dma_start3A_4 = tpu.memref_slice %arg2[%dma_start3A, %dma_start3A_3] : memref<1024x256xf32, #tpu.memory_space<hbm>> -> memref<1024x256xf32, #tpu.memory_space<hbm>>
    tpu.enqueue_indirect_dma source(%dma_start3A_4 : memref<1024x256xf32, #tpu.memory_space<hbm>>) target(%arg10 : memref<128x256xf32, #tpu.memory_space<vmem>>) offsets(%arg9 : memref<128xi32, #tpu.memory_space<vmem>>) semaphore(%arg11 : memref<!tpu.dma_semaphore, #tpu.memory_space<semaphore_mem>>)
    %dma_wait3A = arith.constant 0 : i32
    %dma_wait3A_5 = arith.constant 0 : i32
    %dma_wait3A_6 = tpu.memref_slice %arg2[%dma_wait3A, %dma_wait3A_5] : memref<1024x256xf32, #tpu.memory_space<hbm>> -> memref<1024x256xf32, #tpu.memory_space<hbm>>
    tpu.wait_indirect_dma semaphore(%arg11 : memref<!tpu.dma_semaphore, #tpu.memory_space<semaphore_mem>>) src(%dma_wait3A_6 : memref<1024x256xf32, #tpu.memory_space<hbm>>) dst(%arg10 : memref<128x256xf32, #tpu.memory_space<vmem>>)
    %add3A_7 = arith.constant 0 : i32
    %add3A_8 = arith.addi %mul3A_2, %add3A_7 : i32
    "tpu.region"() ({
      %run_scoped3A = tpu.sem_alloc : memref<!tpu.dma_semaphore, #tpu.memory_space<semaphore_mem>>
      %dma_start3A_25 = arith.constant 0 : i32
      %dma_start3A_26 = tpu.memref_slice %arg6[%add3A_8, %dma_start3A_25] : memref<4096x256xf32, #tpu.memory_space<hbm>> -> memref<128x256xf32, #tpu.memory_space<hbm>>
      %dma_start3A_27 = arith.constant 0 : i32
      %dma_start3A_28 = tpu.memref_slice %arg6[%add3A_8, %dma_start3A_27] : memref<4096x256xf32, #tpu.memory_space<hbm>> -> memref<128x256xf32, #tpu.memory_space<hbm>>
      tpu.enqueue_dma source(%arg10 : memref<128x256xf32, #tpu.memory_space<vmem>>) target(%dma_start3A_28 : memref<128x256xf32, #tpu.memory_space<hbm>>) target_semaphore(%run_scoped3A : memref<!tpu.dma_semaphore, #tpu.memory_space<semaphore_mem>>)
      %dma_wait3A_29 = arith.constant 0 : i32
      %dma_wait3A_30 = tpu.memref_slice %arg6[%add3A_8, %dma_wait3A_29] : memref<4096x256xf32, #tpu.memory_space<hbm>> -> memref<128x256xf32, #tpu.memory_space<hbm>>
      %dma_wait3A_31 = arith.constant 0 : i32
      %dma_wait3A_32 = tpu.memref_slice %arg6[%add3A_8, %dma_wait3A_31] : memref<4096x256xf32, #tpu.memory_space<hbm>> -> memref<128x256xf32, #tpu.memory_space<hbm>>
      tpu.wait_dma2 semaphore(%run_scoped3A : memref<!tpu.dma_semaphore, #tpu.memory_space<semaphore_mem>>) src(%arg10 : memref<128x256xf32, #tpu.memory_space<vmem>>) dst(%dma_wait3A_32 : memref<128x256xf32, #tpu.memory_space<hbm>>)
      tpu.yield
    }) : () -> ()
    "tpu.region"() ({
      %run_scoped3A = tpu.sem_alloc : memref<!tpu.dma_semaphore, #tpu.memory_space<semaphore_mem>>
      %dma_start3A_25 = tpu.memref_slice %arg4[%mul3A_2] : memref<4096xi32, #tpu.memory_space<hbm>> -> memref<128xi32, #tpu.memory_space<hbm>>
      %dma_start3A_26 = tpu.memref_slice %arg4[%mul3A_2] : memref<4096xi32, #tpu.memory_space<hbm>> -> memref<128xi32, #tpu.memory_space<hbm>>
      tpu.enqueue_dma source(%dma_start3A_26 : memref<128xi32, #tpu.memory_space<hbm>>) target(%arg9 : memref<128xi32, #tpu.memory_space<vmem>>) target_semaphore(%run_scoped3A : memref<!tpu.dma_semaphore, #tpu.memory_space<semaphore_mem>>)
      %dma_wait3A_27 = tpu.memref_slice %arg4[%mul3A_2] : memref<4096xi32, #tpu.memory_space<hbm>> -> memref<128xi32, #tpu.memory_space<hbm>>
      %dma_wait3A_28 = tpu.memref_slice %arg4[%mul3A_2] : memref<4096xi32, #tpu.memory_space<hbm>> -> memref<128xi32, #tpu.memory_space<hbm>>
      tpu.wait_dma2 semaphore(%run_scoped3A : memref<!tpu.dma_semaphore, #tpu.memory_space<semaphore_mem>>) src(%dma_wait3A_28 : memref<128xi32, #tpu.memory_space<hbm>>) dst(%arg9 : memref<128xi32, #tpu.memory_space<vmem>>)
      tpu.yield
    }) : () -> ()
    %dma_start3A_9 = arith.constant 0 : i32
    %dma_start3A_10 = arith.constant 0 : i32
    %dma_start3A_11 = tpu.memref_slice %arg2[%dma_start3A_9, %dma_start3A_10] : memref<1024x256xf32, #tpu.memory_space<hbm>> -> memref<1024x256xf32, #tpu.memory_space<hbm>>
    tpu.enqueue_indirect_dma source(%dma_start3A_11 : memref<1024x256xf32, #tpu.memory_space<hbm>>) target(%arg10 : memref<128x256xf32, #tpu.memory_space<vmem>>) offsets(%arg9 : memref<128xi32, #tpu.memory_space<vmem>>) semaphore(%arg11 : memref<!tpu.dma_semaphore, #tpu.memory_space<semaphore_mem>>)
    %dma_wait3A_12 = arith.constant 0 : i32
    %dma_wait3A_13 = arith.constant 0 : i32
    %dma_wait3A_14 = tpu.memref_slice %arg2[%dma_wait3A_12, %dma_wait3A_13] : memref<1024x256xf32, #tpu.memory_space<hbm>> -> memref<1024x256xf32, #tpu.memory_space<hbm>>
    tpu.wait_indirect_dma semaphore(%arg11 : memref<!tpu.dma_semaphore, #tpu.memory_space<semaphore_mem>>) src(%dma_wait3A_14 : memref<1024x256xf32, #tpu.memory_space<hbm>>) dst(%arg10 : memref<128x256xf32, #tpu.memory_space<vmem>>)
    %add3A_15 = arith.constant 0 : i32
    %add3A_16 = arith.addi %mul3A_2, %add3A_15 : i32
    "tpu.region"() ({
      %run_scoped3A = tpu.sem_alloc : memref<!tpu.dma_semaphore, #tpu.memory_space<semaphore_mem>>
      %dma_start3A_25 = arith.constant 0 : i32
      %dma_start3A_26 = tpu.memref_slice %arg7[%add3A_16, %dma_start3A_25] : memref<4096x256xf32, #tpu.memory_space<hbm>> -> memref<128x256xf32, #tpu.memory_space<hbm>>
      %dma_start3A_27 = arith.constant 0 : i32
      %dma_start3A_28 = tpu.memref_slice %arg7[%add3A_16, %dma_start3A_27] : memref<4096x256xf32, #tpu.memory_space<hbm>> -> memref<128x256xf32, #tpu.memory_space<hbm>>
      tpu.enqueue_dma source(%arg10 : memref<128x256xf32, #tpu.memory_space<vmem>>) target(%dma_start3A_28 : memref<128x256xf32, #tpu.memory_space<hbm>>) target_semaphore(%run_scoped3A : memref<!tpu.dma_semaphore, #tpu.memory_space<semaphore_mem>>)
      %dma_wait3A_29 = arith.constant 0 : i32
      %dma_wait3A_30 = tpu.memref_slice %arg7[%add3A_16, %dma_wait3A_29] : memref<4096x256xf32, #tpu.memory_space<hbm>> -> memref<128x256xf32, #tpu.memory_space<hbm>>
      %dma_wait3A_31 = arith.constant 0 : i32
      %dma_wait3A_32 = tpu.memref_slice %arg7[%add3A_16, %dma_wait3A_31] : memref<4096x256xf32, #tpu.memory_space<hbm>> -> memref<128x256xf32, #tpu.memory_space<hbm>>
      tpu.wait_dma2 semaphore(%run_scoped3A : memref<!tpu.dma_semaphore, #tpu.memory_space<semaphore_mem>>) src(%arg10 : memref<128x256xf32, #tpu.memory_space<vmem>>) dst(%dma_wait3A_32 : memref<128x256xf32, #tpu.memory_space<hbm>>)
      tpu.yield
    }) : () -> ()
    "tpu.region"() ({
      %run_scoped3A = tpu.sem_alloc : memref<!tpu.dma_semaphore, #tpu.memory_space<semaphore_mem>>
      %dma_start3A_25 = tpu.memref_slice %arg5[%mul3A_2] : memref<4096xi32, #tpu.memory_space<hbm>> -> memref<128xi32, #tpu.memory_space<hbm>>
      %dma_start3A_26 = tpu.memref_slice %arg5[%mul3A_2] : memref<4096xi32, #tpu.memory_space<hbm>> -> memref<128xi32, #tpu.memory_space<hbm>>
      tpu.enqueue_dma source(%dma_start3A_26 : memref<128xi32, #tpu.memory_space<hbm>>) target(%arg9 : memref<128xi32, #tpu.memory_space<vmem>>) target_semaphore(%run_scoped3A : memref<!tpu.dma_semaphore, #tpu.memory_space<semaphore_mem>>)
      %dma_wait3A_27 = tpu.memref_slice %arg5[%mul3A_2] : memref<4096xi32, #tpu.memory_space<hbm>> -> memref<128xi32, #tpu.memory_space<hbm>>
      %dma_wait3A_28 = tpu.memref_slice %arg5[%mul3A_2] : memref<4096xi32, #tpu.memory_space<hbm>> -> memref<128xi32, #tpu.memory_space<hbm>>
      tpu.wait_dma2 semaphore(%run_scoped3A : memref<!tpu.dma_semaphore, #tpu.memory_space<semaphore_mem>>) src(%dma_wait3A_28 : memref<128xi32, #tpu.memory_space<hbm>>) dst(%arg9 : memref<128xi32, #tpu.memory_space<vmem>>)
      tpu.yield
    }) : () -> ()
    %dma_start3A_17 = arith.constant 0 : i32
    %dma_start3A_18 = arith.constant 0 : i32
    %dma_start3A_19 = tpu.memref_slice %arg2[%dma_start3A_17, %dma_start3A_18] : memref<1024x256xf32, #tpu.memory_space<hbm>> -> memref<1024x256xf32, #tpu.memory_space<hbm>>
    tpu.enqueue_indirect_dma source(%dma_start3A_19 : memref<1024x256xf32, #tpu.memory_space<hbm>>) target(%arg10 : memref<128x256xf32, #tpu.memory_space<vmem>>) offsets(%arg9 : memref<128xi32, #tpu.memory_space<vmem>>) semaphore(%arg11 : memref<!tpu.dma_semaphore, #tpu.memory_space<semaphore_mem>>)
    %dma_wait3A_20 = arith.constant 0 : i32
    %dma_wait3A_21 = arith.constant 0 : i32
    %dma_wait3A_22 = tpu.memref_slice %arg2[%dma_wait3A_20, %dma_wait3A_21] : memref<1024x256xf32, #tpu.memory_space<hbm>> -> memref<1024x256xf32, #tpu.memory_space<hbm>>
    tpu.wait_indirect_dma semaphore(%arg11 : memref<!tpu.dma_semaphore, #tpu.memory_space<semaphore_mem>>) src(%dma_wait3A_22 : memref<1024x256xf32, #tpu.memory_space<hbm>>) dst(%arg10 : memref<128x256xf32, #tpu.memory_space<vmem>>)
    %add3A_23 = arith.constant 0 : i32
    %add3A_24 = arith.addi %mul3A_2, %add3A_23 : i32
    "tpu.region"() ({
      %run_scoped3A = tpu.sem_alloc : memref<!tpu.dma_semaphore, #tpu.memory_space<semaphore_mem>>
      %dma_start3A_25 = arith.constant 0 : i32
      %dma_start3A_26 = tpu.memref_slice %arg8[%add3A_24, %dma_start3A_25] : memref<4096x256xf32, #tpu.memory_space<hbm>> -> memref<128x256xf32, #tpu.memory_space<hbm>>
      %dma_start3A_27 = arith.constant 0 : i32
      %dma_start3A_28 = tpu.memref_slice %arg8[%add3A_24, %dma_start3A_27] : memref<4096x256xf32, #tpu.memory_space<hbm>> -> memref<128x256xf32, #tpu.memory_space<hbm>>
      tpu.enqueue_dma source(%arg10 : memref<128x256xf32, #tpu.memory_space<vmem>>) target(%dma_start3A_28 : memref<128x256xf32, #tpu.memory_space<hbm>>) target_semaphore(%run_scoped3A : memref<!tpu.dma_semaphore, #tpu.memory_space<semaphore_mem>>)
      %dma_wait3A_29 = arith.constant 0 : i32
      %dma_wait3A_30 = tpu.memref_slice %arg8[%add3A_24, %dma_wait3A_29] : memref<4096x256xf32, #tpu.memory_space<hbm>> -> memref<128x256xf32, #tpu.memory_space<hbm>>
      %dma_wait3A_31 = arith.constant 0 : i32
      %dma_wait3A_32 = tpu.memref_slice %arg8[%add3A_24, %dma_wait3A_31] : memref<4096x256xf32, #tpu.memory_space<hbm>> -> memref<128x256xf32, #tpu.memory_space<hbm>>
      tpu.wait_dma2 semaphore(%run_scoped3A : memref<!tpu.dma_semaphore, #tpu.memory_space<semaphore_mem>>) src(%arg10 : memref<128x256xf32, #tpu.memory_space<vmem>>) dst(%dma_wait3A_32 : memref<128x256xf32, #tpu.memory_space<hbm>>)
      tpu.yield
    }) : () -> ()
    return
  }
}

#map = affine_map<(d0, d1) -> (0, 0)>
#map1 = affine_map<(d0, d1) -> (0)>
module attributes {stable_mosaic.version = 14 : i64} {
  func.func @_gather_body(%arg0: i32, %arg1: i32, %arg2: memref<64x512xf32, #tpu.memory_space<hbm>>, %arg3: memref<256xi32, #tpu.memory_space<hbm>>, %arg4: memref<256x512xf32, #tpu.memory_space<hbm>>, %arg5: memref<8xi32, #tpu.memory_space<vmem>>, %arg6: memref<8x512xf32, #tpu.memory_space<vmem>>, %arg7: memref<!tpu.dma_semaphore, #tpu.memory_space<semaphore_mem>>) attributes {dimension_semantics = [#tpu.dimension_semantics<core_parallel>, #tpu.dimension_semantics<subcore_parallel>], iteration_bounds = array<i64: 2, 16>, scalar_prefetch = 0 : i64, scratch_operands = 3 : i64, tpu.core_type = #tpu.core_type<sc_vector_subcore>, window_params = [{transform_indices = #map}, {transform_indices = #map1}, {transform_indices = #map}]} {
    %mul3A = arith.constant 2 : i32
    %mul3A_0 = arith.muli %arg1, %mul3A : i32
    %add3A = arith.addi %mul3A_0, %arg0 : i32
    %mul3A_1 = arith.constant 8 : i32
    %mul3A_2 = arith.muli %add3A, %mul3A_1 : i32
    "tpu.region"() ({
      %run_scoped3A = tpu.sem_alloc : memref<!tpu.dma_semaphore, #tpu.memory_space<semaphore_mem>>
      %dma_start3A_9 = tpu.memref_slice %arg3[%mul3A_2] : memref<256xi32, #tpu.memory_space<hbm>> -> memref<8xi32, #tpu.memory_space<hbm>>
      %dma_start3A_10 = tpu.memref_slice %arg3[%mul3A_2] : memref<256xi32, #tpu.memory_space<hbm>> -> memref<8xi32, #tpu.memory_space<hbm>>
      tpu.enqueue_dma source(%dma_start3A_10 : memref<8xi32, #tpu.memory_space<hbm>>) target(%arg5 : memref<8xi32, #tpu.memory_space<vmem>>) target_semaphore(%run_scoped3A : memref<!tpu.dma_semaphore, #tpu.memory_space<semaphore_mem>>)
      %dma_wait3A_11 = tpu.memref_slice %arg3[%mul3A_2] : memref<256xi32, #tpu.memory_space<hbm>> -> memref<8xi32, #tpu.memory_space<hbm>>
      %dma_wait3A_12 = tpu.memref_slice %arg3[%mul3A_2] : memref<256xi32, #tpu.memory_space<hbm>> -> memref<8xi32, #tpu.memory_space<hbm>>
      tpu.wait_dma2 semaphore(%run_scoped3A : memref<!tpu.dma_semaphore, #tpu.memory_space<semaphore_mem>>) src(%dma_wait3A_12 : memref<8xi32, #tpu.memory_space<hbm>>) dst(%arg5 : memref<8xi32, #tpu.memory_space<vmem>>)
      tpu.yield
    }) : () -> ()
    %dma_start3A = arith.constant 0 : i32
    %dma_start3A_3 = arith.constant 0 : i32
    %dma_start3A_4 = tpu.memref_slice %arg2[%dma_start3A, %dma_start3A_3] : memref<64x512xf32, #tpu.memory_space<hbm>> -> memref<64x512xf32, #tpu.memory_space<hbm>>
    tpu.enqueue_indirect_dma source(%dma_start3A_4 : memref<64x512xf32, #tpu.memory_space<hbm>>) target(%arg6 : memref<8x512xf32, #tpu.memory_space<vmem>>) offsets(%arg5 : memref<8xi32, #tpu.memory_space<vmem>>) semaphore(%arg7 : memref<!tpu.dma_semaphore, #tpu.memory_space<semaphore_mem>>)
    %dma_wait3A = arith.constant 0 : i32
    %dma_wait3A_5 = arith.constant 0 : i32
    %dma_wait3A_6 = tpu.memref_slice %arg2[%dma_wait3A, %dma_wait3A_5] : memref<64x512xf32, #tpu.memory_space<hbm>> -> memref<64x512xf32, #tpu.memory_space<hbm>>
    tpu.wait_indirect_dma semaphore(%arg7 : memref<!tpu.dma_semaphore, #tpu.memory_space<semaphore_mem>>) src(%dma_wait3A_6 : memref<64x512xf32, #tpu.memory_space<hbm>>) dst(%arg6 : memref<8x512xf32, #tpu.memory_space<vmem>>)
    %add3A_7 = arith.constant 0 : i32
    %add3A_8 = arith.addi %mul3A_2, %add3A_7 : i32
    "tpu.region"() ({
      %run_scoped3A = tpu.sem_alloc : memref<!tpu.dma_semaphore, #tpu.memory_space<semaphore_mem>>
      %dma_start3A_9 = arith.constant 0 : i32
      %dma_start3A_10 = tpu.memref_slice %arg4[%add3A_8, %dma_start3A_9] : memref<256x512xf32, #tpu.memory_space<hbm>> -> memref<8x512xf32, #tpu.memory_space<hbm>>
      %dma_start3A_11 = arith.constant 0 : i32
      %dma_start3A_12 = tpu.memref_slice %arg4[%add3A_8, %dma_start3A_11] : memref<256x512xf32, #tpu.memory_space<hbm>> -> memref<8x512xf32, #tpu.memory_space<hbm>>
      tpu.enqueue_dma source(%arg6 : memref<8x512xf32, #tpu.memory_space<vmem>>) target(%dma_start3A_12 : memref<8x512xf32, #tpu.memory_space<hbm>>) target_semaphore(%run_scoped3A : memref<!tpu.dma_semaphore, #tpu.memory_space<semaphore_mem>>)
      %dma_wait3A_13 = arith.constant 0 : i32
      %dma_wait3A_14 = tpu.memref_slice %arg4[%add3A_8, %dma_wait3A_13] : memref<256x512xf32, #tpu.memory_space<hbm>> -> memref<8x512xf32, #tpu.memory_space<hbm>>
      %dma_wait3A_15 = arith.constant 0 : i32
      %dma_wait3A_16 = tpu.memref_slice %arg4[%add3A_8, %dma_wait3A_15] : memref<256x512xf32, #tpu.memory_space<hbm>> -> memref<8x512xf32, #tpu.memory_space<hbm>>
      tpu.wait_dma2 semaphore(%run_scoped3A : memref<!tpu.dma_semaphore, #tpu.memory_space<semaphore_mem>>) src(%arg6 : memref<8x512xf32, #tpu.memory_space<vmem>>) dst(%dma_wait3A_16 : memref<8x512xf32, #tpu.memory_space<hbm>>)
      tpu.yield
    }) : () -> ()
    return
  }
}

#map = affine_map<(d0, d1) -> (0, 0)>
#map1 = affine_map<(d0, d1) -> (0)>
module attributes {stable_mosaic.version = 14 : i64} {
  func.func @_gather_body(%arg0: i32, %arg1: i32, %arg2: memref<4096x128xf32, #tpu.memory_space<hbm>>, %arg3: memref<16384xi32, #tpu.memory_space<hbm>>, %arg4: memref<16384xi32, #tpu.memory_space<hbm>>, %arg5: memref<16384xi32, #tpu.memory_space<hbm>>, %arg6: memref<16384x128xf32, #tpu.memory_space<hbm>>, %arg7: memref<16384x128xf32, #tpu.memory_space<hbm>>, %arg8: memref<16384x128xf32, #tpu.memory_space<hbm>>, %arg9: memref<512xi32, #tpu.memory_space<vmem>>, %arg10: memref<128x128xf32, #tpu.memory_space<vmem>>, %arg11: memref<!tpu.dma_semaphore, #tpu.memory_space<semaphore_mem>>) attributes {dimension_semantics = [#tpu.dimension_semantics<core_parallel>, #tpu.dimension_semantics<subcore_parallel>], iteration_bounds = array<i64: 2, 16>, scalar_prefetch = 0 : i64, scratch_operands = 3 : i64, tpu.core_type = #tpu.core_type<sc_vector_subcore>, window_params = [{transform_indices = #map}, {transform_indices = #map1}, {transform_indices = #map1}, {transform_indices = #map1}, {transform_indices = #map}, {transform_indices = #map}, {transform_indices = #map}]} {
    %mul3A = arith.constant 2 : i32
    %mul3A_0 = arith.muli %arg1, %mul3A : i32
    %add3A = arith.addi %mul3A_0, %arg0 : i32
    %mul3A_1 = arith.constant 512 : i32
    %mul3A_2 = arith.muli %add3A, %mul3A_1 : i32
    "tpu.region"() ({
      %run_scoped3A = tpu.sem_alloc : memref<!tpu.dma_semaphore, #tpu.memory_space<semaphore_mem>>
      %dma_start3A_145 = tpu.memref_slice %arg3[%mul3A_2] : memref<16384xi32, #tpu.memory_space<hbm>> -> memref<512xi32, #tpu.memory_space<hbm>>
      %dma_start3A_146 = tpu.memref_slice %arg3[%mul3A_2] : memref<16384xi32, #tpu.memory_space<hbm>> -> memref<512xi32, #tpu.memory_space<hbm>>
      tpu.enqueue_dma source(%dma_start3A_146 : memref<512xi32, #tpu.memory_space<hbm>>) target(%arg9 : memref<512xi32, #tpu.memory_space<vmem>>) target_semaphore(%run_scoped3A : memref<!tpu.dma_semaphore, #tpu.memory_space<semaphore_mem>>)
      %dma_wait3A_147 = tpu.memref_slice %arg3[%mul3A_2] : memref<16384xi32, #tpu.memory_space<hbm>> -> memref<512xi32, #tpu.memory_space<hbm>>
      %dma_wait3A_148 = tpu.memref_slice %arg3[%mul3A_2] : memref<16384xi32, #tpu.memory_space<hbm>> -> memref<512xi32, #tpu.memory_space<hbm>>
      tpu.wait_dma2 semaphore(%run_scoped3A : memref<!tpu.dma_semaphore, #tpu.memory_space<semaphore_mem>>) src(%dma_wait3A_148 : memref<512xi32, #tpu.memory_space<hbm>>) dst(%arg9 : memref<512xi32, #tpu.memory_space<vmem>>)
      tpu.yield
    }) : () -> ()
    %dma_start3A = arith.constant 0 : i32
    %dma_start3A_3 = tpu.memref_slice %arg9[%dma_start3A] : memref<512xi32, #tpu.memory_space<vmem>> -> memref<128xi32, #tpu.memory_space<vmem>>
    %dma_start3A_4 = arith.constant 0 : i32
    %dma_start3A_5 = arith.constant 0 : i32
    %dma_start3A_6 = tpu.memref_slice %arg2[%dma_start3A_4, %dma_start3A_5] : memref<4096x128xf32, #tpu.memory_space<hbm>> -> memref<4096x128xf32, #tpu.memory_space<hbm>>
    tpu.enqueue_indirect_dma source(%dma_start3A_6 : memref<4096x128xf32, #tpu.memory_space<hbm>>) target(%arg10 : memref<128x128xf32, #tpu.memory_space<vmem>>) offsets(%dma_start3A_3 : memref<128xi32, #tpu.memory_space<vmem>>) semaphore(%arg11 : memref<!tpu.dma_semaphore, #tpu.memory_space<semaphore_mem>>)
    %dma_wait3A = arith.constant 0 : i32
    %dma_wait3A_7 = tpu.memref_slice %arg9[%dma_wait3A] : memref<512xi32, #tpu.memory_space<vmem>> -> memref<128xi32, #tpu.memory_space<vmem>>
    %dma_wait3A_8 = arith.constant 0 : i32
    %dma_wait3A_9 = arith.constant 0 : i32
    %dma_wait3A_10 = tpu.memref_slice %arg2[%dma_wait3A_8, %dma_wait3A_9] : memref<4096x128xf32, #tpu.memory_space<hbm>> -> memref<4096x128xf32, #tpu.memory_space<hbm>>
    tpu.wait_indirect_dma semaphore(%arg11 : memref<!tpu.dma_semaphore, #tpu.memory_space<semaphore_mem>>) src(%dma_wait3A_10 : memref<4096x128xf32, #tpu.memory_space<hbm>>) dst(%arg10 : memref<128x128xf32, #tpu.memory_space<vmem>>)
    %add3A_11 = arith.constant 0 : i32
    %add3A_12 = arith.addi %mul3A_2, %add3A_11 : i32
    "tpu.region"() ({
      %run_scoped3A = tpu.sem_alloc : memref<!tpu.dma_semaphore, #tpu.memory_space<semaphore_mem>>
      %dma_start3A_145 = arith.constant 0 : i32
      %dma_start3A_146 = tpu.memref_slice %arg6[%add3A_12, %dma_start3A_145] : memref<16384x128xf32, #tpu.memory_space<hbm>> -> memref<128x128xf32, #tpu.memory_space<hbm>>
      %dma_start3A_147 = arith.constant 0 : i32
      %dma_start3A_148 = tpu.memref_slice %arg6[%add3A_12, %dma_start3A_147] : memref<16384x128xf32, #tpu.memory_space<hbm>> -> memref<128x128xf32, #tpu.memory_space<hbm>>
      tpu.enqueue_dma source(%arg10 : memref<128x128xf32, #tpu.memory_space<vmem>>) target(%dma_start3A_148 : memref<128x128xf32, #tpu.memory_space<hbm>>) target_semaphore(%run_scoped3A : memref<!tpu.dma_semaphore, #tpu.memory_space<semaphore_mem>>)
      %dma_wait3A_149 = arith.constant 0 : i32
      %dma_wait3A_150 = tpu.memref_slice %arg6[%add3A_12, %dma_wait3A_149] : memref<16384x128xf32, #tpu.memory_space<hbm>> -> memref<128x128xf32, #tpu.memory_space<hbm>>
      %dma_wait3A_151 = arith.constant 0 : i32
      %dma_wait3A_152 = tpu.memref_slice %arg6[%add3A_12, %dma_wait3A_151] : memref<16384x128xf32, #tpu.memory_space<hbm>> -> memref<128x128xf32, #tpu.memory_space<hbm>>
      tpu.wait_dma2 semaphore(%run_scoped3A : memref<!tpu.dma_semaphore, #tpu.memory_space<semaphore_mem>>) src(%arg10 : memref<128x128xf32, #tpu.memory_space<vmem>>) dst(%dma_wait3A_152 : memref<128x128xf32, #tpu.memory_space<hbm>>)
      tpu.yield
    }) : () -> ()
    %dma_start3A_13 = arith.constant 128 : i32
    %dma_start3A_14 = tpu.memref_slice %arg9[%dma_start3A_13] : memref<512xi32, #tpu.memory_space<vmem>> -> memref<128xi32, #tpu.memory_space<vmem>>
    %dma_start3A_15 = arith.constant 0 : i32
    %dma_start3A_16 = arith.constant 0 : i32
    %dma_start3A_17 = tpu.memref_slice %arg2[%dma_start3A_15, %dma_start3A_16] : memref<4096x128xf32, #tpu.memory_space<hbm>> -> memref<4096x128xf32, #tpu.memory_space<hbm>>
    tpu.enqueue_indirect_dma source(%dma_start3A_17 : memref<4096x128xf32, #tpu.memory_space<hbm>>) target(%arg10 : memref<128x128xf32, #tpu.memory_space<vmem>>) offsets(%dma_start3A_14 : memref<128xi32, #tpu.memory_space<vmem>>) semaphore(%arg11 : memref<!tpu.dma_semaphore, #tpu.memory_space<semaphore_mem>>)
    %dma_wait3A_18 = arith.constant 128 : i32
    %dma_wait3A_19 = tpu.memref_slice %arg9[%dma_wait3A_18] : memref<512xi32, #tpu.memory_space<vmem>> -> memref<128xi32, #tpu.memory_space<vmem>>
    %dma_wait3A_20 = arith.constant 0 : i32
    %dma_wait3A_21 = arith.constant 0 : i32
    %dma_wait3A_22 = tpu.memref_slice %arg2[%dma_wait3A_20, %dma_wait3A_21] : memref<4096x128xf32, #tpu.memory_space<hbm>> -> memref<4096x128xf32, #tpu.memory_space<hbm>>
    tpu.wait_indirect_dma semaphore(%arg11 : memref<!tpu.dma_semaphore, #tpu.memory_space<semaphore_mem>>) src(%dma_wait3A_22 : memref<4096x128xf32, #tpu.memory_space<hbm>>) dst(%arg10 : memref<128x128xf32, #tpu.memory_space<vmem>>)
    %add3A_23 = arith.constant 128 : i32
    %add3A_24 = arith.addi %mul3A_2, %add3A_23 : i32
    "tpu.region"() ({
      %run_scoped3A = tpu.sem_alloc : memref<!tpu.dma_semaphore, #tpu.memory_space<semaphore_mem>>
      %dma_start3A_145 = arith.constant 0 : i32
      %dma_start3A_146 = tpu.memref_slice %arg6[%add3A_24, %dma_start3A_145] : memref<16384x128xf32, #tpu.memory_space<hbm>> -> memref<128x128xf32, #tpu.memory_space<hbm>>
      %dma_start3A_147 = arith.constant 0 : i32
      %dma_start3A_148 = tpu.memref_slice %arg6[%add3A_24, %dma_start3A_147] : memref<16384x128xf32, #tpu.memory_space<hbm>> -> memref<128x128xf32, #tpu.memory_space<hbm>>
      tpu.enqueue_dma source(%arg10 : memref<128x128xf32, #tpu.memory_space<vmem>>) target(%dma_start3A_148 : memref<128x128xf32, #tpu.memory_space<hbm>>) target_semaphore(%run_scoped3A : memref<!tpu.dma_semaphore, #tpu.memory_space<semaphore_mem>>)
      %dma_wait3A_149 = arith.constant 0 : i32
      %dma_wait3A_150 = tpu.memref_slice %arg6[%add3A_24, %dma_wait3A_149] : memref<16384x128xf32, #tpu.memory_space<hbm>> -> memref<128x128xf32, #tpu.memory_space<hbm>>
      %dma_wait3A_151 = arith.constant 0 : i32
      %dma_wait3A_152 = tpu.memref_slice %arg6[%add3A_24, %dma_wait3A_151] : memref<16384x128xf32, #tpu.memory_space<hbm>> -> memref<128x128xf32, #tpu.memory_space<hbm>>
      tpu.wait_dma2 semaphore(%run_scoped3A : memref<!tpu.dma_semaphore, #tpu.memory_space<semaphore_mem>>) src(%arg10 : memref<128x128xf32, #tpu.memory_space<vmem>>) dst(%dma_wait3A_152 : memref<128x128xf32, #tpu.memory_space<hbm>>)
      tpu.yield
    }) : () -> ()
    %dma_start3A_25 = arith.constant 256 : i32
    %dma_start3A_26 = tpu.memref_slice %arg9[%dma_start3A_25] : memref<512xi32, #tpu.memory_space<vmem>> -> memref<128xi32, #tpu.memory_space<vmem>>
    %dma_start3A_27 = arith.constant 0 : i32
    %dma_start3A_28 = arith.constant 0 : i32
    %dma_start3A_29 = tpu.memref_slice %arg2[%dma_start3A_27, %dma_start3A_28] : memref<4096x128xf32, #tpu.memory_space<hbm>> -> memref<4096x128xf32, #tpu.memory_space<hbm>>
    tpu.enqueue_indirect_dma source(%dma_start3A_29 : memref<4096x128xf32, #tpu.memory_space<hbm>>) target(%arg10 : memref<128x128xf32, #tpu.memory_space<vmem>>) offsets(%dma_start3A_26 : memref<128xi32, #tpu.memory_space<vmem>>) semaphore(%arg11 : memref<!tpu.dma_semaphore, #tpu.memory_space<semaphore_mem>>)
    %dma_wait3A_30 = arith.constant 256 : i32
    %dma_wait3A_31 = tpu.memref_slice %arg9[%dma_wait3A_30] : memref<512xi32, #tpu.memory_space<vmem>> -> memref<128xi32, #tpu.memory_space<vmem>>
    %dma_wait3A_32 = arith.constant 0 : i32
    %dma_wait3A_33 = arith.constant 0 : i32
    %dma_wait3A_34 = tpu.memref_slice %arg2[%dma_wait3A_32, %dma_wait3A_33] : memref<4096x128xf32, #tpu.memory_space<hbm>> -> memref<4096x128xf32, #tpu.memory_space<hbm>>
    tpu.wait_indirect_dma semaphore(%arg11 : memref<!tpu.dma_semaphore, #tpu.memory_space<semaphore_mem>>) src(%dma_wait3A_34 : memref<4096x128xf32, #tpu.memory_space<hbm>>) dst(%arg10 : memref<128x128xf32, #tpu.memory_space<vmem>>)
    %add3A_35 = arith.constant 256 : i32
    %add3A_36 = arith.addi %mul3A_2, %add3A_35 : i32
    "tpu.region"() ({
      %run_scoped3A = tpu.sem_alloc : memref<!tpu.dma_semaphore, #tpu.memory_space<semaphore_mem>>
      %dma_start3A_145 = arith.constant 0 : i32
      %dma_start3A_146 = tpu.memref_slice %arg6[%add3A_36, %dma_start3A_145] : memref<16384x128xf32, #tpu.memory_space<hbm>> -> memref<128x128xf32, #tpu.memory_space<hbm>>
      %dma_start3A_147 = arith.constant 0 : i32
      %dma_start3A_148 = tpu.memref_slice %arg6[%add3A_36, %dma_start3A_147] : memref<16384x128xf32, #tpu.memory_space<hbm>> -> memref<128x128xf32, #tpu.memory_space<hbm>>
      tpu.enqueue_dma source(%arg10 : memref<128x128xf32, #tpu.memory_space<vmem>>) target(%dma_start3A_148 : memref<128x128xf32, #tpu.memory_space<hbm>>) target_semaphore(%run_scoped3A : memref<!tpu.dma_semaphore, #tpu.memory_space<semaphore_mem>>)
      %dma_wait3A_149 = arith.constant 0 : i32
      %dma_wait3A_150 = tpu.memref_slice %arg6[%add3A_36, %dma_wait3A_149] : memref<16384x128xf32, #tpu.memory_space<hbm>> -> memref<128x128xf32, #tpu.memory_space<hbm>>
      %dma_wait3A_151 = arith.constant 0 : i32
      %dma_wait3A_152 = tpu.memref_slice %arg6[%add3A_36, %dma_wait3A_151] : memref<16384x128xf32, #tpu.memory_space<hbm>> -> memref<128x128xf32, #tpu.memory_space<hbm>>
      tpu.wait_dma2 semaphore(%run_scoped3A : memref<!tpu.dma_semaphore, #tpu.memory_space<semaphore_mem>>) src(%arg10 : memref<128x128xf32, #tpu.memory_space<vmem>>) dst(%dma_wait3A_152 : memref<128x128xf32, #tpu.memory_space<hbm>>)
      tpu.yield
    }) : () -> ()
    %dma_start3A_37 = arith.constant 384 : i32
    %dma_start3A_38 = tpu.memref_slice %arg9[%dma_start3A_37] : memref<512xi32, #tpu.memory_space<vmem>> -> memref<128xi32, #tpu.memory_space<vmem>>
    %dma_start3A_39 = arith.constant 0 : i32
    %dma_start3A_40 = arith.constant 0 : i32
    %dma_start3A_41 = tpu.memref_slice %arg2[%dma_start3A_39, %dma_start3A_40] : memref<4096x128xf32, #tpu.memory_space<hbm>> -> memref<4096x128xf32, #tpu.memory_space<hbm>>
    tpu.enqueue_indirect_dma source(%dma_start3A_41 : memref<4096x128xf32, #tpu.memory_space<hbm>>) target(%arg10 : memref<128x128xf32, #tpu.memory_space<vmem>>) offsets(%dma_start3A_38 : memref<128xi32, #tpu.memory_space<vmem>>) semaphore(%arg11 : memref<!tpu.dma_semaphore, #tpu.memory_space<semaphore_mem>>)
    %dma_wait3A_42 = arith.constant 384 : i32
    %dma_wait3A_43 = tpu.memref_slice %arg9[%dma_wait3A_42] : memref<512xi32, #tpu.memory_space<vmem>> -> memref<128xi32, #tpu.memory_space<vmem>>
    %dma_wait3A_44 = arith.constant 0 : i32
    %dma_wait3A_45 = arith.constant 0 : i32
    %dma_wait3A_46 = tpu.memref_slice %arg2[%dma_wait3A_44, %dma_wait3A_45] : memref<4096x128xf32, #tpu.memory_space<hbm>> -> memref<4096x128xf32, #tpu.memory_space<hbm>>
    tpu.wait_indirect_dma semaphore(%arg11 : memref<!tpu.dma_semaphore, #tpu.memory_space<semaphore_mem>>) src(%dma_wait3A_46 : memref<4096x128xf32, #tpu.memory_space<hbm>>) dst(%arg10 : memref<128x128xf32, #tpu.memory_space<vmem>>)
    %add3A_47 = arith.constant 384 : i32
    %add3A_48 = arith.addi %mul3A_2, %add3A_47 : i32
    "tpu.region"() ({
      %run_scoped3A = tpu.sem_alloc : memref<!tpu.dma_semaphore, #tpu.memory_space<semaphore_mem>>
      %dma_start3A_145 = arith.constant 0 : i32
      %dma_start3A_146 = tpu.memref_slice %arg6[%add3A_48, %dma_start3A_145] : memref<16384x128xf32, #tpu.memory_space<hbm>> -> memref<128x128xf32, #tpu.memory_space<hbm>>
      %dma_start3A_147 = arith.constant 0 : i32
      %dma_start3A_148 = tpu.memref_slice %arg6[%add3A_48, %dma_start3A_147] : memref<16384x128xf32, #tpu.memory_space<hbm>> -> memref<128x128xf32, #tpu.memory_space<hbm>>
      tpu.enqueue_dma source(%arg10 : memref<128x128xf32, #tpu.memory_space<vmem>>) target(%dma_start3A_148 : memref<128x128xf32, #tpu.memory_space<hbm>>) target_semaphore(%run_scoped3A : memref<!tpu.dma_semaphore, #tpu.memory_space<semaphore_mem>>)
      %dma_wait3A_149 = arith.constant 0 : i32
      %dma_wait3A_150 = tpu.memref_slice %arg6[%add3A_48, %dma_wait3A_149] : memref<16384x128xf32, #tpu.memory_space<hbm>> -> memref<128x128xf32, #tpu.memory_space<hbm>>
      %dma_wait3A_151 = arith.constant 0 : i32
      %dma_wait3A_152 = tpu.memref_slice %arg6[%add3A_48, %dma_wait3A_151] : memref<16384x128xf32, #tpu.memory_space<hbm>> -> memref<128x128xf32, #tpu.memory_space<hbm>>
      tpu.wait_dma2 semaphore(%run_scoped3A : memref<!tpu.dma_semaphore, #tpu.memory_space<semaphore_mem>>) src(%arg10 : memref<128x128xf32, #tpu.memory_space<vmem>>) dst(%dma_wait3A_152 : memref<128x128xf32, #tpu.memory_space<hbm>>)
      tpu.yield
    }) : () -> ()
    "tpu.region"() ({
      %run_scoped3A = tpu.sem_alloc : memref<!tpu.dma_semaphore, #tpu.memory_space<semaphore_mem>>
      %dma_start3A_145 = tpu.memref_slice %arg4[%mul3A_2] : memref<16384xi32, #tpu.memory_space<hbm>> -> memref<512xi32, #tpu.memory_space<hbm>>
      %dma_start3A_146 = tpu.memref_slice %arg4[%mul3A_2] : memref<16384xi32, #tpu.memory_space<hbm>> -> memref<512xi32, #tpu.memory_space<hbm>>
      tpu.enqueue_dma source(%dma_start3A_146 : memref<512xi32, #tpu.memory_space<hbm>>) target(%arg9 : memref<512xi32, #tpu.memory_space<vmem>>) target_semaphore(%run_scoped3A : memref<!tpu.dma_semaphore, #tpu.memory_space<semaphore_mem>>)
      %dma_wait3A_147 = tpu.memref_slice %arg4[%mul3A_2] : memref<16384xi32, #tpu.memory_space<hbm>> -> memref<512xi32, #tpu.memory_space<hbm>>
      %dma_wait3A_148 = tpu.memref_slice %arg4[%mul3A_2] : memref<16384xi32, #tpu.memory_space<hbm>> -> memref<512xi32, #tpu.memory_space<hbm>>
      tpu.wait_dma2 semaphore(%run_scoped3A : memref<!tpu.dma_semaphore, #tpu.memory_space<semaphore_mem>>) src(%dma_wait3A_148 : memref<512xi32, #tpu.memory_space<hbm>>) dst(%arg9 : memref<512xi32, #tpu.memory_space<vmem>>)
      tpu.yield
    }) : () -> ()
    %dma_start3A_49 = arith.constant 0 : i32
    %dma_start3A_50 = tpu.memref_slice %arg9[%dma_start3A_49] : memref<512xi32, #tpu.memory_space<vmem>> -> memref<128xi32, #tpu.memory_space<vmem>>
    %dma_start3A_51 = arith.constant 0 : i32
    %dma_start3A_52 = arith.constant 0 : i32
    %dma_start3A_53 = tpu.memref_slice %arg2[%dma_start3A_51, %dma_start3A_52] : memref<4096x128xf32, #tpu.memory_space<hbm>> -> memref<4096x128xf32, #tpu.memory_space<hbm>>
    tpu.enqueue_indirect_dma source(%dma_start3A_53 : memref<4096x128xf32, #tpu.memory_space<hbm>>) target(%arg10 : memref<128x128xf32, #tpu.memory_space<vmem>>) offsets(%dma_start3A_50 : memref<128xi32, #tpu.memory_space<vmem>>) semaphore(%arg11 : memref<!tpu.dma_semaphore, #tpu.memory_space<semaphore_mem>>)
    %dma_wait3A_54 = arith.constant 0 : i32
    %dma_wait3A_55 = tpu.memref_slice %arg9[%dma_wait3A_54] : memref<512xi32, #tpu.memory_space<vmem>> -> memref<128xi32, #tpu.memory_space<vmem>>
    %dma_wait3A_56 = arith.constant 0 : i32
    %dma_wait3A_57 = arith.constant 0 : i32
    %dma_wait3A_58 = tpu.memref_slice %arg2[%dma_wait3A_56, %dma_wait3A_57] : memref<4096x128xf32, #tpu.memory_space<hbm>> -> memref<4096x128xf32, #tpu.memory_space<hbm>>
    tpu.wait_indirect_dma semaphore(%arg11 : memref<!tpu.dma_semaphore, #tpu.memory_space<semaphore_mem>>) src(%dma_wait3A_58 : memref<4096x128xf32, #tpu.memory_space<hbm>>) dst(%arg10 : memref<128x128xf32, #tpu.memory_space<vmem>>)
    %add3A_59 = arith.constant 0 : i32
    %add3A_60 = arith.addi %mul3A_2, %add3A_59 : i32
    "tpu.region"() ({
      %run_scoped3A = tpu.sem_alloc : memref<!tpu.dma_semaphore, #tpu.memory_space<semaphore_mem>>
      %dma_start3A_145 = arith.constant 0 : i32
      %dma_start3A_146 = tpu.memref_slice %arg7[%add3A_60, %dma_start3A_145] : memref<16384x128xf32, #tpu.memory_space<hbm>> -> memref<128x128xf32, #tpu.memory_space<hbm>>
      %dma_start3A_147 = arith.constant 0 : i32
      %dma_start3A_148 = tpu.memref_slice %arg7[%add3A_60, %dma_start3A_147] : memref<16384x128xf32, #tpu.memory_space<hbm>> -> memref<128x128xf32, #tpu.memory_space<hbm>>
      tpu.enqueue_dma source(%arg10 : memref<128x128xf32, #tpu.memory_space<vmem>>) target(%dma_start3A_148 : memref<128x128xf32, #tpu.memory_space<hbm>>) target_semaphore(%run_scoped3A : memref<!tpu.dma_semaphore, #tpu.memory_space<semaphore_mem>>)
      %dma_wait3A_149 = arith.constant 0 : i32
      %dma_wait3A_150 = tpu.memref_slice %arg7[%add3A_60, %dma_wait3A_149] : memref<16384x128xf32, #tpu.memory_space<hbm>> -> memref<128x128xf32, #tpu.memory_space<hbm>>
      %dma_wait3A_151 = arith.constant 0 : i32
      %dma_wait3A_152 = tpu.memref_slice %arg7[%add3A_60, %dma_wait3A_151] : memref<16384x128xf32, #tpu.memory_space<hbm>> -> memref<128x128xf32, #tpu.memory_space<hbm>>
      tpu.wait_dma2 semaphore(%run_scoped3A : memref<!tpu.dma_semaphore, #tpu.memory_space<semaphore_mem>>) src(%arg10 : memref<128x128xf32, #tpu.memory_space<vmem>>) dst(%dma_wait3A_152 : memref<128x128xf32, #tpu.memory_space<hbm>>)
      tpu.yield
    }) : () -> ()
    %dma_start3A_61 = arith.constant 128 : i32
    %dma_start3A_62 = tpu.memref_slice %arg9[%dma_start3A_61] : memref<512xi32, #tpu.memory_space<vmem>> -> memref<128xi32, #tpu.memory_space<vmem>>
    %dma_start3A_63 = arith.constant 0 : i32
    %dma_start3A_64 = arith.constant 0 : i32
    %dma_start3A_65 = tpu.memref_slice %arg2[%dma_start3A_63, %dma_start3A_64] : memref<4096x128xf32, #tpu.memory_space<hbm>> -> memref<4096x128xf32, #tpu.memory_space<hbm>>
    tpu.enqueue_indirect_dma source(%dma_start3A_65 : memref<4096x128xf32, #tpu.memory_space<hbm>>) target(%arg10 : memref<128x128xf32, #tpu.memory_space<vmem>>) offsets(%dma_start3A_62 : memref<128xi32, #tpu.memory_space<vmem>>) semaphore(%arg11 : memref<!tpu.dma_semaphore, #tpu.memory_space<semaphore_mem>>)
    %dma_wait3A_66 = arith.constant 128 : i32
    %dma_wait3A_67 = tpu.memref_slice %arg9[%dma_wait3A_66] : memref<512xi32, #tpu.memory_space<vmem>> -> memref<128xi32, #tpu.memory_space<vmem>>
    %dma_wait3A_68 = arith.constant 0 : i32
    %dma_wait3A_69 = arith.constant 0 : i32
    %dma_wait3A_70 = tpu.memref_slice %arg2[%dma_wait3A_68, %dma_wait3A_69] : memref<4096x128xf32, #tpu.memory_space<hbm>> -> memref<4096x128xf32, #tpu.memory_space<hbm>>
    tpu.wait_indirect_dma semaphore(%arg11 : memref<!tpu.dma_semaphore, #tpu.memory_space<semaphore_mem>>) src(%dma_wait3A_70 : memref<4096x128xf32, #tpu.memory_space<hbm>>) dst(%arg10 : memref<128x128xf32, #tpu.memory_space<vmem>>)
    %add3A_71 = arith.constant 128 : i32
    %add3A_72 = arith.addi %mul3A_2, %add3A_71 : i32
    "tpu.region"() ({
      %run_scoped3A = tpu.sem_alloc : memref<!tpu.dma_semaphore, #tpu.memory_space<semaphore_mem>>
      %dma_start3A_145 = arith.constant 0 : i32
      %dma_start3A_146 = tpu.memref_slice %arg7[%add3A_72, %dma_start3A_145] : memref<16384x128xf32, #tpu.memory_space<hbm>> -> memref<128x128xf32, #tpu.memory_space<hbm>>
      %dma_start3A_147 = arith.constant 0 : i32
      %dma_start3A_148 = tpu.memref_slice %arg7[%add3A_72, %dma_start3A_147] : memref<16384x128xf32, #tpu.memory_space<hbm>> -> memref<128x128xf32, #tpu.memory_space<hbm>>
      tpu.enqueue_dma source(%arg10 : memref<128x128xf32, #tpu.memory_space<vmem>>) target(%dma_start3A_148 : memref<128x128xf32, #tpu.memory_space<hbm>>) target_semaphore(%run_scoped3A : memref<!tpu.dma_semaphore, #tpu.memory_space<semaphore_mem>>)
      %dma_wait3A_149 = arith.constant 0 : i32
      %dma_wait3A_150 = tpu.memref_slice %arg7[%add3A_72, %dma_wait3A_149] : memref<16384x128xf32, #tpu.memory_space<hbm>> -> memref<128x128xf32, #tpu.memory_space<hbm>>
      %dma_wait3A_151 = arith.constant 0 : i32
      %dma_wait3A_152 = tpu.memref_slice %arg7[%add3A_72, %dma_wait3A_151] : memref<16384x128xf32, #tpu.memory_space<hbm>> -> memref<128x128xf32, #tpu.memory_space<hbm>>
      tpu.wait_dma2 semaphore(%run_scoped3A : memref<!tpu.dma_semaphore, #tpu.memory_space<semaphore_mem>>) src(%arg10 : memref<128x128xf32, #tpu.memory_space<vmem>>) dst(%dma_wait3A_152 : memref<128x128xf32, #tpu.memory_space<hbm>>)
      tpu.yield
    }) : () -> ()
    %dma_start3A_73 = arith.constant 256 : i32
    %dma_start3A_74 = tpu.memref_slice %arg9[%dma_start3A_73] : memref<512xi32, #tpu.memory_space<vmem>> -> memref<128xi32, #tpu.memory_space<vmem>>
    %dma_start3A_75 = arith.constant 0 : i32
    %dma_start3A_76 = arith.constant 0 : i32
    %dma_start3A_77 = tpu.memref_slice %arg2[%dma_start3A_75, %dma_start3A_76] : memref<4096x128xf32, #tpu.memory_space<hbm>> -> memref<4096x128xf32, #tpu.memory_space<hbm>>
    tpu.enqueue_indirect_dma source(%dma_start3A_77 : memref<4096x128xf32, #tpu.memory_space<hbm>>) target(%arg10 : memref<128x128xf32, #tpu.memory_space<vmem>>) offsets(%dma_start3A_74 : memref<128xi32, #tpu.memory_space<vmem>>) semaphore(%arg11 : memref<!tpu.dma_semaphore, #tpu.memory_space<semaphore_mem>>)
    %dma_wait3A_78 = arith.constant 256 : i32
    %dma_wait3A_79 = tpu.memref_slice %arg9[%dma_wait3A_78] : memref<512xi32, #tpu.memory_space<vmem>> -> memref<128xi32, #tpu.memory_space<vmem>>
    %dma_wait3A_80 = arith.constant 0 : i32
    %dma_wait3A_81 = arith.constant 0 : i32
    %dma_wait3A_82 = tpu.memref_slice %arg2[%dma_wait3A_80, %dma_wait3A_81] : memref<4096x128xf32, #tpu.memory_space<hbm>> -> memref<4096x128xf32, #tpu.memory_space<hbm>>
    tpu.wait_indirect_dma semaphore(%arg11 : memref<!tpu.dma_semaphore, #tpu.memory_space<semaphore_mem>>) src(%dma_wait3A_82 : memref<4096x128xf32, #tpu.memory_space<hbm>>) dst(%arg10 : memref<128x128xf32, #tpu.memory_space<vmem>>)
    %add3A_83 = arith.constant 256 : i32
    %add3A_84 = arith.addi %mul3A_2, %add3A_83 : i32
    "tpu.region"() ({
      %run_scoped3A = tpu.sem_alloc : memref<!tpu.dma_semaphore, #tpu.memory_space<semaphore_mem>>
      %dma_start3A_145 = arith.constant 0 : i32
      %dma_start3A_146 = tpu.memref_slice %arg7[%add3A_84, %dma_start3A_145] : memref<16384x128xf32, #tpu.memory_space<hbm>> -> memref<128x128xf32, #tpu.memory_space<hbm>>
      %dma_start3A_147 = arith.constant 0 : i32
      %dma_start3A_148 = tpu.memref_slice %arg7[%add3A_84, %dma_start3A_147] : memref<16384x128xf32, #tpu.memory_space<hbm>> -> memref<128x128xf32, #tpu.memory_space<hbm>>
      tpu.enqueue_dma source(%arg10 : memref<128x128xf32, #tpu.memory_space<vmem>>) target(%dma_start3A_148 : memref<128x128xf32, #tpu.memory_space<hbm>>) target_semaphore(%run_scoped3A : memref<!tpu.dma_semaphore, #tpu.memory_space<semaphore_mem>>)
      %dma_wait3A_149 = arith.constant 0 : i32
      %dma_wait3A_150 = tpu.memref_slice %arg7[%add3A_84, %dma_wait3A_149] : memref<16384x128xf32, #tpu.memory_space<hbm>> -> memref<128x128xf32, #tpu.memory_space<hbm>>
      %dma_wait3A_151 = arith.constant 0 : i32
      %dma_wait3A_152 = tpu.memref_slice %arg7[%add3A_84, %dma_wait3A_151] : memref<16384x128xf32, #tpu.memory_space<hbm>> -> memref<128x128xf32, #tpu.memory_space<hbm>>
      tpu.wait_dma2 semaphore(%run_scoped3A : memref<!tpu.dma_semaphore, #tpu.memory_space<semaphore_mem>>) src(%arg10 : memref<128x128xf32, #tpu.memory_space<vmem>>) dst(%dma_wait3A_152 : memref<128x128xf32, #tpu.memory_space<hbm>>)
      tpu.yield
    }) : () -> ()
    %dma_start3A_85 = arith.constant 384 : i32
    %dma_start3A_86 = tpu.memref_slice %arg9[%dma_start3A_85] : memref<512xi32, #tpu.memory_space<vmem>> -> memref<128xi32, #tpu.memory_space<vmem>>
    %dma_start3A_87 = arith.constant 0 : i32
    %dma_start3A_88 = arith.constant 0 : i32
    %dma_start3A_89 = tpu.memref_slice %arg2[%dma_start3A_87, %dma_start3A_88] : memref<4096x128xf32, #tpu.memory_space<hbm>> -> memref<4096x128xf32, #tpu.memory_space<hbm>>
    tpu.enqueue_indirect_dma source(%dma_start3A_89 : memref<4096x128xf32, #tpu.memory_space<hbm>>) target(%arg10 : memref<128x128xf32, #tpu.memory_space<vmem>>) offsets(%dma_start3A_86 : memref<128xi32, #tpu.memory_space<vmem>>) semaphore(%arg11 : memref<!tpu.dma_semaphore, #tpu.memory_space<semaphore_mem>>)
    %dma_wait3A_90 = arith.constant 384 : i32
    %dma_wait3A_91 = tpu.memref_slice %arg9[%dma_wait3A_90] : memref<512xi32, #tpu.memory_space<vmem>> -> memref<128xi32, #tpu.memory_space<vmem>>
    %dma_wait3A_92 = arith.constant 0 : i32
    %dma_wait3A_93 = arith.constant 0 : i32
    %dma_wait3A_94 = tpu.memref_slice %arg2[%dma_wait3A_92, %dma_wait3A_93] : memref<4096x128xf32, #tpu.memory_space<hbm>> -> memref<4096x128xf32, #tpu.memory_space<hbm>>
    tpu.wait_indirect_dma semaphore(%arg11 : memref<!tpu.dma_semaphore, #tpu.memory_space<semaphore_mem>>) src(%dma_wait3A_94 : memref<4096x128xf32, #tpu.memory_space<hbm>>) dst(%arg10 : memref<128x128xf32, #tpu.memory_space<vmem>>)
    %add3A_95 = arith.constant 384 : i32
    %add3A_96 = arith.addi %mul3A_2, %add3A_95 : i32
    "tpu.region"() ({
      %run_scoped3A = tpu.sem_alloc : memref<!tpu.dma_semaphore, #tpu.memory_space<semaphore_mem>>
      %dma_start3A_145 = arith.constant 0 : i32
      %dma_start3A_146 = tpu.memref_slice %arg7[%add3A_96, %dma_start3A_145] : memref<16384x128xf32, #tpu.memory_space<hbm>> -> memref<128x128xf32, #tpu.memory_space<hbm>>
      %dma_start3A_147 = arith.constant 0 : i32
      %dma_start3A_148 = tpu.memref_slice %arg7[%add3A_96, %dma_start3A_147] : memref<16384x128xf32, #tpu.memory_space<hbm>> -> memref<128x128xf32, #tpu.memory_space<hbm>>
      tpu.enqueue_dma source(%arg10 : memref<128x128xf32, #tpu.memory_space<vmem>>) target(%dma_start3A_148 : memref<128x128xf32, #tpu.memory_space<hbm>>) target_semaphore(%run_scoped3A : memref<!tpu.dma_semaphore, #tpu.memory_space<semaphore_mem>>)
      %dma_wait3A_149 = arith.constant 0 : i32
      %dma_wait3A_150 = tpu.memref_slice %arg7[%add3A_96, %dma_wait3A_149] : memref<16384x128xf32, #tpu.memory_space<hbm>> -> memref<128x128xf32, #tpu.memory_space<hbm>>
      %dma_wait3A_151 = arith.constant 0 : i32
      %dma_wait3A_152 = tpu.memref_slice %arg7[%add3A_96, %dma_wait3A_151] : memref<16384x128xf32, #tpu.memory_space<hbm>> -> memref<128x128xf32, #tpu.memory_space<hbm>>
      tpu.wait_dma2 semaphore(%run_scoped3A : memref<!tpu.dma_semaphore, #tpu.memory_space<semaphore_mem>>) src(%arg10 : memref<128x128xf32, #tpu.memory_space<vmem>>) dst(%dma_wait3A_152 : memref<128x128xf32, #tpu.memory_space<hbm>>)
      tpu.yield
    }) : () -> ()
    "tpu.region"() ({
      %run_scoped3A = tpu.sem_alloc : memref<!tpu.dma_semaphore, #tpu.memory_space<semaphore_mem>>
      %dma_start3A_145 = tpu.memref_slice %arg5[%mul3A_2] : memref<16384xi32, #tpu.memory_space<hbm>> -> memref<512xi32, #tpu.memory_space<hbm>>
      %dma_start3A_146 = tpu.memref_slice %arg5[%mul3A_2] : memref<16384xi32, #tpu.memory_space<hbm>> -> memref<512xi32, #tpu.memory_space<hbm>>
      tpu.enqueue_dma source(%dma_start3A_146 : memref<512xi32, #tpu.memory_space<hbm>>) target(%arg9 : memref<512xi32, #tpu.memory_space<vmem>>) target_semaphore(%run_scoped3A : memref<!tpu.dma_semaphore, #tpu.memory_space<semaphore_mem>>)
      %dma_wait3A_147 = tpu.memref_slice %arg5[%mul3A_2] : memref<16384xi32, #tpu.memory_space<hbm>> -> memref<512xi32, #tpu.memory_space<hbm>>
      %dma_wait3A_148 = tpu.memref_slice %arg5[%mul3A_2] : memref<16384xi32, #tpu.memory_space<hbm>> -> memref<512xi32, #tpu.memory_space<hbm>>
      tpu.wait_dma2 semaphore(%run_scoped3A : memref<!tpu.dma_semaphore, #tpu.memory_space<semaphore_mem>>) src(%dma_wait3A_148 : memref<512xi32, #tpu.memory_space<hbm>>) dst(%arg9 : memref<512xi32, #tpu.memory_space<vmem>>)
      tpu.yield
    }) : () -> ()
    %dma_start3A_97 = arith.constant 0 : i32
    %dma_start3A_98 = tpu.memref_slice %arg9[%dma_start3A_97] : memref<512xi32, #tpu.memory_space<vmem>> -> memref<128xi32, #tpu.memory_space<vmem>>
    %dma_start3A_99 = arith.constant 0 : i32
    %dma_start3A_100 = arith.constant 0 : i32
    %dma_start3A_101 = tpu.memref_slice %arg2[%dma_start3A_99, %dma_start3A_100] : memref<4096x128xf32, #tpu.memory_space<hbm>> -> memref<4096x128xf32, #tpu.memory_space<hbm>>
    tpu.enqueue_indirect_dma source(%dma_start3A_101 : memref<4096x128xf32, #tpu.memory_space<hbm>>) target(%arg10 : memref<128x128xf32, #tpu.memory_space<vmem>>) offsets(%dma_start3A_98 : memref<128xi32, #tpu.memory_space<vmem>>) semaphore(%arg11 : memref<!tpu.dma_semaphore, #tpu.memory_space<semaphore_mem>>)
    %dma_wait3A_102 = arith.constant 0 : i32
    %dma_wait3A_103 = tpu.memref_slice %arg9[%dma_wait3A_102] : memref<512xi32, #tpu.memory_space<vmem>> -> memref<128xi32, #tpu.memory_space<vmem>>
    %dma_wait3A_104 = arith.constant 0 : i32
    %dma_wait3A_105 = arith.constant 0 : i32
    %dma_wait3A_106 = tpu.memref_slice %arg2[%dma_wait3A_104, %dma_wait3A_105] : memref<4096x128xf32, #tpu.memory_space<hbm>> -> memref<4096x128xf32, #tpu.memory_space<hbm>>
    tpu.wait_indirect_dma semaphore(%arg11 : memref<!tpu.dma_semaphore, #tpu.memory_space<semaphore_mem>>) src(%dma_wait3A_106 : memref<4096x128xf32, #tpu.memory_space<hbm>>) dst(%arg10 : memref<128x128xf32, #tpu.memory_space<vmem>>)
    %add3A_107 = arith.constant 0 : i32
    %add3A_108 = arith.addi %mul3A_2, %add3A_107 : i32
    "tpu.region"() ({
      %run_scoped3A = tpu.sem_alloc : memref<!tpu.dma_semaphore, #tpu.memory_space<semaphore_mem>>
      %dma_start3A_145 = arith.constant 0 : i32
      %dma_start3A_146 = tpu.memref_slice %arg8[%add3A_108, %dma_start3A_145] : memref<16384x128xf32, #tpu.memory_space<hbm>> -> memref<128x128xf32, #tpu.memory_space<hbm>>
      %dma_start3A_147 = arith.constant 0 : i32
      %dma_start3A_148 = tpu.memref_slice %arg8[%add3A_108, %dma_start3A_147] : memref<16384x128xf32, #tpu.memory_space<hbm>> -> memref<128x128xf32, #tpu.memory_space<hbm>>
      tpu.enqueue_dma source(%arg10 : memref<128x128xf32, #tpu.memory_space<vmem>>) target(%dma_start3A_148 : memref<128x128xf32, #tpu.memory_space<hbm>>) target_semaphore(%run_scoped3A : memref<!tpu.dma_semaphore, #tpu.memory_space<semaphore_mem>>)
      %dma_wait3A_149 = arith.constant 0 : i32
      %dma_wait3A_150 = tpu.memref_slice %arg8[%add3A_108, %dma_wait3A_149] : memref<16384x128xf32, #tpu.memory_space<hbm>> -> memref<128x128xf32, #tpu.memory_space<hbm>>
      %dma_wait3A_151 = arith.constant 0 : i32
      %dma_wait3A_152 = tpu.memref_slice %arg8[%add3A_108, %dma_wait3A_151] : memref<16384x128xf32, #tpu.memory_space<hbm>> -> memref<128x128xf32, #tpu.memory_space<hbm>>
      tpu.wait_dma2 semaphore(%run_scoped3A : memref<!tpu.dma_semaphore, #tpu.memory_space<semaphore_mem>>) src(%arg10 : memref<128x128xf32, #tpu.memory_space<vmem>>) dst(%dma_wait3A_152 : memref<128x128xf32, #tpu.memory_space<hbm>>)
      tpu.yield
    }) : () -> ()
    %dma_start3A_109 = arith.constant 128 : i32
    %dma_start3A_110 = tpu.memref_slice %arg9[%dma_start3A_109] : memref<512xi32, #tpu.memory_space<vmem>> -> memref<128xi32, #tpu.memory_space<vmem>>
    %dma_start3A_111 = arith.constant 0 : i32
    %dma_start3A_112 = arith.constant 0 : i32
    %dma_start3A_113 = tpu.memref_slice %arg2[%dma_start3A_111, %dma_start3A_112] : memref<4096x128xf32, #tpu.memory_space<hbm>> -> memref<4096x128xf32, #tpu.memory_space<hbm>>
    tpu.enqueue_indirect_dma source(%dma_start3A_113 : memref<4096x128xf32, #tpu.memory_space<hbm>>) target(%arg10 : memref<128x128xf32, #tpu.memory_space<vmem>>) offsets(%dma_start3A_110 : memref<128xi32, #tpu.memory_space<vmem>>) semaphore(%arg11 : memref<!tpu.dma_semaphore, #tpu.memory_space<semaphore_mem>>)
    %dma_wait3A_114 = arith.constant 128 : i32
    %dma_wait3A_115 = tpu.memref_slice %arg9[%dma_wait3A_114] : memref<512xi32, #tpu.memory_space<vmem>> -> memref<128xi32, #tpu.memory_space<vmem>>
    %dma_wait3A_116 = arith.constant 0 : i32
    %dma_wait3A_117 = arith.constant 0 : i32
    %dma_wait3A_118 = tpu.memref_slice %arg2[%dma_wait3A_116, %dma_wait3A_117] : memref<4096x128xf32, #tpu.memory_space<hbm>> -> memref<4096x128xf32, #tpu.memory_space<hbm>>
    tpu.wait_indirect_dma semaphore(%arg11 : memref<!tpu.dma_semaphore, #tpu.memory_space<semaphore_mem>>) src(%dma_wait3A_118 : memref<4096x128xf32, #tpu.memory_space<hbm>>) dst(%arg10 : memref<128x128xf32, #tpu.memory_space<vmem>>)
    %add3A_119 = arith.constant 128 : i32
    %add3A_120 = arith.addi %mul3A_2, %add3A_119 : i32
    "tpu.region"() ({
      %run_scoped3A = tpu.sem_alloc : memref<!tpu.dma_semaphore, #tpu.memory_space<semaphore_mem>>
      %dma_start3A_145 = arith.constant 0 : i32
      %dma_start3A_146 = tpu.memref_slice %arg8[%add3A_120, %dma_start3A_145] : memref<16384x128xf32, #tpu.memory_space<hbm>> -> memref<128x128xf32, #tpu.memory_space<hbm>>
      %dma_start3A_147 = arith.constant 0 : i32
      %dma_start3A_148 = tpu.memref_slice %arg8[%add3A_120, %dma_start3A_147] : memref<16384x128xf32, #tpu.memory_space<hbm>> -> memref<128x128xf32, #tpu.memory_space<hbm>>
      tpu.enqueue_dma source(%arg10 : memref<128x128xf32, #tpu.memory_space<vmem>>) target(%dma_start3A_148 : memref<128x128xf32, #tpu.memory_space<hbm>>) target_semaphore(%run_scoped3A : memref<!tpu.dma_semaphore, #tpu.memory_space<semaphore_mem>>)
      %dma_wait3A_149 = arith.constant 0 : i32
      %dma_wait3A_150 = tpu.memref_slice %arg8[%add3A_120, %dma_wait3A_149] : memref<16384x128xf32, #tpu.memory_space<hbm>> -> memref<128x128xf32, #tpu.memory_space<hbm>>
      %dma_wait3A_151 = arith.constant 0 : i32
      %dma_wait3A_152 = tpu.memref_slice %arg8[%add3A_120, %dma_wait3A_151] : memref<16384x128xf32, #tpu.memory_space<hbm>> -> memref<128x128xf32, #tpu.memory_space<hbm>>
      tpu.wait_dma2 semaphore(%run_scoped3A : memref<!tpu.dma_semaphore, #tpu.memory_space<semaphore_mem>>) src(%arg10 : memref<128x128xf32, #tpu.memory_space<vmem>>) dst(%dma_wait3A_152 : memref<128x128xf32, #tpu.memory_space<hbm>>)
      tpu.yield
    }) : () -> ()
    %dma_start3A_121 = arith.constant 256 : i32
    %dma_start3A_122 = tpu.memref_slice %arg9[%dma_start3A_121] : memref<512xi32, #tpu.memory_space<vmem>> -> memref<128xi32, #tpu.memory_space<vmem>>
    %dma_start3A_123 = arith.constant 0 : i32
    %dma_start3A_124 = arith.constant 0 : i32
    %dma_start3A_125 = tpu.memref_slice %arg2[%dma_start3A_123, %dma_start3A_124] : memref<4096x128xf32, #tpu.memory_space<hbm>> -> memref<4096x128xf32, #tpu.memory_space<hbm>>
    tpu.enqueue_indirect_dma source(%dma_start3A_125 : memref<4096x128xf32, #tpu.memory_space<hbm>>) target(%arg10 : memref<128x128xf32, #tpu.memory_space<vmem>>) offsets(%dma_start3A_122 : memref<128xi32, #tpu.memory_space<vmem>>) semaphore(%arg11 : memref<!tpu.dma_semaphore, #tpu.memory_space<semaphore_mem>>)
    %dma_wait3A_126 = arith.constant 256 : i32
    %dma_wait3A_127 = tpu.memref_slice %arg9[%dma_wait3A_126] : memref<512xi32, #tpu.memory_space<vmem>> -> memref<128xi32, #tpu.memory_space<vmem>>
    %dma_wait3A_128 = arith.constant 0 : i32
    %dma_wait3A_129 = arith.constant 0 : i32
    %dma_wait3A_130 = tpu.memref_slice %arg2[%dma_wait3A_128, %dma_wait3A_129] : memref<4096x128xf32, #tpu.memory_space<hbm>> -> memref<4096x128xf32, #tpu.memory_space<hbm>>
    tpu.wait_indirect_dma semaphore(%arg11 : memref<!tpu.dma_semaphore, #tpu.memory_space<semaphore_mem>>) src(%dma_wait3A_130 : memref<4096x128xf32, #tpu.memory_space<hbm>>) dst(%arg10 : memref<128x128xf32, #tpu.memory_space<vmem>>)
    %add3A_131 = arith.constant 256 : i32
    %add3A_132 = arith.addi %mul3A_2, %add3A_131 : i32
    "tpu.region"() ({
      %run_scoped3A = tpu.sem_alloc : memref<!tpu.dma_semaphore, #tpu.memory_space<semaphore_mem>>
      %dma_start3A_145 = arith.constant 0 : i32
      %dma_start3A_146 = tpu.memref_slice %arg8[%add3A_132, %dma_start3A_145] : memref<16384x128xf32, #tpu.memory_space<hbm>> -> memref<128x128xf32, #tpu.memory_space<hbm>>
      %dma_start3A_147 = arith.constant 0 : i32
      %dma_start3A_148 = tpu.memref_slice %arg8[%add3A_132, %dma_start3A_147] : memref<16384x128xf32, #tpu.memory_space<hbm>> -> memref<128x128xf32, #tpu.memory_space<hbm>>
      tpu.enqueue_dma source(%arg10 : memref<128x128xf32, #tpu.memory_space<vmem>>) target(%dma_start3A_148 : memref<128x128xf32, #tpu.memory_space<hbm>>) target_semaphore(%run_scoped3A : memref<!tpu.dma_semaphore, #tpu.memory_space<semaphore_mem>>)
      %dma_wait3A_149 = arith.constant 0 : i32
      %dma_wait3A_150 = tpu.memref_slice %arg8[%add3A_132, %dma_wait3A_149] : memref<16384x128xf32, #tpu.memory_space<hbm>> -> memref<128x128xf32, #tpu.memory_space<hbm>>
      %dma_wait3A_151 = arith.constant 0 : i32
      %dma_wait3A_152 = tpu.memref_slice %arg8[%add3A_132, %dma_wait3A_151] : memref<16384x128xf32, #tpu.memory_space<hbm>> -> memref<128x128xf32, #tpu.memory_space<hbm>>
      tpu.wait_dma2 semaphore(%run_scoped3A : memref<!tpu.dma_semaphore, #tpu.memory_space<semaphore_mem>>) src(%arg10 : memref<128x128xf32, #tpu.memory_space<vmem>>) dst(%dma_wait3A_152 : memref<128x128xf32, #tpu.memory_space<hbm>>)
      tpu.yield
    }) : () -> ()
    %dma_start3A_133 = arith.constant 384 : i32
    %dma_start3A_134 = tpu.memref_slice %arg9[%dma_start3A_133] : memref<512xi32, #tpu.memory_space<vmem>> -> memref<128xi32, #tpu.memory_space<vmem>>
    %dma_start3A_135 = arith.constant 0 : i32
    %dma_start3A_136 = arith.constant 0 : i32
    %dma_start3A_137 = tpu.memref_slice %arg2[%dma_start3A_135, %dma_start3A_136] : memref<4096x128xf32, #tpu.memory_space<hbm>> -> memref<4096x128xf32, #tpu.memory_space<hbm>>
    tpu.enqueue_indirect_dma source(%dma_start3A_137 : memref<4096x128xf32, #tpu.memory_space<hbm>>) target(%arg10 : memref<128x128xf32, #tpu.memory_space<vmem>>) offsets(%dma_start3A_134 : memref<128xi32, #tpu.memory_space<vmem>>) semaphore(%arg11 : memref<!tpu.dma_semaphore, #tpu.memory_space<semaphore_mem>>)
    %dma_wait3A_138 = arith.constant 384 : i32
    %dma_wait3A_139 = tpu.memref_slice %arg9[%dma_wait3A_138] : memref<512xi32, #tpu.memory_space<vmem>> -> memref<128xi32, #tpu.memory_space<vmem>>
    %dma_wait3A_140 = arith.constant 0 : i32
    %dma_wait3A_141 = arith.constant 0 : i32
    %dma_wait3A_142 = tpu.memref_slice %arg2[%dma_wait3A_140, %dma_wait3A_141] : memref<4096x128xf32, #tpu.memory_space<hbm>> -> memref<4096x128xf32, #tpu.memory_space<hbm>>
    tpu.wait_indirect_dma semaphore(%arg11 : memref<!tpu.dma_semaphore, #tpu.memory_space<semaphore_mem>>) src(%dma_wait3A_142 : memref<4096x128xf32, #tpu.memory_space<hbm>>) dst(%arg10 : memref<128x128xf32, #tpu.memory_space<vmem>>)
    %add3A_143 = arith.constant 384 : i32
    %add3A_144 = arith.addi %mul3A_2, %add3A_143 : i32
    "tpu.region"() ({
      %run_scoped3A = tpu.sem_alloc : memref<!tpu.dma_semaphore, #tpu.memory_space<semaphore_mem>>
      %dma_start3A_145 = arith.constant 0 : i32
      %dma_start3A_146 = tpu.memref_slice %arg8[%add3A_144, %dma_start3A_145] : memref<16384x128xf32, #tpu.memory_space<hbm>> -> memref<128x128xf32, #tpu.memory_space<hbm>>
      %dma_start3A_147 = arith.constant 0 : i32
      %dma_start3A_148 = tpu.memref_slice %arg8[%add3A_144, %dma_start3A_147] : memref<16384x128xf32, #tpu.memory_space<hbm>> -> memref<128x128xf32, #tpu.memory_space<hbm>>
      tpu.enqueue_dma source(%arg10 : memref<128x128xf32, #tpu.memory_space<vmem>>) target(%dma_start3A_148 : memref<128x128xf32, #tpu.memory_space<hbm>>) target_semaphore(%run_scoped3A : memref<!tpu.dma_semaphore, #tpu.memory_space<semaphore_mem>>)
      %dma_wait3A_149 = arith.constant 0 : i32
      %dma_wait3A_150 = tpu.memref_slice %arg8[%add3A_144, %dma_wait3A_149] : memref<16384x128xf32, #tpu.memory_space<hbm>> -> memref<128x128xf32, #tpu.memory_space<hbm>>
      %dma_wait3A_151 = arith.constant 0 : i32
      %dma_wait3A_152 = tpu.memref_slice %arg8[%add3A_144, %dma_wait3A_151] : memref<16384x128xf32, #tpu.memory_space<hbm>> -> memref<128x128xf32, #tpu.memory_space<hbm>>
      tpu.wait_dma2 semaphore(%run_scoped3A : memref<!tpu.dma_semaphore, #tpu.memory_space<semaphore_mem>>) src(%arg10 : memref<128x128xf32, #tpu.memory_space<vmem>>) dst(%dma_wait3A_152 : memref<128x128xf32, #tpu.memory_space<hbm>>)
      tpu.yield
    }) : () -> ()
    return
  }
}

#map = affine_map<(d0, d1) -> (0, 0)>
#map1 = affine_map<(d0, d1) -> (0)>
module attributes {stable_mosaic.version = 14 : i64} {
  func.func @_gather_body(%arg0: i32, %arg1: i32, %arg2: memref<256x256xf32, #tpu.memory_space<hbm>>, %arg3: memref<1024xi32, #tpu.memory_space<hbm>>, %arg4: memref<1024xi32, #tpu.memory_space<hbm>>, %arg5: memref<1024xi32, #tpu.memory_space<hbm>>, %arg6: memref<1024x256xf32, #tpu.memory_space<hbm>>, %arg7: memref<1024x256xf32, #tpu.memory_space<hbm>>, %arg8: memref<1024x256xf32, #tpu.memory_space<hbm>>, %arg9: memref<32xi32, #tpu.memory_space<vmem>>, %arg10: memref<32x256xf32, #tpu.memory_space<vmem>>, %arg11: memref<!tpu.dma_semaphore, #tpu.memory_space<semaphore_mem>>) attributes {dimension_semantics = [#tpu.dimension_semantics<core_parallel>, #tpu.dimension_semantics<subcore_parallel>], iteration_bounds = array<i64: 2, 16>, scalar_prefetch = 0 : i64, scratch_operands = 3 : i64, tpu.core_type = #tpu.core_type<sc_vector_subcore>, window_params = [{transform_indices = #map}, {transform_indices = #map1}, {transform_indices = #map1}, {transform_indices = #map1}, {transform_indices = #map}, {transform_indices = #map}, {transform_indices = #map}]} {
    %mul3A = arith.constant 2 : i32
    %mul3A_0 = arith.muli %arg1, %mul3A : i32
    %add3A = arith.addi %mul3A_0, %arg0 : i32
    %mul3A_1 = arith.constant 32 : i32
    %mul3A_2 = arith.muli %add3A, %mul3A_1 : i32
    "tpu.region"() ({
      %run_scoped3A = tpu.sem_alloc : memref<!tpu.dma_semaphore, #tpu.memory_space<semaphore_mem>>
      %dma_start3A_25 = tpu.memref_slice %arg3[%mul3A_2] : memref<1024xi32, #tpu.memory_space<hbm>> -> memref<32xi32, #tpu.memory_space<hbm>>
      %dma_start3A_26 = tpu.memref_slice %arg3[%mul3A_2] : memref<1024xi32, #tpu.memory_space<hbm>> -> memref<32xi32, #tpu.memory_space<hbm>>
      tpu.enqueue_dma source(%dma_start3A_26 : memref<32xi32, #tpu.memory_space<hbm>>) target(%arg9 : memref<32xi32, #tpu.memory_space<vmem>>) target_semaphore(%run_scoped3A : memref<!tpu.dma_semaphore, #tpu.memory_space<semaphore_mem>>)
      %dma_wait3A_27 = tpu.memref_slice %arg3[%mul3A_2] : memref<1024xi32, #tpu.memory_space<hbm>> -> memref<32xi32, #tpu.memory_space<hbm>>
      %dma_wait3A_28 = tpu.memref_slice %arg3[%mul3A_2] : memref<1024xi32, #tpu.memory_space<hbm>> -> memref<32xi32, #tpu.memory_space<hbm>>
      tpu.wait_dma2 semaphore(%run_scoped3A : memref<!tpu.dma_semaphore, #tpu.memory_space<semaphore_mem>>) src(%dma_wait3A_28 : memref<32xi32, #tpu.memory_space<hbm>>) dst(%arg9 : memref<32xi32, #tpu.memory_space<vmem>>)
      tpu.yield
    }) : () -> ()
    %dma_start3A = arith.constant 0 : i32
    %dma_start3A_3 = arith.constant 0 : i32
    %dma_start3A_4 = tpu.memref_slice %arg2[%dma_start3A, %dma_start3A_3] : memref<256x256xf32, #tpu.memory_space<hbm>> -> memref<256x256xf32, #tpu.memory_space<hbm>>
    tpu.enqueue_indirect_dma source(%dma_start3A_4 : memref<256x256xf32, #tpu.memory_space<hbm>>) target(%arg10 : memref<32x256xf32, #tpu.memory_space<vmem>>) offsets(%arg9 : memref<32xi32, #tpu.memory_space<vmem>>) semaphore(%arg11 : memref<!tpu.dma_semaphore, #tpu.memory_space<semaphore_mem>>)
    %dma_wait3A = arith.constant 0 : i32
    %dma_wait3A_5 = arith.constant 0 : i32
    %dma_wait3A_6 = tpu.memref_slice %arg2[%dma_wait3A, %dma_wait3A_5] : memref<256x256xf32, #tpu.memory_space<hbm>> -> memref<256x256xf32, #tpu.memory_space<hbm>>
    tpu.wait_indirect_dma semaphore(%arg11 : memref<!tpu.dma_semaphore, #tpu.memory_space<semaphore_mem>>) src(%dma_wait3A_6 : memref<256x256xf32, #tpu.memory_space<hbm>>) dst(%arg10 : memref<32x256xf32, #tpu.memory_space<vmem>>)
    %add3A_7 = arith.constant 0 : i32
    %add3A_8 = arith.addi %mul3A_2, %add3A_7 : i32
    "tpu.region"() ({
      %run_scoped3A = tpu.sem_alloc : memref<!tpu.dma_semaphore, #tpu.memory_space<semaphore_mem>>
      %dma_start3A_25 = arith.constant 0 : i32
      %dma_start3A_26 = tpu.memref_slice %arg6[%add3A_8, %dma_start3A_25] : memref<1024x256xf32, #tpu.memory_space<hbm>> -> memref<32x256xf32, #tpu.memory_space<hbm>>
      %dma_start3A_27 = arith.constant 0 : i32
      %dma_start3A_28 = tpu.memref_slice %arg6[%add3A_8, %dma_start3A_27] : memref<1024x256xf32, #tpu.memory_space<hbm>> -> memref<32x256xf32, #tpu.memory_space<hbm>>
      tpu.enqueue_dma source(%arg10 : memref<32x256xf32, #tpu.memory_space<vmem>>) target(%dma_start3A_28 : memref<32x256xf32, #tpu.memory_space<hbm>>) target_semaphore(%run_scoped3A : memref<!tpu.dma_semaphore, #tpu.memory_space<semaphore_mem>>)
      %dma_wait3A_29 = arith.constant 0 : i32
      %dma_wait3A_30 = tpu.memref_slice %arg6[%add3A_8, %dma_wait3A_29] : memref<1024x256xf32, #tpu.memory_space<hbm>> -> memref<32x256xf32, #tpu.memory_space<hbm>>
      %dma_wait3A_31 = arith.constant 0 : i32
      %dma_wait3A_32 = tpu.memref_slice %arg6[%add3A_8, %dma_wait3A_31] : memref<1024x256xf32, #tpu.memory_space<hbm>> -> memref<32x256xf32, #tpu.memory_space<hbm>>
      tpu.wait_dma2 semaphore(%run_scoped3A : memref<!tpu.dma_semaphore, #tpu.memory_space<semaphore_mem>>) src(%arg10 : memref<32x256xf32, #tpu.memory_space<vmem>>) dst(%dma_wait3A_32 : memref<32x256xf32, #tpu.memory_space<hbm>>)
      tpu.yield
    }) : () -> ()
    "tpu.region"() ({
      %run_scoped3A = tpu.sem_alloc : memref<!tpu.dma_semaphore, #tpu.memory_space<semaphore_mem>>
      %dma_start3A_25 = tpu.memref_slice %arg4[%mul3A_2] : memref<1024xi32, #tpu.memory_space<hbm>> -> memref<32xi32, #tpu.memory_space<hbm>>
      %dma_start3A_26 = tpu.memref_slice %arg4[%mul3A_2] : memref<1024xi32, #tpu.memory_space<hbm>> -> memref<32xi32, #tpu.memory_space<hbm>>
      tpu.enqueue_dma source(%dma_start3A_26 : memref<32xi32, #tpu.memory_space<hbm>>) target(%arg9 : memref<32xi32, #tpu.memory_space<vmem>>) target_semaphore(%run_scoped3A : memref<!tpu.dma_semaphore, #tpu.memory_space<semaphore_mem>>)
      %dma_wait3A_27 = tpu.memref_slice %arg4[%mul3A_2] : memref<1024xi32, #tpu.memory_space<hbm>> -> memref<32xi32, #tpu.memory_space<hbm>>
      %dma_wait3A_28 = tpu.memref_slice %arg4[%mul3A_2] : memref<1024xi32, #tpu.memory_space<hbm>> -> memref<32xi32, #tpu.memory_space<hbm>>
      tpu.wait_dma2 semaphore(%run_scoped3A : memref<!tpu.dma_semaphore, #tpu.memory_space<semaphore_mem>>) src(%dma_wait3A_28 : memref<32xi32, #tpu.memory_space<hbm>>) dst(%arg9 : memref<32xi32, #tpu.memory_space<vmem>>)
      tpu.yield
    }) : () -> ()
    %dma_start3A_9 = arith.constant 0 : i32
    %dma_start3A_10 = arith.constant 0 : i32
    %dma_start3A_11 = tpu.memref_slice %arg2[%dma_start3A_9, %dma_start3A_10] : memref<256x256xf32, #tpu.memory_space<hbm>> -> memref<256x256xf32, #tpu.memory_space<hbm>>
    tpu.enqueue_indirect_dma source(%dma_start3A_11 : memref<256x256xf32, #tpu.memory_space<hbm>>) target(%arg10 : memref<32x256xf32, #tpu.memory_space<vmem>>) offsets(%arg9 : memref<32xi32, #tpu.memory_space<vmem>>) semaphore(%arg11 : memref<!tpu.dma_semaphore, #tpu.memory_space<semaphore_mem>>)
    %dma_wait3A_12 = arith.constant 0 : i32
    %dma_wait3A_13 = arith.constant 0 : i32
    %dma_wait3A_14 = tpu.memref_slice %arg2[%dma_wait3A_12, %dma_wait3A_13] : memref<256x256xf32, #tpu.memory_space<hbm>> -> memref<256x256xf32, #tpu.memory_space<hbm>>
    tpu.wait_indirect_dma semaphore(%arg11 : memref<!tpu.dma_semaphore, #tpu.memory_space<semaphore_mem>>) src(%dma_wait3A_14 : memref<256x256xf32, #tpu.memory_space<hbm>>) dst(%arg10 : memref<32x256xf32, #tpu.memory_space<vmem>>)
    %add3A_15 = arith.constant 0 : i32
    %add3A_16 = arith.addi %mul3A_2, %add3A_15 : i32
    "tpu.region"() ({
      %run_scoped3A = tpu.sem_alloc : memref<!tpu.dma_semaphore, #tpu.memory_space<semaphore_mem>>
      %dma_start3A_25 = arith.constant 0 : i32
      %dma_start3A_26 = tpu.memref_slice %arg7[%add3A_16, %dma_start3A_25] : memref<1024x256xf32, #tpu.memory_space<hbm>> -> memref<32x256xf32, #tpu.memory_space<hbm>>
      %dma_start3A_27 = arith.constant 0 : i32
      %dma_start3A_28 = tpu.memref_slice %arg7[%add3A_16, %dma_start3A_27] : memref<1024x256xf32, #tpu.memory_space<hbm>> -> memref<32x256xf32, #tpu.memory_space<hbm>>
      tpu.enqueue_dma source(%arg10 : memref<32x256xf32, #tpu.memory_space<vmem>>) target(%dma_start3A_28 : memref<32x256xf32, #tpu.memory_space<hbm>>) target_semaphore(%run_scoped3A : memref<!tpu.dma_semaphore, #tpu.memory_space<semaphore_mem>>)
      %dma_wait3A_29 = arith.constant 0 : i32
      %dma_wait3A_30 = tpu.memref_slice %arg7[%add3A_16, %dma_wait3A_29] : memref<1024x256xf32, #tpu.memory_space<hbm>> -> memref<32x256xf32, #tpu.memory_space<hbm>>
      %dma_wait3A_31 = arith.constant 0 : i32
      %dma_wait3A_32 = tpu.memref_slice %arg7[%add3A_16, %dma_wait3A_31] : memref<1024x256xf32, #tpu.memory_space<hbm>> -> memref<32x256xf32, #tpu.memory_space<hbm>>
      tpu.wait_dma2 semaphore(%run_scoped3A : memref<!tpu.dma_semaphore, #tpu.memory_space<semaphore_mem>>) src(%arg10 : memref<32x256xf32, #tpu.memory_space<vmem>>) dst(%dma_wait3A_32 : memref<32x256xf32, #tpu.memory_space<hbm>>)
      tpu.yield
    }) : () -> ()
    "tpu.region"() ({
      %run_scoped3A = tpu.sem_alloc : memref<!tpu.dma_semaphore, #tpu.memory_space<semaphore_mem>>
      %dma_start3A_25 = tpu.memref_slice %arg5[%mul3A_2] : memref<1024xi32, #tpu.memory_space<hbm>> -> memref<32xi32, #tpu.memory_space<hbm>>
      %dma_start3A_26 = tpu.memref_slice %arg5[%mul3A_2] : memref<1024xi32, #tpu.memory_space<hbm>> -> memref<32xi32, #tpu.memory_space<hbm>>
      tpu.enqueue_dma source(%dma_start3A_26 : memref<32xi32, #tpu.memory_space<hbm>>) target(%arg9 : memref<32xi32, #tpu.memory_space<vmem>>) target_semaphore(%run_scoped3A : memref<!tpu.dma_semaphore, #tpu.memory_space<semaphore_mem>>)
      %dma_wait3A_27 = tpu.memref_slice %arg5[%mul3A_2] : memref<1024xi32, #tpu.memory_space<hbm>> -> memref<32xi32, #tpu.memory_space<hbm>>
      %dma_wait3A_28 = tpu.memref_slice %arg5[%mul3A_2] : memref<1024xi32, #tpu.memory_space<hbm>> -> memref<32xi32, #tpu.memory_space<hbm>>
      tpu.wait_dma2 semaphore(%run_scoped3A : memref<!tpu.dma_semaphore, #tpu.memory_space<semaphore_mem>>) src(%dma_wait3A_28 : memref<32xi32, #tpu.memory_space<hbm>>) dst(%arg9 : memref<32xi32, #tpu.memory_space<vmem>>)
      tpu.yield
    }) : () -> ()
    %dma_start3A_17 = arith.constant 0 : i32
    %dma_start3A_18 = arith.constant 0 : i32
    %dma_start3A_19 = tpu.memref_slice %arg2[%dma_start3A_17, %dma_start3A_18] : memref<256x256xf32, #tpu.memory_space<hbm>> -> memref<256x256xf32, #tpu.memory_space<hbm>>
    tpu.enqueue_indirect_dma source(%dma_start3A_19 : memref<256x256xf32, #tpu.memory_space<hbm>>) target(%arg10 : memref<32x256xf32, #tpu.memory_space<vmem>>) offsets(%arg9 : memref<32xi32, #tpu.memory_space<vmem>>) semaphore(%arg11 : memref<!tpu.dma_semaphore, #tpu.memory_space<semaphore_mem>>)
    %dma_wait3A_20 = arith.constant 0 : i32
    %dma_wait3A_21 = arith.constant 0 : i32
    %dma_wait3A_22 = tpu.memref_slice %arg2[%dma_wait3A_20, %dma_wait3A_21] : memref<256x256xf32, #tpu.memory_space<hbm>> -> memref<256x256xf32, #tpu.memory_space<hbm>>
    tpu.wait_indirect_dma semaphore(%arg11 : memref<!tpu.dma_semaphore, #tpu.memory_space<semaphore_mem>>) src(%dma_wait3A_22 : memref<256x256xf32, #tpu.memory_space<hbm>>) dst(%arg10 : memref<32x256xf32, #tpu.memory_space<vmem>>)
    %add3A_23 = arith.constant 0 : i32
    %add3A_24 = arith.addi %mul3A_2, %add3A_23 : i32
    "tpu.region"() ({
      %run_scoped3A = tpu.sem_alloc : memref<!tpu.dma_semaphore, #tpu.memory_space<semaphore_mem>>
      %dma_start3A_25 = arith.constant 0 : i32
      %dma_start3A_26 = tpu.memref_slice %arg8[%add3A_24, %dma_start3A_25] : memref<1024x256xf32, #tpu.memory_space<hbm>> -> memref<32x256xf32, #tpu.memory_space<hbm>>
      %dma_start3A_27 = arith.constant 0 : i32
      %dma_start3A_28 = tpu.memref_slice %arg8[%add3A_24, %dma_start3A_27] : memref<1024x256xf32, #tpu.memory_space<hbm>> -> memref<32x256xf32, #tpu.memory_space<hbm>>
      tpu.enqueue_dma source(%arg10 : memref<32x256xf32, #tpu.memory_space<vmem>>) target(%dma_start3A_28 : memref<32x256xf32, #tpu.memory_space<hbm>>) target_semaphore(%run_scoped3A : memref<!tpu.dma_semaphore, #tpu.memory_space<semaphore_mem>>)
      %dma_wait3A_29 = arith.constant 0 : i32
      %dma_wait3A_30 = tpu.memref_slice %arg8[%add3A_24, %dma_wait3A_29] : memref<1024x256xf32, #tpu.memory_space<hbm>> -> memref<32x256xf32, #tpu.memory_space<hbm>>
      %dma_wait3A_31 = arith.constant 0 : i32
      %dma_wait3A_32 = tpu.memref_slice %arg8[%add3A_24, %dma_wait3A_31] : memref<1024x256xf32, #tpu.memory_space<hbm>> -> memref<32x256xf32, #tpu.memory_space<hbm>>
      tpu.wait_dma2 semaphore(%run_scoped3A : memref<!tpu.dma_semaphore, #tpu.memory_space<semaphore_mem>>) src(%arg10 : memref<32x256xf32, #tpu.memory_space<vmem>>) dst(%dma_wait3A_32 : memref<32x256xf32, #tpu.memory_space<hbm>>)
      tpu.yield
    }) : () -> ()
    return
  }
}

module attributes {stable_mosaic.version = 14 : i64} {
  func.func @_knn_body(%arg0: i32, %arg1: memref<256x8xf32, #tpu.memory_space<vmem>>, %arg2: memref<8x64xf32, #tpu.memory_space<vmem>>, %arg3: memref<8x64xf32, #tpu.memory_space<vmem>>, %arg4: memref<256x1xi32, #tpu.memory_space<vmem>>) attributes {dimension_semantics = [#tpu.dimension_semantics<arbitrary>], iteration_bounds = array<i64: 1>, scalar_prefetch = 0 : i64, scratch_operands = 0 : i64, tpu.core_type = #tpu.core_type<tc>, window_params = [{transform_indices = @transform_0, window_bounds = array<i64: 256, 8>}, {pipeline_mode = #tpu.pipeline_mode<synchronous>, transform_indices = @transform_1, window_bounds = array<i64: 8, 64>}, {pipeline_mode = #tpu.pipeline_mode<synchronous>, transform_indices = @transform_2, window_bounds = array<i64: 8, 64>}, {transform_indices = @transform_3, window_bounds = array<i64: 256, 1>}]} {
    %get3A = arith.constant 0 : index
    %get3A_0 = arith.constant 0 : index
    %get3A_1 = vector.load %arg1[%get3A, %get3A_0] : memref<256x8xf32, #tpu.memory_space<vmem>>, vector<256x8xf32>
    %get3A_2 = arith.constant 0 : index
    %get3A_3 = arith.constant 0 : index
    %get3A_4 = vector.load %arg2[%get3A_2, %get3A_3] : memref<8x64xf32, #tpu.memory_space<vmem>>, vector<8x64xf32>
    %get3A_5 = arith.constant 0 : index
    %get3A_6 = arith.constant 0 : index
    %get3A_7 = vector.load %arg3[%get3A_5, %get3A_6] : memref<8x64xf32, #tpu.memory_space<vmem>>, vector<1x64xf32>
    %dot_general3A = arith.constant dense<0.000000e+00> : vector<256x64xf32>
    %dot_general3A_8 = tpu.matmul %get3A_1, %get3A_4, %dot_general3A {dimension_numbers = #tpu.dot_dimension_numbers<[1], [0], [0], [1], [0, 0, 1, 1], [], []>, transpose_lhs_hint = false} : vector<256x8xf32>, vector<8x64xf32>, vector<256x64xf32> -> vector<256x64xf32>
    %slice3A = vector.extract_strided_slice %get3A_1 {offsets = [0, 0], sizes = [256, 1], strides = [1, 1]} : vector<256x8xf32> to vector<256x1xf32>
    %slice3A_9 = vector.extract_strided_slice %get3A_1 {offsets = [0, 0], sizes = [256, 1], strides = [1, 1]} : vector<256x8xf32> to vector<256x1xf32>
    %mul3A = arith.mulf %slice3A, %slice3A_9 : vector<256x1xf32>
    %slice3A_10 = vector.extract_strided_slice %get3A_1 {offsets = [0, 1], sizes = [256, 1], strides = [1, 1]} : vector<256x8xf32> to vector<256x1xf32>
    %slice3A_11 = vector.extract_strided_slice %get3A_1 {offsets = [0, 1], sizes = [256, 1], strides = [1, 1]} : vector<256x8xf32> to vector<256x1xf32>
    %mul3A_12 = arith.mulf %slice3A_10, %slice3A_11 : vector<256x1xf32>
    %add3A = arith.addf %mul3A, %mul3A_12 : vector<256x1xf32>
    %slice3A_13 = vector.extract_strided_slice %get3A_1 {offsets = [0, 2], sizes = [256, 1], strides = [1, 1]} : vector<256x8xf32> to vector<256x1xf32>
    %slice3A_14 = vector.extract_strided_slice %get3A_1 {offsets = [0, 2], sizes = [256, 1], strides = [1, 1]} : vector<256x8xf32> to vector<256x1xf32>
    %mul3A_15 = arith.mulf %slice3A_13, %slice3A_14 : vector<256x1xf32>
    %add3A_16 = arith.addf %add3A, %mul3A_15 : vector<256x1xf32>
    %slice3A_17 = vector.extract_strided_slice %get3A_4 {offsets = [0, 0], sizes = [1, 64], strides = [1, 1]} : vector<8x64xf32> to vector<1x64xf32>
    %slice3A_18 = vector.extract_strided_slice %get3A_4 {offsets = [0, 0], sizes = [1, 64], strides = [1, 1]} : vector<8x64xf32> to vector<1x64xf32>
    %mul3A_19 = arith.mulf %slice3A_17, %slice3A_18 : vector<1x64xf32>
    %slice3A_20 = vector.extract_strided_slice %get3A_4 {offsets = [1, 0], sizes = [1, 64], strides = [1, 1]} : vector<8x64xf32> to vector<1x64xf32>
    %slice3A_21 = vector.extract_strided_slice %get3A_4 {offsets = [1, 0], sizes = [1, 64], strides = [1, 1]} : vector<8x64xf32> to vector<1x64xf32>
    %mul3A_22 = arith.mulf %slice3A_20, %slice3A_21 : vector<1x64xf32>
    %add3A_23 = arith.addf %mul3A_19, %mul3A_22 : vector<1x64xf32>
    %slice3A_24 = vector.extract_strided_slice %get3A_4 {offsets = [2, 0], sizes = [1, 64], strides = [1, 1]} : vector<8x64xf32> to vector<1x64xf32>
    %slice3A_25 = vector.extract_strided_slice %get3A_4 {offsets = [2, 0], sizes = [1, 64], strides = [1, 1]} : vector<8x64xf32> to vector<1x64xf32>
    %mul3A_26 = arith.mulf %slice3A_24, %slice3A_25 : vector<1x64xf32>
    %add3A_27 = arith.addf %add3A_23, %mul3A_26 : vector<1x64xf32>
    %add3A_28 = vector.broadcast %add3A_16 : vector<256x1xf32> to vector<256x64xf32>
    %add3A_29 = vector.broadcast %add3A_27 : vector<1x64xf32> to vector<256x64xf32>
    %add3A_30 = arith.addf %add3A_28, %add3A_29 : vector<256x64xf32>
    %mul3A_31 = arith.constant 2.000000e+00 : f32
    %mul3A_32 = vector.broadcast %mul3A_31 : f32 to vector<256x64xf32>
    %mul3A_33 = arith.mulf %mul3A_32, %dot_general3A_8 : vector<256x64xf32>
    %sub3A = arith.subf %add3A_30, %mul3A_33 : vector<256x64xf32>
    %max3A = arith.constant 0.000000e+00 : f32
    %max3A_34 = vector.broadcast %max3A : f32 to vector<256x64xf32>
    %max3A_35 = arith.maximumf %sub3A, %max3A_34 : vector<256x64xf32>
    %slice3A_36 = vector.extract_strided_slice %get3A_1 {offsets = [0, 3], sizes = [256, 1], strides = [1, 1]} : vector<256x8xf32> to vector<256x1xf32>
    %ne3A = vector.broadcast %slice3A_36 : vector<256x1xf32> to vector<256x64xf32>
    %ne3A_37 = vector.broadcast %get3A_7 : vector<1x64xf32> to vector<256x64xf32>
    %ne3A_38 = arith.cmpf one, %ne3A, %ne3A_37 : vector<256x64xf32>
    %jit3A = arith.constant 0x7F800000 : f32
    %broadcast_in_dim3A = vector.broadcast %jit3A : f32 to vector<256x64xf32>
    %select_n3A = arith.select %ne3A_38, %broadcast_in_dim3A, %max3A_35 : vector<256x64xi1>, vector<256x64xf32>
    %iota3A = tpu.iota {dimensions = array<i32: 1>} : vector<256x64xi32>
    %reduce_min3A = arith.constant dense<0x7F800000> : vector<256xf32>
    %reduce_min3A_39 = vector.multi_reduction <minimumf>, %select_n3A, %reduce_min3A [1] : vector<256x64xf32> to vector<256xf32>
    %broadcast_in_dim3A_40 = vector.shape_cast %reduce_min3A_39 : vector<256xf32> to vector<256x1xf32>
    %eq3A = vector.broadcast %broadcast_in_dim3A_40 : vector<256x1xf32> to vector<256x64xf32>
    %eq3A_41 = arith.cmpf oeq, %select_n3A, %eq3A : vector<256x64xf32>
    %jit3A_42 = arith.constant 64 : i32
    %broadcast_in_dim3A_43 = vector.broadcast %jit3A_42 : i32 to vector<256x64xi32>
    %select_n3A_44 = arith.select %eq3A_41, %iota3A, %broadcast_in_dim3A_43 : vector<256x64xi1>, vector<256x64xi32>
    %reduce_min3A_45 = arith.constant dense<2147483647> : vector<256xi32>
    %reduce_min3A_46 = vector.multi_reduction <minsi>, %select_n3A_44, %reduce_min3A_45 [1] : vector<256x64xi32> to vector<256xi32>
    %broadcast_in_dim3A_47 = vector.shape_cast %reduce_min3A_46 : vector<256xi32> to vector<256x1xi32>
    %swap3A = arith.constant 0 : index
    %swap3A_48 = arith.constant 0 : index
    %swap3A_49 = vector.load %arg4[%swap3A, %swap3A_48] : memref<256x1xi32, #tpu.memory_space<vmem>>, vector<256x1xi32>
    tpu.vector_store %arg4[%swap3A, %swap3A_48], %broadcast_in_dim3A_47 {strides = array<i32>} : memref<256x1xi32, #tpu.memory_space<vmem>>, vector<256x1xi32>,
    return
  }
  func.func @transform_0(%arg0: i32) -> (i32, i32) {
    %c0_i32 = arith.constant 0 : i32
    %c0_i32_0 = arith.constant 0 : i32
    return %arg0, %c0_i32 : i32, i32
  }
  func.func @transform_1(%arg0: i32) -> (i32, i32) {
    %c0_i32 = arith.constant 0 : i32
    %c0_i32_0 = arith.constant 0 : i32
    %c0_i32_1 = arith.constant 0 : i32
    return %c0_i32, %c0_i32_0 : i32, i32
  }
  func.func @transform_2(%arg0: i32) -> (i32, i32) {
    %c0_i32 = arith.constant 0 : i32
    %c0_i32_0 = arith.constant 0 : i32
    %c0_i32_1 = arith.constant 0 : i32
    return %c0_i32, %c0_i32_0 : i32, i32
  }
  func.func @transform_3(%arg0: i32) -> (i32, i32) {
    %c0_i32 = arith.constant 0 : i32
    %c0_i32_0 = arith.constant 0 : i32
    return %arg0, %c0_i32 : i32, i32
  }
}

module attributes {stable_mosaic.version = 14 : i64} {
  func.func @_mlp_body(%arg0: i32, %arg1: memref<512x256xf32, #tpu.memory_space<vmem>>, %arg2: memref<256x256xf32, #tpu.memory_space<vmem>>, %arg3: memref<1x256xf32, #tpu.memory_space<vmem>>, %arg4: memref<256x256xf32, #tpu.memory_space<vmem>>, %arg5: memref<1x256xf32, #tpu.memory_space<vmem>>, %arg6: memref<256x256xf32, #tpu.memory_space<vmem>>, %arg7: memref<256x512xf32, #tpu.memory_space<vmem>>, %arg8: memref<256x256xf32, #tpu.memory_space<vmem>>) attributes {dimension_semantics = [#tpu.dimension_semantics<arbitrary>], iteration_bounds = array<i64: 1>, scalar_prefetch = 0 : i64, scratch_operands = 0 : i64, tpu.core_type = #tpu.core_type<tc>, window_params = [{pipeline_mode = #tpu.pipeline_mode<synchronous>, transform_indices = @transform_0, window_bounds = array<i64: 512, 256>}, {pipeline_mode = #tpu.pipeline_mode<synchronous>, transform_indices = @transform_1, window_bounds = array<i64: 256, 256>}, {pipeline_mode = #tpu.pipeline_mode<synchronous>, transform_indices = @transform_2, window_bounds = array<i64: 1, 256>}, {pipeline_mode = #tpu.pipeline_mode<synchronous>, transform_indices = @transform_3, window_bounds = array<i64: 256, 256>}, {pipeline_mode = #tpu.pipeline_mode<synchronous>, transform_indices = @transform_4, window_bounds = array<i64: 1, 256>}, {transform_indices = @transform_5, window_bounds = array<i64: 256, 256>}, {transform_indices = @transform_6, window_bounds = array<i64: 256, 512>}, {transform_indices = @transform_7, window_bounds = array<i64: 256, 256>}]} {
    %get3A = arith.constant 0 : index
    %get3A_0 = arith.constant 0 : index
    %get3A_1 = vector.load %arg7[%get3A, %get3A_0] : memref<256x512xf32, #tpu.memory_space<vmem>>, vector<256x512xf32>
    %get3A_2 = arith.constant 0 : index
    %get3A_3 = arith.constant 0 : index
    %get3A_4 = vector.load %arg1[%get3A_2, %get3A_3] : memref<512x256xf32, #tpu.memory_space<vmem>>, vector<512x256xf32>
    %dot_general3A = arith.constant dense<0.000000e+00> : vector<256x256xf32>
    %dot_general3A_5 = tpu.matmul %get3A_1, %get3A_4, %dot_general3A {dimension_numbers = #tpu.dot_dimension_numbers<[1], [0], [0], [1], [0, 0, 1, 1], [], []>, transpose_lhs_hint = false} : vector<256x512xf32>, vector<512x256xf32>, vector<256x256xf32> -> vector<256x256xf32>
    %get3A_6 = arith.constant 0 : index
    %get3A_7 = arith.constant 0 : index
    %get3A_8 = vector.load %arg6[%get3A_6, %get3A_7] : memref<256x256xf32, #tpu.memory_space<vmem>>, vector<256x256xf32>
    %get3A_9 = arith.constant 0 : index
    %get3A_10 = arith.constant 0 : index
    %get3A_11 = vector.load %arg2[%get3A_9, %get3A_10] : memref<256x256xf32, #tpu.memory_space<vmem>>, vector<256x256xf32>
    %dot_general3A_12 = arith.constant dense<0.000000e+00> : vector<256x256xf32>
    %dot_general3A_13 = tpu.matmul %get3A_8, %get3A_11, %dot_general3A_12 {dimension_numbers = #tpu.dot_dimension_numbers<[1], [0], [0], [1], [0, 0, 1, 1], [], []>, transpose_lhs_hint = false} : vector<256x256xf32>, vector<256x256xf32>, vector<256x256xf32> -> vector<256x256xf32>
    %add3A = arith.addf %dot_general3A_5, %dot_general3A_13 : vector<256x256xf32>
    %get3A_14 = arith.constant 0 : index
    %get3A_15 = arith.constant 0 : index
    %get3A_16 = vector.load %arg3[%get3A_14, %get3A_15] : memref<1x256xf32, #tpu.memory_space<vmem>>, vector<1x256xf32>
    %add3A_17 = vector.broadcast %get3A_16 : vector<1x256xf32> to vector<256x256xf32>
    %add3A_18 = arith.addf %add3A, %add3A_17 : vector<256x256xf32>
    %max3A = arith.constant 0.000000e+00 : f32
    %max3A_19 = vector.broadcast %max3A : f32 to vector<256x256xf32>
    %max3A_20 = arith.maximumf %add3A_18, %max3A_19 : vector<256x256xf32>
    %get3A_21 = arith.constant 0 : index
    %get3A_22 = arith.constant 0 : index
    %get3A_23 = vector.load %arg4[%get3A_21, %get3A_22] : memref<256x256xf32, #tpu.memory_space<vmem>>, vector<256x256xf32>
    %dot_general3A_24 = arith.constant dense<0.000000e+00> : vector<256x256xf32>
    %dot_general3A_25 = tpu.matmul %max3A_20, %get3A_23, %dot_general3A_24 {dimension_numbers = #tpu.dot_dimension_numbers<[1], [0], [0], [1], [0, 0, 1, 1], [], []>, transpose_lhs_hint = false} : vector<256x256xf32>, vector<256x256xf32>, vector<256x256xf32> -> vector<256x256xf32>
    %get3A_26 = arith.constant 0 : index
    %get3A_27 = arith.constant 0 : index
    %get3A_28 = vector.load %arg5[%get3A_26, %get3A_27] : memref<1x256xf32, #tpu.memory_space<vmem>>, vector<1x256xf32>
    %add3A_29 = vector.broadcast %get3A_28 : vector<1x256xf32> to vector<256x256xf32>
    %add3A_30 = arith.addf %dot_general3A_25, %add3A_29 : vector<256x256xf32>
    %swap3A = arith.constant 0 : index
    %swap3A_31 = arith.constant 0 : index
    %swap3A_32 = vector.load %arg8[%swap3A, %swap3A_31] : memref<256x256xf32, #tpu.memory_space<vmem>>, vector<256x256xf32>
    tpu.vector_store %arg8[%swap3A, %swap3A_31], %add3A_30 {strides = array<i32>} : memref<256x256xf32, #tpu.memory_space<vmem>>, vector<256x256xf32>,
    return
  }
  func.func @transform_0(%arg0: i32) -> (i32, i32) {
    %c0_i32 = arith.constant 0 : i32
    %c0_i32_0 = arith.constant 0 : i32
    %c0_i32_1 = arith.constant 0 : i32
    return %c0_i32, %c0_i32_0 : i32, i32
  }
  func.func @transform_1(%arg0: i32) -> (i32, i32) {
    %c0_i32 = arith.constant 0 : i32
    %c0_i32_0 = arith.constant 0 : i32
    %c0_i32_1 = arith.constant 0 : i32
    return %c0_i32, %c0_i32_0 : i32, i32
  }
  func.func @transform_2(%arg0: i32) -> (i32, i32) {
    %c0_i32 = arith.constant 0 : i32
    %c0_i32_0 = arith.constant 0 : i32
    %c0_i32_1 = arith.constant 0 : i32
    return %c0_i32, %c0_i32_0 : i32, i32
  }
  func.func @transform_3(%arg0: i32) -> (i32, i32) {
    %c0_i32 = arith.constant 0 : i32
    %c0_i32_0 = arith.constant 0 : i32
    %c0_i32_1 = arith.constant 0 : i32
    return %c0_i32, %c0_i32_0 : i32, i32
  }
  func.func @transform_4(%arg0: i32) -> (i32, i32) {
    %c0_i32 = arith.constant 0 : i32
    %c0_i32_0 = arith.constant 0 : i32
    %c0_i32_1 = arith.constant 0 : i32
    return %c0_i32, %c0_i32_0 : i32, i32
  }
  func.func @transform_5(%arg0: i32) -> (i32, i32) {
    %c0_i32 = arith.constant 0 : i32
    %c0_i32_0 = arith.constant 0 : i32
    return %arg0, %c0_i32 : i32, i32
  }
  func.func @transform_6(%arg0: i32) -> (i32, i32) {
    %c0_i32 = arith.constant 0 : i32
    %c0_i32_0 = arith.constant 0 : i32
    return %arg0, %c0_i32 : i32, i32
  }
  func.func @transform_7(%arg0: i32) -> (i32, i32) {
    %c0_i32 = arith.constant 0 : i32
    %c0_i32_0 = arith.constant 0 : i32
    return %arg0, %c0_i32 : i32, i32
  }
}

module attributes {stable_mosaic.version = 14 : i64} {
  func.func @_knn_body(%arg0: i32, %arg1: memref<1024x8xf32, #tpu.memory_space<vmem>>, %arg2: memref<8x256xf32, #tpu.memory_space<vmem>>, %arg3: memref<8x256xf32, #tpu.memory_space<vmem>>, %arg4: memref<1024x1xi32, #tpu.memory_space<vmem>>, %arg5: memref<1024x1xi32, #tpu.memory_space<vmem>>, %arg6: memref<1024x1xi32, #tpu.memory_space<vmem>>, %arg7: memref<1024x1xf32, #tpu.memory_space<vmem>>, %arg8: memref<1024x1xf32, #tpu.memory_space<vmem>>, %arg9: memref<1024x1xf32, #tpu.memory_space<vmem>>) attributes {dimension_semantics = [#tpu.dimension_semantics<arbitrary>], iteration_bounds = array<i64: 1>, scalar_prefetch = 0 : i64, scratch_operands = 0 : i64, tpu.core_type = #tpu.core_type<tc>, window_params = [{transform_indices = @transform_0, window_bounds = array<i64: 1024, 8>}, {pipeline_mode = #tpu.pipeline_mode<synchronous>, transform_indices = @transform_1, window_bounds = array<i64: 8, 256>}, {pipeline_mode = #tpu.pipeline_mode<synchronous>, transform_indices = @transform_2, window_bounds = array<i64: 8, 256>}, {transform_indices = @transform_3, window_bounds = array<i64: 1024, 1>}, {transform_indices = @transform_4, window_bounds = array<i64: 1024, 1>}, {transform_indices = @transform_5, window_bounds = array<i64: 1024, 1>}, {transform_indices = @transform_6, window_bounds = array<i64: 1024, 1>}, {transform_indices = @transform_7, window_bounds = array<i64: 1024, 1>}, {transform_indices = @transform_8, window_bounds = array<i64: 1024, 1>}]} {
    %get3A = arith.constant 0 : index
    %get3A_0 = arith.constant 0 : index
    %get3A_1 = vector.load %arg1[%get3A, %get3A_0] : memref<1024x8xf32, #tpu.memory_space<vmem>>, vector<1024x8xf32>
    %get3A_2 = arith.constant 0 : index
    %get3A_3 = arith.constant 0 : index
    %get3A_4 = vector.load %arg2[%get3A_2, %get3A_3] : memref<8x256xf32, #tpu.memory_space<vmem>>, vector<8x256xf32>
    %get3A_5 = arith.constant 0 : index
    %get3A_6 = arith.constant 0 : index
    %get3A_7 = vector.load %arg3[%get3A_5, %get3A_6] : memref<8x256xf32, #tpu.memory_space<vmem>>, vector<1x256xf32>
    %dot_general3A = arith.constant dense<0.000000e+00> : vector<1024x256xf32>
    %dot_general3A_8 = tpu.matmul %get3A_1, %get3A_4, %dot_general3A {dimension_numbers = #tpu.dot_dimension_numbers<[1], [0], [0], [1], [0, 0, 1, 1], [], []>, transpose_lhs_hint = false} : vector<1024x8xf32>, vector<8x256xf32>, vector<1024x256xf32> -> vector<1024x256xf32>
    %slice3A = vector.extract_strided_slice %get3A_1 {offsets = [0, 0], sizes = [1024, 1], strides = [1, 1]} : vector<1024x8xf32> to vector<1024x1xf32>
    %slice3A_9 = vector.extract_strided_slice %get3A_1 {offsets = [0, 0], sizes = [1024, 1], strides = [1, 1]} : vector<1024x8xf32> to vector<1024x1xf32>
    %mul3A = arith.mulf %slice3A, %slice3A_9 : vector<1024x1xf32>
    %slice3A_10 = vector.extract_strided_slice %get3A_1 {offsets = [0, 1], sizes = [1024, 1], strides = [1, 1]} : vector<1024x8xf32> to vector<1024x1xf32>
    %slice3A_11 = vector.extract_strided_slice %get3A_1 {offsets = [0, 1], sizes = [1024, 1], strides = [1, 1]} : vector<1024x8xf32> to vector<1024x1xf32>
    %mul3A_12 = arith.mulf %slice3A_10, %slice3A_11 : vector<1024x1xf32>
    %add3A = arith.addf %mul3A, %mul3A_12 : vector<1024x1xf32>
    %slice3A_13 = vector.extract_strided_slice %get3A_1 {offsets = [0, 2], sizes = [1024, 1], strides = [1, 1]} : vector<1024x8xf32> to vector<1024x1xf32>
    %slice3A_14 = vector.extract_strided_slice %get3A_1 {offsets = [0, 2], sizes = [1024, 1], strides = [1, 1]} : vector<1024x8xf32> to vector<1024x1xf32>
    %mul3A_15 = arith.mulf %slice3A_13, %slice3A_14 : vector<1024x1xf32>
    %add3A_16 = arith.addf %add3A, %mul3A_15 : vector<1024x1xf32>
    %slice3A_17 = vector.extract_strided_slice %get3A_4 {offsets = [0, 0], sizes = [1, 256], strides = [1, 1]} : vector<8x256xf32> to vector<1x256xf32>
    %slice3A_18 = vector.extract_strided_slice %get3A_4 {offsets = [0, 0], sizes = [1, 256], strides = [1, 1]} : vector<8x256xf32> to vector<1x256xf32>
    %mul3A_19 = arith.mulf %slice3A_17, %slice3A_18 : vector<1x256xf32>
    %slice3A_20 = vector.extract_strided_slice %get3A_4 {offsets = [1, 0], sizes = [1, 256], strides = [1, 1]} : vector<8x256xf32> to vector<1x256xf32>
    %slice3A_21 = vector.extract_strided_slice %get3A_4 {offsets = [1, 0], sizes = [1, 256], strides = [1, 1]} : vector<8x256xf32> to vector<1x256xf32>
    %mul3A_22 = arith.mulf %slice3A_20, %slice3A_21 : vector<1x256xf32>
    %add3A_23 = arith.addf %mul3A_19, %mul3A_22 : vector<1x256xf32>
    %slice3A_24 = vector.extract_strided_slice %get3A_4 {offsets = [2, 0], sizes = [1, 256], strides = [1, 1]} : vector<8x256xf32> to vector<1x256xf32>
    %slice3A_25 = vector.extract_strided_slice %get3A_4 {offsets = [2, 0], sizes = [1, 256], strides = [1, 1]} : vector<8x256xf32> to vector<1x256xf32>
    %mul3A_26 = arith.mulf %slice3A_24, %slice3A_25 : vector<1x256xf32>
    %add3A_27 = arith.addf %add3A_23, %mul3A_26 : vector<1x256xf32>
    %add3A_28 = vector.broadcast %add3A_16 : vector<1024x1xf32> to vector<1024x256xf32>
    %add3A_29 = vector.broadcast %add3A_27 : vector<1x256xf32> to vector<1024x256xf32>
    %add3A_30 = arith.addf %add3A_28, %add3A_29 : vector<1024x256xf32>
    %mul3A_31 = arith.constant 2.000000e+00 : f32
    %mul3A_32 = vector.broadcast %mul3A_31 : f32 to vector<1024x256xf32>
    %mul3A_33 = arith.mulf %mul3A_32, %dot_general3A_8 : vector<1024x256xf32>
    %sub3A = arith.subf %add3A_30, %mul3A_33 : vector<1024x256xf32>
    %max3A = arith.constant 0.000000e+00 : f32
    %max3A_34 = vector.broadcast %max3A : f32 to vector<1024x256xf32>
    %max3A_35 = arith.maximumf %sub3A, %max3A_34 : vector<1024x256xf32>
    %slice3A_36 = vector.extract_strided_slice %get3A_1 {offsets = [0, 3], sizes = [1024, 1], strides = [1, 1]} : vector<1024x8xf32> to vector<1024x1xf32>
    %ne3A = vector.broadcast %slice3A_36 : vector<1024x1xf32> to vector<1024x256xf32>
    %ne3A_37 = vector.broadcast %get3A_7 : vector<1x256xf32> to vector<1024x256xf32>
    %ne3A_38 = arith.cmpf one, %ne3A, %ne3A_37 : vector<1024x256xf32>
    %jit3A = arith.constant 0x7F800000 : f32
    %broadcast_in_dim3A = vector.broadcast %jit3A : f32 to vector<1024x256xf32>
    %select_n3A = arith.select %ne3A_38, %broadcast_in_dim3A, %max3A_35 : vector<1024x256xi1>, vector<1024x256xf32>
    %iota3A = tpu.iota {dimensions = array<i32: 1>} : vector<1024x256xi32>
    %reduce_min3A = arith.constant dense<0x7F800000> : vector<1024xf32>
    %reduce_min3A_39 = vector.multi_reduction <minimumf>, %select_n3A, %reduce_min3A [1] : vector<1024x256xf32> to vector<1024xf32>
    %broadcast_in_dim3A_40 = vector.shape_cast %reduce_min3A_39 : vector<1024xf32> to vector<1024x1xf32>
    %eq3A = vector.broadcast %broadcast_in_dim3A_40 : vector<1024x1xf32> to vector<1024x256xf32>
    %eq3A_41 = arith.cmpf oeq, %select_n3A, %eq3A : vector<1024x256xf32>
    %jit3A_42 = arith.constant 256 : i32
    %broadcast_in_dim3A_43 = vector.broadcast %jit3A_42 : i32 to vector<1024x256xi32>
    %select_n3A_44 = arith.select %eq3A_41, %iota3A, %broadcast_in_dim3A_43 : vector<1024x256xi1>, vector<1024x256xi32>
    %reduce_min3A_45 = arith.constant dense<2147483647> : vector<1024xi32>
    %reduce_min3A_46 = vector.multi_reduction <minsi>, %select_n3A_44, %reduce_min3A_45 [1] : vector<1024x256xi32> to vector<1024xi32>
    %broadcast_in_dim3A_47 = vector.shape_cast %reduce_min3A_46 : vector<1024xi32> to vector<1024x1xi32>
    %swap3A = arith.constant 0 : index
    %swap3A_48 = arith.constant 0 : index
    %swap3A_49 = vector.load %arg4[%swap3A, %swap3A_48] : memref<1024x1xi32, #tpu.memory_space<vmem>>, vector<1024x1xi32>
    tpu.vector_store %arg4[%swap3A, %swap3A_48], %broadcast_in_dim3A_47 {strides = array<i32>} : memref<1024x1xi32, #tpu.memory_space<vmem>>, vector<1024x1xi32>,
    %eq3A_50 = vector.broadcast %broadcast_in_dim3A_47 : vector<1024x1xi32> to vector<1024x256xi32>
    %eq3A_51 = arith.cmpi eq, %iota3A, %eq3A_50 : vector<1024x256xi32>
    %jit3A_52 = arith.constant 0x7F800000 : f32
    %broadcast_in_dim3A_53 = vector.broadcast %jit3A_52 : f32 to vector<1024x256xf32>
    %select_n3A_54 = arith.select %eq3A_51, %broadcast_in_dim3A_53, %select_n3A : vector<1024x256xi1>, vector<1024x256xf32>
    %reduce_min3A_55 = arith.constant dense<0x7F800000> : vector<1024xf32>
    %reduce_min3A_56 = vector.multi_reduction <minimumf>, %select_n3A_54, %reduce_min3A_55 [1] : vector<1024x256xf32> to vector<1024xf32>
    %broadcast_in_dim3A_57 = vector.shape_cast %reduce_min3A_56 : vector<1024xf32> to vector<1024x1xf32>
    %eq3A_58 = vector.broadcast %broadcast_in_dim3A_57 : vector<1024x1xf32> to vector<1024x256xf32>
    %eq3A_59 = arith.cmpf oeq, %select_n3A_54, %eq3A_58 : vector<1024x256xf32>
    %jit3A_60 = arith.constant 256 : i32
    %broadcast_in_dim3A_61 = vector.broadcast %jit3A_60 : i32 to vector<1024x256xi32>
    %select_n3A_62 = arith.select %eq3A_59, %iota3A, %broadcast_in_dim3A_61 : vector<1024x256xi1>, vector<1024x256xi32>
    %reduce_min3A_63 = arith.constant dense<2147483647> : vector<1024xi32>
    %reduce_min3A_64 = vector.multi_reduction <minsi>, %select_n3A_62, %reduce_min3A_63 [1] : vector<1024x256xi32> to vector<1024xi32>
    %broadcast_in_dim3A_65 = vector.shape_cast %reduce_min3A_64 : vector<1024xi32> to vector<1024x1xi32>
    %swap3A_66 = arith.constant 0 : index
    %swap3A_67 = arith.constant 0 : index
    %swap3A_68 = vector.load %arg5[%swap3A_66, %swap3A_67] : memref<1024x1xi32, #tpu.memory_space<vmem>>, vector<1024x1xi32>
    tpu.vector_store %arg5[%swap3A_66, %swap3A_67], %broadcast_in_dim3A_65 {strides = array<i32>} : memref<1024x1xi32, #tpu.memory_space<vmem>>, vector<1024x1xi32>,
    %eq3A_69 = vector.broadcast %broadcast_in_dim3A_65 : vector<1024x1xi32> to vector<1024x256xi32>
    %eq3A_70 = arith.cmpi eq, %iota3A, %eq3A_69 : vector<1024x256xi32>
    %jit3A_71 = arith.constant 0x7F800000 : f32
    %broadcast_in_dim3A_72 = vector.broadcast %jit3A_71 : f32 to vector<1024x256xf32>
    %select_n3A_73 = arith.select %eq3A_70, %broadcast_in_dim3A_72, %select_n3A_54 : vector<1024x256xi1>, vector<1024x256xf32>
    %reduce_min3A_74 = arith.constant dense<0x7F800000> : vector<1024xf32>
    %reduce_min3A_75 = vector.multi_reduction <minimumf>, %select_n3A_73, %reduce_min3A_74 [1] : vector<1024x256xf32> to vector<1024xf32>
    %broadcast_in_dim3A_76 = vector.shape_cast %reduce_min3A_75 : vector<1024xf32> to vector<1024x1xf32>
    %eq3A_77 = vector.broadcast %broadcast_in_dim3A_76 : vector<1024x1xf32> to vector<1024x256xf32>
    %eq3A_78 = arith.cmpf oeq, %select_n3A_73, %eq3A_77 : vector<1024x256xf32>
    %jit3A_79 = arith.constant 256 : i32
    %broadcast_in_dim3A_80 = vector.broadcast %jit3A_79 : i32 to vector<1024x256xi32>
    %select_n3A_81 = arith.select %eq3A_78, %iota3A, %broadcast_in_dim3A_80 : vector<1024x256xi1>, vector<1024x256xi32>
    %reduce_min3A_82 = arith.constant dense<2147483647> : vector<1024xi32>
    %reduce_min3A_83 = vector.multi_reduction <minsi>, %select_n3A_81, %reduce_min3A_82 [1] : vector<1024x256xi32> to vector<1024xi32>
    %broadcast_in_dim3A_84 = vector.shape_cast %reduce_min3A_83 : vector<1024xi32> to vector<1024x1xi32>
    %swap3A_85 = arith.constant 0 : index
    %swap3A_86 = arith.constant 0 : index
    %swap3A_87 = vector.load %arg6[%swap3A_85, %swap3A_86] : memref<1024x1xi32, #tpu.memory_space<vmem>>, vector<1024x1xi32>
    tpu.vector_store %arg6[%swap3A_85, %swap3A_86], %broadcast_in_dim3A_84 {strides = array<i32>} : memref<1024x1xi32, #tpu.memory_space<vmem>>, vector<1024x1xi32>,
    %max3A_88 = arith.constant 1.000000e-16 : f32
    %max3A_89 = vector.broadcast %max3A_88 : f32 to vector<1024x1xf32>
    %max3A_90 = arith.maximumf %broadcast_in_dim3A_40, %max3A_89 : vector<1024x1xf32>
    %div3A = arith.constant 1.000000e+00 : f32
    %div3A_91 = vector.broadcast %div3A : f32 to vector<1024x1xf32>
    %div3A_92 = arith.divf %div3A_91, %max3A_90 : vector<1024x1xf32>
    %max3A_93 = arith.constant 1.000000e-16 : f32
    %max3A_94 = vector.broadcast %max3A_93 : f32 to vector<1024x1xf32>
    %max3A_95 = arith.maximumf %broadcast_in_dim3A_57, %max3A_94 : vector<1024x1xf32>
    %div3A_96 = arith.constant 1.000000e+00 : f32
    %div3A_97 = vector.broadcast %div3A_96 : f32 to vector<1024x1xf32>
    %div3A_98 = arith.divf %div3A_97, %max3A_95 : vector<1024x1xf32>
    %max3A_99 = arith.constant 1.000000e-16 : f32
    %max3A_100 = vector.broadcast %max3A_99 : f32 to vector<1024x1xf32>
    %max3A_101 = arith.maximumf %broadcast_in_dim3A_76, %max3A_100 : vector<1024x1xf32>
    %div3A_102 = arith.constant 1.000000e+00 : f32
    %div3A_103 = vector.broadcast %div3A_102 : f32 to vector<1024x1xf32>
    %div3A_104 = arith.divf %div3A_103, %max3A_101 : vector<1024x1xf32>
    %add3A_105 = arith.addf %div3A_92, %div3A_98 : vector<1024x1xf32>
    %add3A_106 = arith.addf %add3A_105, %div3A_104 : vector<1024x1xf32>
    %div3A_107 = arith.divf %div3A_92, %add3A_106 : vector<1024x1xf32>
    %swap3A_108 = arith.constant 0 : index
    %swap3A_109 = arith.constant 0 : index
    %swap3A_110 = vector.load %arg7[%swap3A_108, %swap3A_109] : memref<1024x1xf32, #tpu.memory_space<vmem>>, vector<1024x1xf32>
    tpu.vector_store %arg7[%swap3A_108, %swap3A_109], %div3A_107 {strides = array<i32>} : memref<1024x1xf32, #tpu.memory_space<vmem>>, vector<1024x1xf32>,
    %div3A_111 = arith.divf %div3A_98, %add3A_106 : vector<1024x1xf32>
    %swap3A_112 = arith.constant 0 : index
    %swap3A_113 = arith.constant 0 : index
    %swap3A_114 = vector.load %arg8[%swap3A_112, %swap3A_113] : memref<1024x1xf32, #tpu.memory_space<vmem>>, vector<1024x1xf32>
    tpu.vector_store %arg8[%swap3A_112, %swap3A_113], %div3A_111 {strides = array<i32>} : memref<1024x1xf32, #tpu.memory_space<vmem>>, vector<1024x1xf32>,
    %div3A_115 = arith.divf %div3A_104, %add3A_106 : vector<1024x1xf32>
    %swap3A_116 = arith.constant 0 : index
    %swap3A_117 = arith.constant 0 : index
    %swap3A_118 = vector.load %arg9[%swap3A_116, %swap3A_117] : memref<1024x1xf32, #tpu.memory_space<vmem>>, vector<1024x1xf32>
    tpu.vector_store %arg9[%swap3A_116, %swap3A_117], %div3A_115 {strides = array<i32>} : memref<1024x1xf32, #tpu.memory_space<vmem>>, vector<1024x1xf32>,
    return
  }
  func.func @transform_0(%arg0: i32) -> (i32, i32) {
    %c0_i32 = arith.constant 0 : i32
    %c0_i32_0 = arith.constant 0 : i32
    return %arg0, %c0_i32 : i32, i32
  }
  func.func @transform_1(%arg0: i32) -> (i32, i32) {
    %c0_i32 = arith.constant 0 : i32
    %c0_i32_0 = arith.constant 0 : i32
    %c0_i32_1 = arith.constant 0 : i32
    return %c0_i32, %c0_i32_0 : i32, i32
  }
  func.func @transform_2(%arg0: i32) -> (i32, i32) {
    %c0_i32 = arith.constant 0 : i32
    %c0_i32_0 = arith.constant 0 : i32
    %c0_i32_1 = arith.constant 0 : i32
    return %c0_i32, %c0_i32_0 : i32, i32
  }
  func.func @transform_3(%arg0: i32) -> (i32, i32) {
    %c0_i32 = arith.constant 0 : i32
    %c0_i32_0 = arith.constant 0 : i32
    return %arg0, %c0_i32 : i32, i32
  }
  func.func @transform_4(%arg0: i32) -> (i32, i32) {
    %c0_i32 = arith.constant 0 : i32
    %c0_i32_0 = arith.constant 0 : i32
    return %arg0, %c0_i32 : i32, i32
  }
  func.func @transform_5(%arg0: i32) -> (i32, i32) {
    %c0_i32 = arith.constant 0 : i32
    %c0_i32_0 = arith.constant 0 : i32
    return %arg0, %c0_i32 : i32, i32
  }
  func.func @transform_6(%arg0: i32) -> (i32, i32) {
    %c0_i32 = arith.constant 0 : i32
    %c0_i32_0 = arith.constant 0 : i32
    return %arg0, %c0_i32 : i32, i32
  }
  func.func @transform_7(%arg0: i32) -> (i32, i32) {
    %c0_i32 = arith.constant 0 : i32
    %c0_i32_0 = arith.constant 0 : i32
    return %arg0, %c0_i32 : i32, i32
  }
  func.func @transform_8(%arg0: i32) -> (i32, i32) {
    %c0_i32 = arith.constant 0 : i32
    %c0_i32_0 = arith.constant 0 : i32
    return %arg0, %c0_i32 : i32, i32
  }
}

module attributes {stable_mosaic.version = 14 : i64} {
  func.func @_knn_body(%arg0: i32, %arg1: memref<512x8xf32, #tpu.memory_space<vmem>>, %arg2: memref<8x1024xf32, #tpu.memory_space<vmem>>, %arg3: memref<8x1024xf32, #tpu.memory_space<vmem>>, %arg4: memref<512x1xi32, #tpu.memory_space<vmem>>, %arg5: memref<512x1xi32, #tpu.memory_space<vmem>>, %arg6: memref<512x1xi32, #tpu.memory_space<vmem>>, %arg7: memref<512x1xf32, #tpu.memory_space<vmem>>, %arg8: memref<512x1xf32, #tpu.memory_space<vmem>>, %arg9: memref<512x1xf32, #tpu.memory_space<vmem>>) attributes {dimension_semantics = [#tpu.dimension_semantics<arbitrary>], iteration_bounds = array<i64: 8>, scalar_prefetch = 0 : i64, scratch_operands = 0 : i64, tpu.core_type = #tpu.core_type<tc>, window_params = [{transform_indices = @transform_0, window_bounds = array<i64: 512, 8>}, {pipeline_mode = #tpu.pipeline_mode<synchronous>, transform_indices = @transform_1, window_bounds = array<i64: 8, 1024>}, {pipeline_mode = #tpu.pipeline_mode<synchronous>, transform_indices = @transform_2, window_bounds = array<i64: 8, 1024>}, {transform_indices = @transform_3, window_bounds = array<i64: 512, 1>}, {transform_indices = @transform_4, window_bounds = array<i64: 512, 1>}, {transform_indices = @transform_5, window_bounds = array<i64: 512, 1>}, {transform_indices = @transform_6, window_bounds = array<i64: 512, 1>}, {transform_indices = @transform_7, window_bounds = array<i64: 512, 1>}, {transform_indices = @transform_8, window_bounds = array<i64: 512, 1>}]} {
    %get3A = arith.constant 0 : index
    %get3A_0 = arith.constant 0 : index
    %get3A_1 = vector.load %arg1[%get3A, %get3A_0] : memref<512x8xf32, #tpu.memory_space<vmem>>, vector<512x8xf32>
    %get3A_2 = arith.constant 0 : index
    %get3A_3 = arith.constant 0 : index
    %get3A_4 = vector.load %arg2[%get3A_2, %get3A_3] : memref<8x1024xf32, #tpu.memory_space<vmem>>, vector<8x1024xf32>
    %get3A_5 = arith.constant 0 : index
    %get3A_6 = arith.constant 0 : index
    %get3A_7 = vector.load %arg3[%get3A_5, %get3A_6] : memref<8x1024xf32, #tpu.memory_space<vmem>>, vector<1x1024xf32>
    %dot_general3A = arith.constant dense<0.000000e+00> : vector<512x1024xf32>
    %dot_general3A_8 = tpu.matmul %get3A_1, %get3A_4, %dot_general3A {dimension_numbers = #tpu.dot_dimension_numbers<[1], [0], [0], [1], [0, 0, 1, 1], [], []>, transpose_lhs_hint = false} : vector<512x8xf32>, vector<8x1024xf32>, vector<512x1024xf32> -> vector<512x1024xf32>
    %slice3A = vector.extract_strided_slice %get3A_1 {offsets = [0, 0], sizes = [512, 1], strides = [1, 1]} : vector<512x8xf32> to vector<512x1xf32>
    %slice3A_9 = vector.extract_strided_slice %get3A_1 {offsets = [0, 0], sizes = [512, 1], strides = [1, 1]} : vector<512x8xf32> to vector<512x1xf32>
    %mul3A = arith.mulf %slice3A, %slice3A_9 : vector<512x1xf32>
    %slice3A_10 = vector.extract_strided_slice %get3A_1 {offsets = [0, 1], sizes = [512, 1], strides = [1, 1]} : vector<512x8xf32> to vector<512x1xf32>
    %slice3A_11 = vector.extract_strided_slice %get3A_1 {offsets = [0, 1], sizes = [512, 1], strides = [1, 1]} : vector<512x8xf32> to vector<512x1xf32>
    %mul3A_12 = arith.mulf %slice3A_10, %slice3A_11 : vector<512x1xf32>
    %add3A = arith.addf %mul3A, %mul3A_12 : vector<512x1xf32>
    %slice3A_13 = vector.extract_strided_slice %get3A_1 {offsets = [0, 2], sizes = [512, 1], strides = [1, 1]} : vector<512x8xf32> to vector<512x1xf32>
    %slice3A_14 = vector.extract_strided_slice %get3A_1 {offsets = [0, 2], sizes = [512, 1], strides = [1, 1]} : vector<512x8xf32> to vector<512x1xf32>
    %mul3A_15 = arith.mulf %slice3A_13, %slice3A_14 : vector<512x1xf32>
    %add3A_16 = arith.addf %add3A, %mul3A_15 : vector<512x1xf32>
    %slice3A_17 = vector.extract_strided_slice %get3A_4 {offsets = [0, 0], sizes = [1, 1024], strides = [1, 1]} : vector<8x1024xf32> to vector<1x1024xf32>
    %slice3A_18 = vector.extract_strided_slice %get3A_4 {offsets = [0, 0], sizes = [1, 1024], strides = [1, 1]} : vector<8x1024xf32> to vector<1x1024xf32>
    %mul3A_19 = arith.mulf %slice3A_17, %slice3A_18 : vector<1x1024xf32>
    %slice3A_20 = vector.extract_strided_slice %get3A_4 {offsets = [1, 0], sizes = [1, 1024], strides = [1, 1]} : vector<8x1024xf32> to vector<1x1024xf32>
    %slice3A_21 = vector.extract_strided_slice %get3A_4 {offsets = [1, 0], sizes = [1, 1024], strides = [1, 1]} : vector<8x1024xf32> to vector<1x1024xf32>
    %mul3A_22 = arith.mulf %slice3A_20, %slice3A_21 : vector<1x1024xf32>
    %add3A_23 = arith.addf %mul3A_19, %mul3A_22 : vector<1x1024xf32>
    %slice3A_24 = vector.extract_strided_slice %get3A_4 {offsets = [2, 0], sizes = [1, 1024], strides = [1, 1]} : vector<8x1024xf32> to vector<1x1024xf32>
    %slice3A_25 = vector.extract_strided_slice %get3A_4 {offsets = [2, 0], sizes = [1, 1024], strides = [1, 1]} : vector<8x1024xf32> to vector<1x1024xf32>
    %mul3A_26 = arith.mulf %slice3A_24, %slice3A_25 : vector<1x1024xf32>
    %add3A_27 = arith.addf %add3A_23, %mul3A_26 : vector<1x1024xf32>
    %add3A_28 = vector.broadcast %add3A_16 : vector<512x1xf32> to vector<512x1024xf32>
    %add3A_29 = vector.broadcast %add3A_27 : vector<1x1024xf32> to vector<512x1024xf32>
    %add3A_30 = arith.addf %add3A_28, %add3A_29 : vector<512x1024xf32>
    %mul3A_31 = arith.constant 2.000000e+00 : f32
    %mul3A_32 = vector.broadcast %mul3A_31 : f32 to vector<512x1024xf32>
    %mul3A_33 = arith.mulf %mul3A_32, %dot_general3A_8 : vector<512x1024xf32>
    %sub3A = arith.subf %add3A_30, %mul3A_33 : vector<512x1024xf32>
    %max3A = arith.constant 0.000000e+00 : f32
    %max3A_34 = vector.broadcast %max3A : f32 to vector<512x1024xf32>
    %max3A_35 = arith.maximumf %sub3A, %max3A_34 : vector<512x1024xf32>
    %slice3A_36 = vector.extract_strided_slice %get3A_1 {offsets = [0, 3], sizes = [512, 1], strides = [1, 1]} : vector<512x8xf32> to vector<512x1xf32>
    %ne3A = vector.broadcast %slice3A_36 : vector<512x1xf32> to vector<512x1024xf32>
    %ne3A_37 = vector.broadcast %get3A_7 : vector<1x1024xf32> to vector<512x1024xf32>
    %ne3A_38 = arith.cmpf one, %ne3A, %ne3A_37 : vector<512x1024xf32>
    %jit3A = arith.constant 0x7F800000 : f32
    %broadcast_in_dim3A = vector.broadcast %jit3A : f32 to vector<512x1024xf32>
    %select_n3A = arith.select %ne3A_38, %broadcast_in_dim3A, %max3A_35 : vector<512x1024xi1>, vector<512x1024xf32>
    %iota3A = tpu.iota {dimensions = array<i32: 1>} : vector<512x1024xi32>
    %reduce_min3A = arith.constant dense<0x7F800000> : vector<512xf32>
    %reduce_min3A_39 = vector.multi_reduction <minimumf>, %select_n3A, %reduce_min3A [1] : vector<512x1024xf32> to vector<512xf32>
    %broadcast_in_dim3A_40 = vector.shape_cast %reduce_min3A_39 : vector<512xf32> to vector<512x1xf32>
    %eq3A = vector.broadcast %broadcast_in_dim3A_40 : vector<512x1xf32> to vector<512x1024xf32>
    %eq3A_41 = arith.cmpf oeq, %select_n3A, %eq3A : vector<512x1024xf32>
    %jit3A_42 = arith.constant 1024 : i32
    %broadcast_in_dim3A_43 = vector.broadcast %jit3A_42 : i32 to vector<512x1024xi32>
    %select_n3A_44 = arith.select %eq3A_41, %iota3A, %broadcast_in_dim3A_43 : vector<512x1024xi1>, vector<512x1024xi32>
    %reduce_min3A_45 = arith.constant dense<2147483647> : vector<512xi32>
    %reduce_min3A_46 = vector.multi_reduction <minsi>, %select_n3A_44, %reduce_min3A_45 [1] : vector<512x1024xi32> to vector<512xi32>
    %broadcast_in_dim3A_47 = vector.shape_cast %reduce_min3A_46 : vector<512xi32> to vector<512x1xi32>
    %swap3A = arith.constant 0 : index
    %swap3A_48 = arith.constant 0 : index
    %swap3A_49 = vector.load %arg4[%swap3A, %swap3A_48] : memref<512x1xi32, #tpu.memory_space<vmem>>, vector<512x1xi32>
    tpu.vector_store %arg4[%swap3A, %swap3A_48], %broadcast_in_dim3A_47 {strides = array<i32>} : memref<512x1xi32, #tpu.memory_space<vmem>>, vector<512x1xi32>,
    %eq3A_50 = vector.broadcast %broadcast_in_dim3A_47 : vector<512x1xi32> to vector<512x1024xi32>
    %eq3A_51 = arith.cmpi eq, %iota3A, %eq3A_50 : vector<512x1024xi32>
    %jit3A_52 = arith.constant 0x7F800000 : f32
    %broadcast_in_dim3A_53 = vector.broadcast %jit3A_52 : f32 to vector<512x1024xf32>
    %select_n3A_54 = arith.select %eq3A_51, %broadcast_in_dim3A_53, %select_n3A : vector<512x1024xi1>, vector<512x1024xf32>
    %reduce_min3A_55 = arith.constant dense<0x7F800000> : vector<512xf32>
    %reduce_min3A_56 = vector.multi_reduction <minimumf>, %select_n3A_54, %reduce_min3A_55 [1] : vector<512x1024xf32> to vector<512xf32>
    %broadcast_in_dim3A_57 = vector.shape_cast %reduce_min3A_56 : vector<512xf32> to vector<512x1xf32>
    %eq3A_58 = vector.broadcast %broadcast_in_dim3A_57 : vector<512x1xf32> to vector<512x1024xf32>
    %eq3A_59 = arith.cmpf oeq, %select_n3A_54, %eq3A_58 : vector<512x1024xf32>
    %jit3A_60 = arith.constant 1024 : i32
    %broadcast_in_dim3A_61 = vector.broadcast %jit3A_60 : i32 to vector<512x1024xi32>
    %select_n3A_62 = arith.select %eq3A_59, %iota3A, %broadcast_in_dim3A_61 : vector<512x1024xi1>, vector<512x1024xi32>
    %reduce_min3A_63 = arith.constant dense<2147483647> : vector<512xi32>
    %reduce_min3A_64 = vector.multi_reduction <minsi>, %select_n3A_62, %reduce_min3A_63 [1] : vector<512x1024xi32> to vector<512xi32>
    %broadcast_in_dim3A_65 = vector.shape_cast %reduce_min3A_64 : vector<512xi32> to vector<512x1xi32>
    %swap3A_66 = arith.constant 0 : index
    %swap3A_67 = arith.constant 0 : index
    %swap3A_68 = vector.load %arg5[%swap3A_66, %swap3A_67] : memref<512x1xi32, #tpu.memory_space<vmem>>, vector<512x1xi32>
    tpu.vector_store %arg5[%swap3A_66, %swap3A_67], %broadcast_in_dim3A_65 {strides = array<i32>} : memref<512x1xi32, #tpu.memory_space<vmem>>, vector<512x1xi32>,
    %eq3A_69 = vector.broadcast %broadcast_in_dim3A_65 : vector<512x1xi32> to vector<512x1024xi32>
    %eq3A_70 = arith.cmpi eq, %iota3A, %eq3A_69 : vector<512x1024xi32>
    %jit3A_71 = arith.constant 0x7F800000 : f32
    %broadcast_in_dim3A_72 = vector.broadcast %jit3A_71 : f32 to vector<512x1024xf32>
    %select_n3A_73 = arith.select %eq3A_70, %broadcast_in_dim3A_72, %select_n3A_54 : vector<512x1024xi1>, vector<512x1024xf32>
    %reduce_min3A_74 = arith.constant dense<0x7F800000> : vector<512xf32>
    %reduce_min3A_75 = vector.multi_reduction <minimumf>, %select_n3A_73, %reduce_min3A_74 [1] : vector<512x1024xf32> to vector<512xf32>
    %broadcast_in_dim3A_76 = vector.shape_cast %reduce_min3A_75 : vector<512xf32> to vector<512x1xf32>
    %eq3A_77 = vector.broadcast %broadcast_in_dim3A_76 : vector<512x1xf32> to vector<512x1024xf32>
    %eq3A_78 = arith.cmpf oeq, %select_n3A_73, %eq3A_77 : vector<512x1024xf32>
    %jit3A_79 = arith.constant 1024 : i32
    %broadcast_in_dim3A_80 = vector.broadcast %jit3A_79 : i32 to vector<512x1024xi32>
    %select_n3A_81 = arith.select %eq3A_78, %iota3A, %broadcast_in_dim3A_80 : vector<512x1024xi1>, vector<512x1024xi32>
    %reduce_min3A_82 = arith.constant dense<2147483647> : vector<512xi32>
    %reduce_min3A_83 = vector.multi_reduction <minsi>, %select_n3A_81, %reduce_min3A_82 [1] : vector<512x1024xi32> to vector<512xi32>
    %broadcast_in_dim3A_84 = vector.shape_cast %reduce_min3A_83 : vector<512xi32> to vector<512x1xi32>
    %swap3A_85 = arith.constant 0 : index
    %swap3A_86 = arith.constant 0 : index
    %swap3A_87 = vector.load %arg6[%swap3A_85, %swap3A_86] : memref<512x1xi32, #tpu.memory_space<vmem>>, vector<512x1xi32>
    tpu.vector_store %arg6[%swap3A_85, %swap3A_86], %broadcast_in_dim3A_84 {strides = array<i32>} : memref<512x1xi32, #tpu.memory_space<vmem>>, vector<512x1xi32>,
    %max3A_88 = arith.constant 1.000000e-16 : f32
    %max3A_89 = vector.broadcast %max3A_88 : f32 to vector<512x1xf32>
    %max3A_90 = arith.maximumf %broadcast_in_dim3A_40, %max3A_89 : vector<512x1xf32>
    %div3A = arith.constant 1.000000e+00 : f32
    %div3A_91 = vector.broadcast %div3A : f32 to vector<512x1xf32>
    %div3A_92 = arith.divf %div3A_91, %max3A_90 : vector<512x1xf32>
    %max3A_93 = arith.constant 1.000000e-16 : f32
    %max3A_94 = vector.broadcast %max3A_93 : f32 to vector<512x1xf32>
    %max3A_95 = arith.maximumf %broadcast_in_dim3A_57, %max3A_94 : vector<512x1xf32>
    %div3A_96 = arith.constant 1.000000e+00 : f32
    %div3A_97 = vector.broadcast %div3A_96 : f32 to vector<512x1xf32>
    %div3A_98 = arith.divf %div3A_97, %max3A_95 : vector<512x1xf32>
    %max3A_99 = arith.constant 1.000000e-16 : f32
    %max3A_100 = vector.broadcast %max3A_99 : f32 to vector<512x1xf32>
    %max3A_101 = arith.maximumf %broadcast_in_dim3A_76, %max3A_100 : vector<512x1xf32>
    %div3A_102 = arith.constant 1.000000e+00 : f32
    %div3A_103 = vector.broadcast %div3A_102 : f32 to vector<512x1xf32>
    %div3A_104 = arith.divf %div3A_103, %max3A_101 : vector<512x1xf32>
    %add3A_105 = arith.addf %div3A_92, %div3A_98 : vector<512x1xf32>
    %add3A_106 = arith.addf %add3A_105, %div3A_104 : vector<512x1xf32>
    %div3A_107 = arith.divf %div3A_92, %add3A_106 : vector<512x1xf32>
    %swap3A_108 = arith.constant 0 : index
    %swap3A_109 = arith.constant 0 : index
    %swap3A_110 = vector.load %arg7[%swap3A_108, %swap3A_109] : memref<512x1xf32, #tpu.memory_space<vmem>>, vector<512x1xf32>
    tpu.vector_store %arg7[%swap3A_108, %swap3A_109], %div3A_107 {strides = array<i32>} : memref<512x1xf32, #tpu.memory_space<vmem>>, vector<512x1xf32>,
    %div3A_111 = arith.divf %div3A_98, %add3A_106 : vector<512x1xf32>
    %swap3A_112 = arith.constant 0 : index
    %swap3A_113 = arith.constant 0 : index
    %swap3A_114 = vector.load %arg8[%swap3A_112, %swap3A_113] : memref<512x1xf32, #tpu.memory_space<vmem>>, vector<512x1xf32>
    tpu.vector_store %arg8[%swap3A_112, %swap3A_113], %div3A_111 {strides = array<i32>} : memref<512x1xf32, #tpu.memory_space<vmem>>, vector<512x1xf32>,
    %div3A_115 = arith.divf %div3A_104, %add3A_106 : vector<512x1xf32>
    %swap3A_116 = arith.constant 0 : index
    %swap3A_117 = arith.constant 0 : index
    %swap3A_118 = vector.load %arg9[%swap3A_116, %swap3A_117] : memref<512x1xf32, #tpu.memory_space<vmem>>, vector<512x1xf32>
    tpu.vector_store %arg9[%swap3A_116, %swap3A_117], %div3A_115 {strides = array<i32>} : memref<512x1xf32, #tpu.memory_space<vmem>>, vector<512x1xf32>,
    return
  }
  func.func @transform_0(%arg0: i32) -> (i32, i32) {
    %c0_i32 = arith.constant 0 : i32
    %c0_i32_0 = arith.constant 0 : i32
    return %arg0, %c0_i32 : i32, i32
  }
  func.func @transform_1(%arg0: i32) -> (i32, i32) {
    %c0_i32 = arith.constant 0 : i32
    %c0_i32_0 = arith.constant 0 : i32
    %c0_i32_1 = arith.constant 0 : i32
    return %c0_i32, %c0_i32_0 : i32, i32
  }
  func.func @transform_2(%arg0: i32) -> (i32, i32) {
    %c0_i32 = arith.constant 0 : i32
    %c0_i32_0 = arith.constant 0 : i32
    %c0_i32_1 = arith.constant 0 : i32
    return %c0_i32, %c0_i32_0 : i32, i32
  }
  func.func @transform_3(%arg0: i32) -> (i32, i32) {
    %c0_i32 = arith.constant 0 : i32
    %c0_i32_0 = arith.constant 0 : i32
    return %arg0, %c0_i32 : i32, i32
  }
  func.func @transform_4(%arg0: i32) -> (i32, i32) {
    %c0_i32 = arith.constant 0 : i32
    %c0_i32_0 = arith.constant 0 : i32
    return %arg0, %c0_i32 : i32, i32
  }
  func.func @transform_5(%arg0: i32) -> (i32, i32) {
    %c0_i32 = arith.constant 0 : i32
    %c0_i32_0 = arith.constant 0 : i32
    return %arg0, %c0_i32 : i32, i32
  }
  func.func @transform_6(%arg0: i32) -> (i32, i32) {
    %c0_i32 = arith.constant 0 : i32
    %c0_i32_0 = arith.constant 0 : i32
    return %arg0, %c0_i32 : i32, i32
  }
  func.func @transform_7(%arg0: i32) -> (i32, i32) {
    %c0_i32 = arith.constant 0 : i32
    %c0_i32_0 = arith.constant 0 : i32
    return %arg0, %c0_i32 : i32, i32
  }
  func.func @transform_8(%arg0: i32) -> (i32, i32) {
    %c0_i32 = arith.constant 0 : i32
    %c0_i32_0 = arith.constant 0 : i32
    return %arg0, %c0_i32 : i32, i32
  }
}

module attributes {stable_mosaic.version = 14 : i64} {
  func.func @_mlp_body(%arg0: i32, %arg1: memref<256x256xf32, #tpu.memory_space<vmem>>, %arg2: memref<128x256xf32, #tpu.memory_space<vmem>>, %arg3: memref<1x256xf32, #tpu.memory_space<vmem>>, %arg4: memref<256x256xf32, #tpu.memory_space<vmem>>, %arg5: memref<1x256xf32, #tpu.memory_space<vmem>>, %arg6: memref<1024x128xf32, #tpu.memory_space<vmem>>, %arg7: memref<1024x256xf32, #tpu.memory_space<vmem>>, %arg8: memref<1024x256xf32, #tpu.memory_space<vmem>>, %arg9: memref<1024x256xf32, #tpu.memory_space<vmem>>, %arg10: memref<1024x1xf32, #tpu.memory_space<vmem>>, %arg11: memref<1024x1xf32, #tpu.memory_space<vmem>>, %arg12: memref<1024x1xf32, #tpu.memory_space<vmem>>, %arg13: memref<1024x256xf32, #tpu.memory_space<vmem>>) attributes {dimension_semantics = [#tpu.dimension_semantics<arbitrary>], iteration_bounds = array<i64: 1>, scalar_prefetch = 0 : i64, scratch_operands = 0 : i64, tpu.core_type = #tpu.core_type<tc>, window_params = [{pipeline_mode = #tpu.pipeline_mode<synchronous>, transform_indices = @transform_0, window_bounds = array<i64: 256, 256>}, {pipeline_mode = #tpu.pipeline_mode<synchronous>, transform_indices = @transform_1, window_bounds = array<i64: 128, 256>}, {pipeline_mode = #tpu.pipeline_mode<synchronous>, transform_indices = @transform_2, window_bounds = array<i64: 1, 256>}, {pipeline_mode = #tpu.pipeline_mode<synchronous>, transform_indices = @transform_3, window_bounds = array<i64: 256, 256>}, {pipeline_mode = #tpu.pipeline_mode<synchronous>, transform_indices = @transform_4, window_bounds = array<i64: 1, 256>}, {transform_indices = @transform_5, window_bounds = array<i64: 1024, 128>}, {transform_indices = @transform_6, window_bounds = array<i64: 1024, 256>}, {transform_indices = @transform_7, window_bounds = array<i64: 1024, 256>}, {transform_indices = @transform_8, window_bounds = array<i64: 1024, 256>}, {transform_indices = @transform_9, window_bounds = array<i64: 1024, 1>}, {transform_indices = @transform_10, window_bounds = array<i64: 1024, 1>}, {transform_indices = @transform_11, window_bounds = array<i64: 1024, 1>}, {transform_indices = @transform_12, window_bounds = array<i64: 1024, 256>}]} {
    %get3A = arith.constant 0 : index
    %get3A_0 = arith.constant 0 : index
    %get3A_1 = vector.load %arg10[%get3A, %get3A_0] : memref<1024x1xf32, #tpu.memory_space<vmem>>, vector<1024x1xf32>
    %get3A_2 = arith.constant 0 : index
    %get3A_3 = arith.constant 0 : index
    %get3A_4 = vector.load %arg7[%get3A_2, %get3A_3] : memref<1024x256xf32, #tpu.memory_space<vmem>>, vector<1024x256xf32>
    %mul3A = vector.broadcast %get3A_1 : vector<1024x1xf32> to vector<1024x256xf32>
    %mul3A_5 = arith.mulf %mul3A, %get3A_4 : vector<1024x256xf32>
    %get3A_6 = arith.constant 0 : index
    %get3A_7 = arith.constant 0 : index
    %get3A_8 = vector.load %arg11[%get3A_6, %get3A_7] : memref<1024x1xf32, #tpu.memory_space<vmem>>, vector<1024x1xf32>
    %get3A_9 = arith.constant 0 : index
    %get3A_10 = arith.constant 0 : index
    %get3A_11 = vector.load %arg8[%get3A_9, %get3A_10] : memref<1024x256xf32, #tpu.memory_space<vmem>>, vector<1024x256xf32>
    %mul3A_12 = vector.broadcast %get3A_8 : vector<1024x1xf32> to vector<1024x256xf32>
    %mul3A_13 = arith.mulf %mul3A_12, %get3A_11 : vector<1024x256xf32>
    %add3A = arith.addf %mul3A_5, %mul3A_13 : vector<1024x256xf32>
    %get3A_14 = arith.constant 0 : index
    %get3A_15 = arith.constant 0 : index
    %get3A_16 = vector.load %arg12[%get3A_14, %get3A_15] : memref<1024x1xf32, #tpu.memory_space<vmem>>, vector<1024x1xf32>
    %get3A_17 = arith.constant 0 : index
    %get3A_18 = arith.constant 0 : index
    %get3A_19 = vector.load %arg9[%get3A_17, %get3A_18] : memref<1024x256xf32, #tpu.memory_space<vmem>>, vector<1024x256xf32>
    %mul3A_20 = vector.broadcast %get3A_16 : vector<1024x1xf32> to vector<1024x256xf32>
    %mul3A_21 = arith.mulf %mul3A_20, %get3A_19 : vector<1024x256xf32>
    %add3A_22 = arith.addf %add3A, %mul3A_21 : vector<1024x256xf32>
    %get3A_23 = arith.constant 0 : index
    %get3A_24 = arith.constant 0 : index
    %get3A_25 = vector.load %arg1[%get3A_23, %get3A_24] : memref<256x256xf32, #tpu.memory_space<vmem>>, vector<256x256xf32>
    %dot_general3A = arith.constant dense<0.000000e+00> : vector<1024x256xf32>
    %dot_general3A_26 = tpu.matmul %add3A_22, %get3A_25, %dot_general3A {dimension_numbers = #tpu.dot_dimension_numbers<[1], [0], [0], [1], [0, 0, 1, 1], [], []>, transpose_lhs_hint = false} : vector<1024x256xf32>, vector<256x256xf32>, vector<1024x256xf32> -> vector<1024x256xf32>
    %get3A_27 = arith.constant 0 : index
    %get3A_28 = arith.constant 0 : index
    %get3A_29 = vector.load %arg6[%get3A_27, %get3A_28] : memref<1024x128xf32, #tpu.memory_space<vmem>>, vector<1024x128xf32>
    %get3A_30 = arith.constant 0 : index
    %get3A_31 = arith.constant 0 : index
    %get3A_32 = vector.load %arg2[%get3A_30, %get3A_31] : memref<128x256xf32, #tpu.memory_space<vmem>>, vector<128x256xf32>
    %dot_general3A_33 = arith.constant dense<0.000000e+00> : vector<1024x256xf32>
    %dot_general3A_34 = tpu.matmul %get3A_29, %get3A_32, %dot_general3A_33 {dimension_numbers = #tpu.dot_dimension_numbers<[1], [0], [0], [1], [0, 0, 1, 1], [], []>, transpose_lhs_hint = false} : vector<1024x128xf32>, vector<128x256xf32>, vector<1024x256xf32> -> vector<1024x256xf32>
    %add3A_35 = arith.addf %dot_general3A_26, %dot_general3A_34 : vector<1024x256xf32>
    %get3A_36 = arith.constant 0 : index
    %get3A_37 = arith.constant 0 : index
    %get3A_38 = vector.load %arg3[%get3A_36, %get3A_37] : memref<1x256xf32, #tpu.memory_space<vmem>>, vector<1x256xf32>
    %add3A_39 = vector.broadcast %get3A_38 : vector<1x256xf32> to vector<1024x256xf32>
    %add3A_40 = arith.addf %add3A_35, %add3A_39 : vector<1024x256xf32>
    %max3A = arith.constant 0.000000e+00 : f32
    %max3A_41 = vector.broadcast %max3A : f32 to vector<1024x256xf32>
    %max3A_42 = arith.maximumf %add3A_40, %max3A_41 : vector<1024x256xf32>
    %get3A_43 = arith.constant 0 : index
    %get3A_44 = arith.constant 0 : index
    %get3A_45 = vector.load %arg4[%get3A_43, %get3A_44] : memref<256x256xf32, #tpu.memory_space<vmem>>, vector<256x256xf32>
    %dot_general3A_46 = arith.constant dense<0.000000e+00> : vector<1024x256xf32>
    %dot_general3A_47 = tpu.matmul %max3A_42, %get3A_45, %dot_general3A_46 {dimension_numbers = #tpu.dot_dimension_numbers<[1], [0], [0], [1], [0, 0, 1, 1], [], []>, transpose_lhs_hint = false} : vector<1024x256xf32>, vector<256x256xf32>, vector<1024x256xf32> -> vector<1024x256xf32>
    %get3A_48 = arith.constant 0 : index
    %get3A_49 = arith.constant 0 : index
    %get3A_50 = vector.load %arg5[%get3A_48, %get3A_49] : memref<1x256xf32, #tpu.memory_space<vmem>>, vector<1x256xf32>
    %add3A_51 = vector.broadcast %get3A_50 : vector<1x256xf32> to vector<1024x256xf32>
    %add3A_52 = arith.addf %dot_general3A_47, %add3A_51 : vector<1024x256xf32>
    %swap3A = arith.constant 0 : index
    %swap3A_53 = arith.constant 0 : index
    %swap3A_54 = vector.load %arg13[%swap3A, %swap3A_53] : memref<1024x256xf32, #tpu.memory_space<vmem>>, vector<1024x256xf32>
    tpu.vector_store %arg13[%swap3A, %swap3A_53], %add3A_52 {strides = array<i32>} : memref<1024x256xf32, #tpu.memory_space<vmem>>, vector<1024x256xf32>,
    return
  }
  func.func @transform_0(%arg0: i32) -> (i32, i32) {
    %c0_i32 = arith.constant 0 : i32
    %c0_i32_0 = arith.constant 0 : i32
    %c0_i32_1 = arith.constant 0 : i32
    return %c0_i32, %c0_i32_0 : i32, i32
  }
  func.func @transform_1(%arg0: i32) -> (i32, i32) {
    %c0_i32 = arith.constant 0 : i32
    %c0_i32_0 = arith.constant 0 : i32
    %c0_i32_1 = arith.constant 0 : i32
    return %c0_i32, %c0_i32_0 : i32, i32
  }
  func.func @transform_2(%arg0: i32) -> (i32, i32) {
    %c0_i32 = arith.constant 0 : i32
    %c0_i32_0 = arith.constant 0 : i32
    %c0_i32_1 = arith.constant 0 : i32
    return %c0_i32, %c0_i32_0 : i32, i32
  }
  func.func @transform_3(%arg0: i32) -> (i32, i32) {
    %c0_i32 = arith.constant 0 : i32
    %c0_i32_0 = arith.constant 0 : i32
    %c0_i32_1 = arith.constant 0 : i32
    return %c0_i32, %c0_i32_0 : i32, i32
  }
  func.func @transform_4(%arg0: i32) -> (i32, i32) {
    %c0_i32 = arith.constant 0 : i32
    %c0_i32_0 = arith.constant 0 : i32
    %c0_i32_1 = arith.constant 0 : i32
    return %c0_i32, %c0_i32_0 : i32, i32
  }
  func.func @transform_5(%arg0: i32) -> (i32, i32) {
    %c0_i32 = arith.constant 0 : i32
    %c0_i32_0 = arith.constant 0 : i32
    return %arg0, %c0_i32 : i32, i32
  }
  func.func @transform_6(%arg0: i32) -> (i32, i32) {
    %c0_i32 = arith.constant 0 : i32
    %c0_i32_0 = arith.constant 0 : i32
    return %arg0, %c0_i32 : i32, i32
  }
  func.func @transform_7(%arg0: i32) -> (i32, i32) {
    %c0_i32 = arith.constant 0 : i32
    %c0_i32_0 = arith.constant 0 : i32
    return %arg0, %c0_i32 : i32, i32
  }
  func.func @transform_8(%arg0: i32) -> (i32, i32) {
    %c0_i32 = arith.constant 0 : i32
    %c0_i32_0 = arith.constant 0 : i32
    return %arg0, %c0_i32 : i32, i32
  }
  func.func @transform_9(%arg0: i32) -> (i32, i32) {
    %c0_i32 = arith.constant 0 : i32
    %c0_i32_0 = arith.constant 0 : i32
    return %arg0, %c0_i32 : i32, i32
  }
  func.func @transform_10(%arg0: i32) -> (i32, i32) {
    %c0_i32 = arith.constant 0 : i32
    %c0_i32_0 = arith.constant 0 : i32
    return %arg0, %c0_i32 : i32, i32
  }
  func.func @transform_11(%arg0: i32) -> (i32, i32) {
    %c0_i32 = arith.constant 0 : i32
    %c0_i32_0 = arith.constant 0 : i32
    return %arg0, %c0_i32 : i32, i32
  }
  func.func @transform_12(%arg0: i32) -> (i32, i32) {
    %c0_i32 = arith.constant 0 : i32
    %c0_i32_0 = arith.constant 0 : i32
    return %arg0, %c0_i32 : i32, i32
  }
}

module attributes {stable_mosaic.version = 14 : i64} {
  func.func @_knn_seg_body(%arg0: i32, %arg1: i32, %arg2: memref<1024x8xf32, #tpu.memory_space<vmem>>, %arg3: memref<8x1024xf32, #tpu.memory_space<vmem>>, %arg4: memref<8x1024xf32, #tpu.memory_space<vmem>>, %arg5: memref<1024x1xi32, #tpu.memory_space<vmem>>, %arg6: memref<1024x1xi32, #tpu.memory_space<vmem>>, %arg7: memref<1024x1xi32, #tpu.memory_space<vmem>>, %arg8: memref<1024x1xf32, #tpu.memory_space<vmem>>, %arg9: memref<1024x1xf32, #tpu.memory_space<vmem>>, %arg10: memref<1024x1xf32, #tpu.memory_space<vmem>>, %arg11: memref<1024x8xf32, #tpu.memory_space<vmem>>, %arg12: memref<1024x8xi32, #tpu.memory_space<vmem>>) attributes {dimension_semantics = [#tpu.dimension_semantics<arbitrary>, #tpu.dimension_semantics<arbitrary>], iteration_bounds = array<i64: 16, 4>, scalar_prefetch = 0 : i64, scratch_operands = 2 : i64, tpu.core_type = #tpu.core_type<tc>, window_params = [{transform_indices = @transform_0, window_bounds = array<i64: 1024, 8>}, {transform_indices = @transform_1, window_bounds = array<i64: 8, 1024>}, {transform_indices = @transform_2, window_bounds = array<i64: 8, 1024>}, {transform_indices = @transform_3, window_bounds = array<i64: 1024, 1>}, {transform_indices = @transform_4, window_bounds = array<i64: 1024, 1>}, {transform_indices = @transform_5, window_bounds = array<i64: 1024, 1>}, {transform_indices = @transform_6, window_bounds = array<i64: 1024, 1>}, {transform_indices = @transform_7, window_bounds = array<i64: 1024, 1>}, {transform_indices = @transform_8, window_bounds = array<i64: 1024, 1>}]} {
    %get3A = arith.constant 0 : index
    %get3A_0 = arith.constant 3 : index
    %get3A_1 = vector.load %arg2[%get3A, %get3A_0] : memref<1024x8xf32, #tpu.memory_space<vmem>>, vector<1024x1xf32>
    %get3A_2 = arith.constant 0 : index
    %get3A_3 = arith.constant 0 : index
    %get3A_4 = vector.load %arg4[%get3A_2, %get3A_3] : memref<8x1024xf32, #tpu.memory_space<vmem>>, vector<1x1024xf32>
    %eq3A = arith.constant 0 : i32
    %eq3A_5 = arith.cmpi eq, %arg1, %eq3A : i32
    %convert_element_type3A = arith.extui %eq3A_5 : i1 to i32
    %cond3A = arith.constant 0 : i32
    %cond3A_6 = arith.cmpi ne, %convert_element_type3A, %cond3A : i32
    scf.if %cond3A_6 {
      %broadcast_in_dim3A = arith.constant 0x7F800000 : f32
      %broadcast_in_dim3A_33 = vector.broadcast %broadcast_in_dim3A : f32 to vector<1024x8xf32>
      %swap3A = arith.constant 0 : index
      %swap3A_34 = arith.constant 0 : index
      %swap3A_35 = vector.load %arg11[%swap3A, %swap3A_34] : memref<1024x8xf32, #tpu.memory_space<vmem>>, vector<1024x8xf32>
      tpu.vector_store %arg11[%swap3A, %swap3A_34], %broadcast_in_dim3A_33 {strides = array<i32>} : memref<1024x8xf32, #tpu.memory_space<vmem>>, vector<1024x8xf32>,
      %broadcast_in_dim3A_36 = arith.constant 0 : i32
      %broadcast_in_dim3A_37 = vector.broadcast %broadcast_in_dim3A_36 : i32 to vector<1024x8xi32>
      %swap3A_38 = arith.constant 0 : index
      %swap3A_39 = arith.constant 0 : index
      %swap3A_40 = vector.load %arg12[%swap3A_38, %swap3A_39] : memref<1024x8xi32, #tpu.memory_space<vmem>>, vector<1024x8xi32>
      tpu.vector_store %arg12[%swap3A_38, %swap3A_39], %broadcast_in_dim3A_37 {strides = array<i32>} : memref<1024x8xi32, #tpu.memory_space<vmem>>, vector<1024x8xi32>,
    } else {
    }
    %reduce_min3A = vector.shape_cast %get3A_4 : vector<1x1024xf32> to vector<1x1x1024xf32>
    %reduce_min3A_7 = arith.constant dense<0x7F800000> : vector<1xf32>
    %reduce_min3A_8 = vector.multi_reduction <minimumf>, %reduce_min3A, %reduce_min3A_7 [1, 2] : vector<1x1x1024xf32> to vector<1xf32>
    %reduce_min3A_9 = vector.shape_cast %reduce_min3A_8 : vector<1xf32> to vector<1x1x1xf32>
    %reduce_min3A_10 = vector.extract %reduce_min3A_9[0, 0, 0] : f32 from vector<1x1x1xf32>
    %reduce_max3A = vector.shape_cast %get3A_1 : vector<1024x1xf32> to vector<1x1024x1xf32>
    %reduce_max3A_11 = arith.constant dense<0xFF800000> : vector<1xf32>
    %reduce_max3A_12 = vector.multi_reduction <maximumf>, %reduce_max3A, %reduce_max3A_11 [1, 2] : vector<1x1024x1xf32> to vector<1xf32>
    %reduce_max3A_13 = vector.shape_cast %reduce_max3A_12 : vector<1xf32> to vector<1x1x1xf32>
    %reduce_max3A_14 = vector.extract %reduce_max3A_13[0, 0, 0] : f32 from vector<1x1x1xf32>
    %le3A = arith.cmpf ole, %reduce_min3A_10, %reduce_max3A_14 : f32
    %reduce_max3A_15 = vector.shape_cast %get3A_4 : vector<1x1024xf32> to vector<1x1x1024xf32>
    %reduce_max3A_16 = arith.constant dense<0xFF800000> : vector<1xf32>
    %reduce_max3A_17 = vector.multi_reduction <maximumf>, %reduce_max3A_15, %reduce_max3A_16 [1, 2] : vector<1x1x1024xf32> to vector<1xf32>
    %reduce_max3A_18 = vector.shape_cast %reduce_max3A_17 : vector<1xf32> to vector<1x1x1xf32>
    %reduce_max3A_19 = vector.extract %reduce_max3A_18[0, 0, 0] : f32 from vector<1x1x1xf32>
    %reduce_min3A_20 = vector.shape_cast %get3A_1 : vector<1024x1xf32> to vector<1x1024x1xf32>
    %reduce_min3A_21 = arith.constant dense<0x7F800000> : vector<1xf32>
    %reduce_min3A_22 = vector.multi_reduction <minimumf>, %reduce_min3A_20, %reduce_min3A_21 [1, 2] : vector<1x1024x1xf32> to vector<1xf32>
    %reduce_min3A_23 = vector.shape_cast %reduce_min3A_22 : vector<1xf32> to vector<1x1x1xf32>
    %reduce_min3A_24 = vector.extract %reduce_min3A_23[0, 0, 0] : f32 from vector<1x1x1xf32>
    %ge3A = arith.cmpf oge, %reduce_max3A_19, %reduce_min3A_24 : f32
    %and3A = arith.andi %le3A, %ge3A : i1
    %convert_element_type3A_25 = arith.extui %and3A : i1 to i32
    %cond3A_26 = arith.constant 0 : i32
    %cond3A_27 = arith.cmpi ne, %convert_element_type3A_25, %cond3A_26 : i32
    scf.if %cond3A_27 {
      %get3A_33 = arith.constant 0 : index
      %get3A_34 = arith.constant 0 : index
      %get3A_35 = vector.load %arg2[%get3A_33, %get3A_34] : memref<1024x8xf32, #tpu.memory_space<vmem>>, vector<1024x8xf32>
      %slice3A = vector.extract_strided_slice %get3A_35 {offsets = [0, 3], sizes = [1024, 1], strides = [1, 1]} : vector<1024x8xf32> to vector<1024x1xf32>
      %get3A_36 = arith.constant 0 : index
      %get3A_37 = arith.constant 0 : index
      %get3A_38 = vector.load %arg3[%get3A_36, %get3A_37] : memref<8x1024xf32, #tpu.memory_space<vmem>>, vector<8x1024xf32>
      %get3A_39 = arith.constant 0 : index
      %get3A_40 = arith.constant 0 : index
      %get3A_41 = vector.load %arg4[%get3A_39, %get3A_40] : memref<8x1024xf32, #tpu.memory_space<vmem>>, vector<1x1024xf32>
      %dot_general3A = arith.constant dense<0.000000e+00> : vector<1024x1024xf32>
      %dot_general3A_42 = tpu.matmul %get3A_35, %get3A_38, %dot_general3A {dimension_numbers = #tpu.dot_dimension_numbers<[1], [0], [0], [1], [0, 0, 1, 1], [], []>, transpose_lhs_hint = false} : vector<1024x8xf32>, vector<8x1024xf32>, vector<1024x1024xf32> -> vector<1024x1024xf32>
      %slice3A_43 = vector.extract_strided_slice %get3A_35 {offsets = [0, 0], sizes = [1024, 1], strides = [1, 1]} : vector<1024x8xf32> to vector<1024x1xf32>
      %slice3A_44 = vector.extract_strided_slice %get3A_35 {offsets = [0, 0], sizes = [1024, 1], strides = [1, 1]} : vector<1024x8xf32> to vector<1024x1xf32>
      %mul3A = arith.mulf %slice3A_43, %slice3A_44 : vector<1024x1xf32>
      %slice3A_45 = vector.extract_strided_slice %get3A_35 {offsets = [0, 1], sizes = [1024, 1], strides = [1, 1]} : vector<1024x8xf32> to vector<1024x1xf32>
      %slice3A_46 = vector.extract_strided_slice %get3A_35 {offsets = [0, 1], sizes = [1024, 1], strides = [1, 1]} : vector<1024x8xf32> to vector<1024x1xf32>
      %mul3A_47 = arith.mulf %slice3A_45, %slice3A_46 : vector<1024x1xf32>
      %add3A = arith.addf %mul3A, %mul3A_47 : vector<1024x1xf32>
      %slice3A_48 = vector.extract_strided_slice %get3A_35 {offsets = [0, 2], sizes = [1024, 1], strides = [1, 1]} : vector<1024x8xf32> to vector<1024x1xf32>
      %slice3A_49 = vector.extract_strided_slice %get3A_35 {offsets = [0, 2], sizes = [1024, 1], strides = [1, 1]} : vector<1024x8xf32> to vector<1024x1xf32>
      %mul3A_50 = arith.mulf %slice3A_48, %slice3A_49 : vector<1024x1xf32>
      %add3A_51 = arith.addf %add3A, %mul3A_50 : vector<1024x1xf32>
      %slice3A_52 = vector.extract_strided_slice %get3A_38 {offsets = [0, 0], sizes = [1, 1024], strides = [1, 1]} : vector<8x1024xf32> to vector<1x1024xf32>
      %slice3A_53 = vector.extract_strided_slice %get3A_38 {offsets = [0, 0], sizes = [1, 1024], strides = [1, 1]} : vector<8x1024xf32> to vector<1x1024xf32>
      %mul3A_54 = arith.mulf %slice3A_52, %slice3A_53 : vector<1x1024xf32>
      %slice3A_55 = vector.extract_strided_slice %get3A_38 {offsets = [1, 0], sizes = [1, 1024], strides = [1, 1]} : vector<8x1024xf32> to vector<1x1024xf32>
      %slice3A_56 = vector.extract_strided_slice %get3A_38 {offsets = [1, 0], sizes = [1, 1024], strides = [1, 1]} : vector<8x1024xf32> to vector<1x1024xf32>
      %mul3A_57 = arith.mulf %slice3A_55, %slice3A_56 : vector<1x1024xf32>
      %add3A_58 = arith.addf %mul3A_54, %mul3A_57 : vector<1x1024xf32>
      %slice3A_59 = vector.extract_strided_slice %get3A_38 {offsets = [2, 0], sizes = [1, 1024], strides = [1, 1]} : vector<8x1024xf32> to vector<1x1024xf32>
      %slice3A_60 = vector.extract_strided_slice %get3A_38 {offsets = [2, 0], sizes = [1, 1024], strides = [1, 1]} : vector<8x1024xf32> to vector<1x1024xf32>
      %mul3A_61 = arith.mulf %slice3A_59, %slice3A_60 : vector<1x1024xf32>
      %add3A_62 = arith.addf %add3A_58, %mul3A_61 : vector<1x1024xf32>
      %add3A_63 = vector.broadcast %add3A_51 : vector<1024x1xf32> to vector<1024x1024xf32>
      %add3A_64 = vector.broadcast %add3A_62 : vector<1x1024xf32> to vector<1024x1024xf32>
      %add3A_65 = arith.addf %add3A_63, %add3A_64 : vector<1024x1024xf32>
      %mul3A_66 = arith.constant 2.000000e+00 : f32
      %mul3A_67 = vector.broadcast %mul3A_66 : f32 to vector<1024x1024xf32>
      %mul3A_68 = arith.mulf %mul3A_67, %dot_general3A_42 : vector<1024x1024xf32>
      %sub3A = arith.subf %add3A_65, %mul3A_68 : vector<1024x1024xf32>
      %max3A = arith.constant 0.000000e+00 : f32
      %max3A_69 = vector.broadcast %max3A : f32 to vector<1024x1024xf32>
      %max3A_70 = arith.maximumf %sub3A, %max3A_69 : vector<1024x1024xf32>
      %ne3A = vector.broadcast %slice3A : vector<1024x1xf32> to vector<1024x1024xf32>
      %ne3A_71 = vector.broadcast %get3A_41 : vector<1x1024xf32> to vector<1024x1024xf32>
      %ne3A_72 = arith.cmpf one, %ne3A, %ne3A_71 : vector<1024x1024xf32>
      %jit3A = arith.constant 0x7F800000 : f32
      %broadcast_in_dim3A = vector.broadcast %jit3A : f32 to vector<1024x1024xf32>
      %select_n3A = arith.select %ne3A_72, %broadcast_in_dim3A, %max3A_70 : vector<1024x1024xi1>, vector<1024x1024xf32>
      %mul3A_73 = arith.constant 1024 : i32
      %mul3A_74 = arith.muli %arg1, %mul3A_73 : i32
      %iota3A = tpu.iota {dimensions = array<i32: 1>} : vector<1024x1024xi32>
      %add3A_75 = vector.broadcast %mul3A_74 : i32 to vector<1024x1024xi32>
      %add3A_76 = arith.addi %add3A_75, %iota3A : vector<1024x1024xi32>
      %get3A_77 = arith.constant 0 : index
      %get3A_78 = arith.constant 0 : index
      %get3A_79 = vector.load %arg11[%get3A_77, %get3A_78] : memref<1024x8xf32, #tpu.memory_space<vmem>>, vector<1024x8xf32>
      %concatenate3A = tpu.concatenate %get3A_79, %select_n3A in 1 : vector<1024x8xf32>, vector<1024x1024xf32> -> vector<1024x1032xf32>
      %get3A_80 = arith.constant 0 : index
      %get3A_81 = arith.constant 0 : index
      %get3A_82 = vector.load %arg12[%get3A_80, %get3A_81] : memref<1024x8xi32, #tpu.memory_space<vmem>>, vector<1024x8xi32>
      %concatenate3A_83 = tpu.concatenate %get3A_82, %add3A_76 in 1 : vector<1024x8xi32>, vector<1024x1024xi32> -> vector<1024x1032xi32>
      %reduce_min3A_84 = arith.constant dense<0x7F800000> : vector<1024xf32>
      %reduce_min3A_85 = vector.multi_reduction <minimumf>, %concatenate3A, %reduce_min3A_84 [1] : vector<1024x1032xf32> to vector<1024xf32>
      %broadcast_in_dim3A_86 = vector.shape_cast %reduce_min3A_85 : vector<1024xf32> to vector<1024x1xf32>
      %eq3A_87 = vector.broadcast %broadcast_in_dim3A_86 : vector<1024x1xf32> to vector<1024x1032xf32>
      %eq3A_88 = arith.cmpf oeq, %concatenate3A, %eq3A_87 : vector<1024x1032xf32>
      %jit3A_89 = arith.constant 1073741824 : i32
      %broadcast_in_dim3A_90 = vector.broadcast %jit3A_89 : i32 to vector<1024x1032xi32>
      %select_n3A_91 = arith.select %eq3A_88, %concatenate3A_83, %broadcast_in_dim3A_90 : vector<1024x1032xi1>, vector<1024x1032xi32>
      %reduce_min3A_92 = arith.constant dense<2147483647> : vector<1024xi32>
      %reduce_min3A_93 = vector.multi_reduction <minsi>, %select_n3A_91, %reduce_min3A_92 [1] : vector<1024x1032xi32> to vector<1024xi32>
      %broadcast_in_dim3A_94 = vector.shape_cast %reduce_min3A_93 : vector<1024xi32> to vector<1024x1xi32>
      %eq3A_95 = vector.broadcast %broadcast_in_dim3A_94 : vector<1024x1xi32> to vector<1024x1032xi32>
      %eq3A_96 = arith.cmpi eq, %concatenate3A_83, %eq3A_95 : vector<1024x1032xi32>
      %jit3A_97 = arith.constant 0x7F800000 : f32
      %broadcast_in_dim3A_98 = vector.broadcast %jit3A_97 : f32 to vector<1024x1032xf32>
      %select_n3A_99 = arith.select %eq3A_96, %broadcast_in_dim3A_98, %concatenate3A : vector<1024x1032xi1>, vector<1024x1032xf32>
      %reduce_min3A_100 = arith.constant dense<0x7F800000> : vector<1024xf32>
      %reduce_min3A_101 = vector.multi_reduction <minimumf>, %select_n3A_99, %reduce_min3A_100 [1] : vector<1024x1032xf32> to vector<1024xf32>
      %broadcast_in_dim3A_102 = vector.shape_cast %reduce_min3A_101 : vector<1024xf32> to vector<1024x1xf32>
      %eq3A_103 = vector.broadcast %broadcast_in_dim3A_102 : vector<1024x1xf32> to vector<1024x1032xf32>
      %eq3A_104 = arith.cmpf oeq, %select_n3A_99, %eq3A_103 : vector<1024x1032xf32>
      %jit3A_105 = arith.constant 1073741824 : i32
      %broadcast_in_dim3A_106 = vector.broadcast %jit3A_105 : i32 to vector<1024x1032xi32>
      %select_n3A_107 = arith.select %eq3A_104, %concatenate3A_83, %broadcast_in_dim3A_106 : vector<1024x1032xi1>, vector<1024x1032xi32>
      %reduce_min3A_108 = arith.constant dense<2147483647> : vector<1024xi32>
      %reduce_min3A_109 = vector.multi_reduction <minsi>, %select_n3A_107, %reduce_min3A_108 [1] : vector<1024x1032xi32> to vector<1024xi32>
      %broadcast_in_dim3A_110 = vector.shape_cast %reduce_min3A_109 : vector<1024xi32> to vector<1024x1xi32>
      %eq3A_111 = vector.broadcast %broadcast_in_dim3A_110 : vector<1024x1xi32> to vector<1024x1032xi32>
      %eq3A_112 = arith.cmpi eq, %concatenate3A_83, %eq3A_111 : vector<1024x1032xi32>
      %jit3A_113 = arith.constant 0x7F800000 : f32
      %broadcast_in_dim3A_114 = vector.broadcast %jit3A_113 : f32 to vector<1024x1032xf32>
      %select_n3A_115 = arith.select %eq3A_112, %broadcast_in_dim3A_114, %select_n3A_99 : vector<1024x1032xi1>, vector<1024x1032xf32>
      %reduce_min3A_116 = arith.constant dense<0x7F800000> : vector<1024xf32>
      %reduce_min3A_117 = vector.multi_reduction <minimumf>, %select_n3A_115, %reduce_min3A_116 [1] : vector<1024x1032xf32> to vector<1024xf32>
      %broadcast_in_dim3A_118 = vector.shape_cast %reduce_min3A_117 : vector<1024xf32> to vector<1024x1xf32>
      %eq3A_119 = vector.broadcast %broadcast_in_dim3A_118 : vector<1024x1xf32> to vector<1024x1032xf32>
      %eq3A_120 = arith.cmpf oeq, %select_n3A_115, %eq3A_119 : vector<1024x1032xf32>
      %jit3A_121 = arith.constant 1073741824 : i32
      %broadcast_in_dim3A_122 = vector.broadcast %jit3A_121 : i32 to vector<1024x1032xi32>
      %select_n3A_123 = arith.select %eq3A_120, %concatenate3A_83, %broadcast_in_dim3A_122 : vector<1024x1032xi1>, vector<1024x1032xi32>
      %reduce_min3A_124 = arith.constant dense<2147483647> : vector<1024xi32>
      %reduce_min3A_125 = vector.multi_reduction <minsi>, %select_n3A_123, %reduce_min3A_124 [1] : vector<1024x1032xi32> to vector<1024xi32>
      %broadcast_in_dim3A_126 = vector.shape_cast %reduce_min3A_125 : vector<1024xi32> to vector<1024x1xi32>
      %broadcast_in_dim3A_127 = arith.constant 0x7F800000 : f32
      %broadcast_in_dim3A_128 = vector.broadcast %broadcast_in_dim3A_127 : f32 to vector<1024x5xf32>
      %concatenate3A_129 = tpu.concatenate %broadcast_in_dim3A_86, %broadcast_in_dim3A_102, %broadcast_in_dim3A_118, %broadcast_in_dim3A_128 in 1 : vector<1024x1xf32>, vector<1024x1xf32>, vector<1024x1xf32>, vector<1024x5xf32> -> vector<1024x8xf32>
      %swap3A = arith.constant 0 : index
      %swap3A_130 = arith.constant 0 : index
      %swap3A_131 = vector.load %arg11[%swap3A, %swap3A_130] : memref<1024x8xf32, #tpu.memory_space<vmem>>, vector<1024x8xf32>
      tpu.vector_store %arg11[%swap3A, %swap3A_130], %concatenate3A_129 {strides = array<i32>} : memref<1024x8xf32, #tpu.memory_space<vmem>>, vector<1024x8xf32>,
      %broadcast_in_dim3A_132 = arith.constant 0 : i32
      %broadcast_in_dim3A_133 = vector.broadcast %broadcast_in_dim3A_132 : i32 to vector<1024x5xi32>
      %concatenate3A_134 = tpu.concatenate %broadcast_in_dim3A_94, %broadcast_in_dim3A_110, %broadcast_in_dim3A_126, %broadcast_in_dim3A_133 in 1 : vector<1024x1xi32>, vector<1024x1xi32>, vector<1024x1xi32>, vector<1024x5xi32> -> vector<1024x8xi32>
      %swap3A_135 = arith.constant 0 : index
      %swap3A_136 = arith.constant 0 : index
      %swap3A_137 = vector.load %arg12[%swap3A_135, %swap3A_136] : memref<1024x8xi32, #tpu.memory_space<vmem>>, vector<1024x8xi32>
      tpu.vector_store %arg12[%swap3A_135, %swap3A_136], %concatenate3A_134 {strides = array<i32>} : memref<1024x8xi32, #tpu.memory_space<vmem>>, vector<1024x8xi32>,
    } else {
    }
    %eq3A_28 = arith.constant 3 : i32
    %eq3A_29 = arith.cmpi eq, %arg1, %eq3A_28 : i32
    %convert_element_type3A_30 = arith.extui %eq3A_29 : i1 to i32
    %cond3A_31 = arith.constant 0 : i32
    %cond3A_32 = arith.cmpi ne, %convert_element_type3A_30, %cond3A_31 : i32
    scf.if %cond3A_32 {
      %get3A_33 = arith.constant 0 : index
      %get3A_34 = arith.constant 0 : index
      %get3A_35 = vector.load %arg11[%get3A_33, %get3A_34] : memref<1024x8xf32, #tpu.memory_space<vmem>>, vector<1024x8xf32>
      %get3A_36 = arith.constant 0 : index
      %get3A_37 = arith.constant 0 : index
      %get3A_38 = vector.load %arg12[%get3A_36, %get3A_37] : memref<1024x8xi32, #tpu.memory_space<vmem>>, vector<1024x8xi32>
      %slice3A = vector.extract_strided_slice %get3A_35 {offsets = [0, 0], sizes = [1024, 1], strides = [1, 1]} : vector<1024x8xf32> to vector<1024x1xf32>
      %max3A = arith.constant 1.000000e-16 : f32
      %max3A_39 = vector.broadcast %max3A : f32 to vector<1024x1xf32>
      %max3A_40 = arith.maximumf %slice3A, %max3A_39 : vector<1024x1xf32>
      %div3A = arith.constant 1.000000e+00 : f32
      %div3A_41 = vector.broadcast %div3A : f32 to vector<1024x1xf32>
      %div3A_42 = arith.divf %div3A_41, %max3A_40 : vector<1024x1xf32>
      %slice3A_43 = vector.extract_strided_slice %get3A_35 {offsets = [0, 1], sizes = [1024, 1], strides = [1, 1]} : vector<1024x8xf32> to vector<1024x1xf32>
      %max3A_44 = arith.constant 1.000000e-16 : f32
      %max3A_45 = vector.broadcast %max3A_44 : f32 to vector<1024x1xf32>
      %max3A_46 = arith.maximumf %slice3A_43, %max3A_45 : vector<1024x1xf32>
      %div3A_47 = arith.constant 1.000000e+00 : f32
      %div3A_48 = vector.broadcast %div3A_47 : f32 to vector<1024x1xf32>
      %div3A_49 = arith.divf %div3A_48, %max3A_46 : vector<1024x1xf32>
      %slice3A_50 = vector.extract_strided_slice %get3A_35 {offsets = [0, 2], sizes = [1024, 1], strides = [1, 1]} : vector<1024x8xf32> to vector<1024x1xf32>
      %max3A_51 = arith.constant 1.000000e-16 : f32
      %max3A_52 = vector.broadcast %max3A_51 : f32 to vector<1024x1xf32>
      %max3A_53 = arith.maximumf %slice3A_50, %max3A_52 : vector<1024x1xf32>
      %div3A_54 = arith.constant 1.000000e+00 : f32
      %div3A_55 = vector.broadcast %div3A_54 : f32 to vector<1024x1xf32>
      %div3A_56 = arith.divf %div3A_55, %max3A_53 : vector<1024x1xf32>
      %add3A = arith.addf %div3A_42, %div3A_49 : vector<1024x1xf32>
      %add3A_57 = arith.addf %add3A, %div3A_56 : vector<1024x1xf32>
      %slice3A_58 = vector.extract_strided_slice %get3A_38 {offsets = [0, 0], sizes = [1024, 1], strides = [1, 1]} : vector<1024x8xi32> to vector<1024x1xi32>
      %swap3A = arith.constant 0 : index
      %swap3A_59 = arith.constant 0 : index
      %swap3A_60 = vector.load %arg5[%swap3A, %swap3A_59] : memref<1024x1xi32, #tpu.memory_space<vmem>>, vector<1024x1xi32>
      tpu.vector_store %arg5[%swap3A, %swap3A_59], %slice3A_58 {strides = array<i32>} : memref<1024x1xi32, #tpu.memory_space<vmem>>, vector<1024x1xi32>,
      %div3A_61 = arith.divf %div3A_42, %add3A_57 : vector<1024x1xf32>
      %swap3A_62 = arith.constant 0 : index
      %swap3A_63 = arith.constant 0 : index
      %swap3A_64 = vector.load %arg8[%swap3A_62, %swap3A_63] : memref<1024x1xf32, #tpu.memory_space<vmem>>, vector<1024x1xf32>
      tpu.vector_store %arg8[%swap3A_62, %swap3A_63], %div3A_61 {strides = array<i32>} : memref<1024x1xf32, #tpu.memory_space<vmem>>, vector<1024x1xf32>,
      %slice3A_65 = vector.extract_strided_slice %get3A_38 {offsets = [0, 1], sizes = [1024, 1], strides = [1, 1]} : vector<1024x8xi32> to vector<1024x1xi32>
      %swap3A_66 = arith.constant 0 : index
      %swap3A_67 = arith.constant 0 : index
      %swap3A_68 = vector.load %arg6[%swap3A_66, %swap3A_67] : memref<1024x1xi32, #tpu.memory_space<vmem>>, vector<1024x1xi32>
      tpu.vector_store %arg6[%swap3A_66, %swap3A_67], %slice3A_65 {strides = array<i32>} : memref<1024x1xi32, #tpu.memory_space<vmem>>, vector<1024x1xi32>,
      %div3A_69 = arith.divf %div3A_49, %add3A_57 : vector<1024x1xf32>
      %swap3A_70 = arith.constant 0 : index
      %swap3A_71 = arith.constant 0 : index
      %swap3A_72 = vector.load %arg9[%swap3A_70, %swap3A_71] : memref<1024x1xf32, #tpu.memory_space<vmem>>, vector<1024x1xf32>
      tpu.vector_store %arg9[%swap3A_70, %swap3A_71], %div3A_69 {strides = array<i32>} : memref<1024x1xf32, #tpu.memory_space<vmem>>, vector<1024x1xf32>,
      %slice3A_73 = vector.extract_strided_slice %get3A_38 {offsets = [0, 2], sizes = [1024, 1], strides = [1, 1]} : vector<1024x8xi32> to vector<1024x1xi32>
      %swap3A_74 = arith.constant 0 : index
      %swap3A_75 = arith.constant 0 : index
      %swap3A_76 = vector.load %arg7[%swap3A_74, %swap3A_75] : memref<1024x1xi32, #tpu.memory_space<vmem>>, vector<1024x1xi32>
      tpu.vector_store %arg7[%swap3A_74, %swap3A_75], %slice3A_73 {strides = array<i32>} : memref<1024x1xi32, #tpu.memory_space<vmem>>, vector<1024x1xi32>,
      %div3A_77 = arith.divf %div3A_56, %add3A_57 : vector<1024x1xf32>
      %swap3A_78 = arith.constant 0 : index
      %swap3A_79 = arith.constant 0 : index
      %swap3A_80 = vector.load %arg10[%swap3A_78, %swap3A_79] : memref<1024x1xf32, #tpu.memory_space<vmem>>, vector<1024x1xf32>
      tpu.vector_store %arg10[%swap3A_78, %swap3A_79], %div3A_77 {strides = array<i32>} : memref<1024x1xf32, #tpu.memory_space<vmem>>, vector<1024x1xf32>,
    } else {
    }
    return
  }
  func.func @transform_0(%arg0: i32, %arg1: i32) -> (i32, i32) {
    %c0_i32 = arith.constant 0 : i32
    %c0_i32_0 = arith.constant 0 : i32
    return %arg0, %c0_i32 : i32, i32
  }
  func.func @transform_1(%arg0: i32, %arg1: i32) -> (i32, i32) {
    %c0_i32 = arith.constant 0 : i32
    %c0_i32_0 = arith.constant 0 : i32
    return %c0_i32, %arg1 : i32, i32
  }
  func.func @transform_2(%arg0: i32, %arg1: i32) -> (i32, i32) {
    %c0_i32 = arith.constant 0 : i32
    %c0_i32_0 = arith.constant 0 : i32
    return %c0_i32, %arg1 : i32, i32
  }
  func.func @transform_3(%arg0: i32, %arg1: i32) -> (i32, i32) {
    %c0_i32 = arith.constant 0 : i32
    %c0_i32_0 = arith.constant 0 : i32
    return %arg0, %c0_i32 : i32, i32
  }
  func.func @transform_4(%arg0: i32, %arg1: i32) -> (i32, i32) {
    %c0_i32 = arith.constant 0 : i32
    %c0_i32_0 = arith.constant 0 : i32
    return %arg0, %c0_i32 : i32, i32
  }
  func.func @transform_5(%arg0: i32, %arg1: i32) -> (i32, i32) {
    %c0_i32 = arith.constant 0 : i32
    %c0_i32_0 = arith.constant 0 : i32
    return %arg0, %c0_i32 : i32, i32
  }
  func.func @transform_6(%arg0: i32, %arg1: i32) -> (i32, i32) {
    %c0_i32 = arith.constant 0 : i32
    %c0_i32_0 = arith.constant 0 : i32
    return %arg0, %c0_i32 : i32, i32
  }
  func.func @transform_7(%arg0: i32, %arg1: i32) -> (i32, i32) {
    %c0_i32 = arith.constant 0 : i32
    %c0_i32_0 = arith.constant 0 : i32
    return %arg0, %c0_i32 : i32, i32
  }
  func.func @transform_8(%arg0: i32, %arg1: i32) -> (i32, i32) {
    %c0_i32 = arith.constant 0 : i32
    %c0_i32_0 = arith.constant 0 : i32
    return %arg0, %c0_i32 : i32, i32
  }
}

module attributes {stable_mosaic.version = 14 : i64} {
  func.func @_mlp_body(%arg0: i32, %arg1: memref<256x256xf32, #tpu.memory_space<vmem>>, %arg2: memref<64x256xf32, #tpu.memory_space<vmem>>, %arg3: memref<1x256xf32, #tpu.memory_space<vmem>>, %arg4: memref<256x128xf32, #tpu.memory_space<vmem>>, %arg5: memref<1x128xf32, #tpu.memory_space<vmem>>, %arg6: memref<2048x64xf32, #tpu.memory_space<vmem>>, %arg7: memref<2048x256xf32, #tpu.memory_space<vmem>>, %arg8: memref<2048x256xf32, #tpu.memory_space<vmem>>, %arg9: memref<2048x256xf32, #tpu.memory_space<vmem>>, %arg10: memref<2048x1xf32, #tpu.memory_space<vmem>>, %arg11: memref<2048x1xf32, #tpu.memory_space<vmem>>, %arg12: memref<2048x1xf32, #tpu.memory_space<vmem>>, %arg13: memref<2048x128xf32, #tpu.memory_space<vmem>>) attributes {dimension_semantics = [#tpu.dimension_semantics<arbitrary>], iteration_bounds = array<i64: 2>, scalar_prefetch = 0 : i64, scratch_operands = 0 : i64, tpu.core_type = #tpu.core_type<tc>, window_params = [{pipeline_mode = #tpu.pipeline_mode<synchronous>, transform_indices = @transform_0, window_bounds = array<i64: 256, 256>}, {pipeline_mode = #tpu.pipeline_mode<synchronous>, transform_indices = @transform_1, window_bounds = array<i64: 64, 256>}, {pipeline_mode = #tpu.pipeline_mode<synchronous>, transform_indices = @transform_2, window_bounds = array<i64: 1, 256>}, {pipeline_mode = #tpu.pipeline_mode<synchronous>, transform_indices = @transform_3, window_bounds = array<i64: 256, 128>}, {pipeline_mode = #tpu.pipeline_mode<synchronous>, transform_indices = @transform_4, window_bounds = array<i64: 1, 128>}, {transform_indices = @transform_5, window_bounds = array<i64: 2048, 64>}, {transform_indices = @transform_6, window_bounds = array<i64: 2048, 256>}, {transform_indices = @transform_7, window_bounds = array<i64: 2048, 256>}, {transform_indices = @transform_8, window_bounds = array<i64: 2048, 256>}, {transform_indices = @transform_9, window_bounds = array<i64: 2048, 1>}, {transform_indices = @transform_10, window_bounds = array<i64: 2048, 1>}, {transform_indices = @transform_11, window_bounds = array<i64: 2048, 1>}, {transform_indices = @transform_12, window_bounds = array<i64: 2048, 128>}]} {
    %get3A = arith.constant 0 : index
    %get3A_0 = arith.constant 0 : index
    %get3A_1 = vector.load %arg10[%get3A, %get3A_0] : memref<2048x1xf32, #tpu.memory_space<vmem>>, vector<2048x1xf32>
    %get3A_2 = arith.constant 0 : index
    %get3A_3 = arith.constant 0 : index
    %get3A_4 = vector.load %arg7[%get3A_2, %get3A_3] : memref<2048x256xf32, #tpu.memory_space<vmem>>, vector<2048x256xf32>
    %mul3A = vector.broadcast %get3A_1 : vector<2048x1xf32> to vector<2048x256xf32>
    %mul3A_5 = arith.mulf %mul3A, %get3A_4 : vector<2048x256xf32>
    %get3A_6 = arith.constant 0 : index
    %get3A_7 = arith.constant 0 : index
    %get3A_8 = vector.load %arg11[%get3A_6, %get3A_7] : memref<2048x1xf32, #tpu.memory_space<vmem>>, vector<2048x1xf32>
    %get3A_9 = arith.constant 0 : index
    %get3A_10 = arith.constant 0 : index
    %get3A_11 = vector.load %arg8[%get3A_9, %get3A_10] : memref<2048x256xf32, #tpu.memory_space<vmem>>, vector<2048x256xf32>
    %mul3A_12 = vector.broadcast %get3A_8 : vector<2048x1xf32> to vector<2048x256xf32>
    %mul3A_13 = arith.mulf %mul3A_12, %get3A_11 : vector<2048x256xf32>
    %add3A = arith.addf %mul3A_5, %mul3A_13 : vector<2048x256xf32>
    %get3A_14 = arith.constant 0 : index
    %get3A_15 = arith.constant 0 : index
    %get3A_16 = vector.load %arg12[%get3A_14, %get3A_15] : memref<2048x1xf32, #tpu.memory_space<vmem>>, vector<2048x1xf32>
    %get3A_17 = arith.constant 0 : index
    %get3A_18 = arith.constant 0 : index
    %get3A_19 = vector.load %arg9[%get3A_17, %get3A_18] : memref<2048x256xf32, #tpu.memory_space<vmem>>, vector<2048x256xf32>
    %mul3A_20 = vector.broadcast %get3A_16 : vector<2048x1xf32> to vector<2048x256xf32>
    %mul3A_21 = arith.mulf %mul3A_20, %get3A_19 : vector<2048x256xf32>
    %add3A_22 = arith.addf %add3A, %mul3A_21 : vector<2048x256xf32>
    %get3A_23 = arith.constant 0 : index
    %get3A_24 = arith.constant 0 : index
    %get3A_25 = vector.load %arg1[%get3A_23, %get3A_24] : memref<256x256xf32, #tpu.memory_space<vmem>>, vector<256x256xf32>
    %dot_general3A = arith.constant dense<0.000000e+00> : vector<2048x256xf32>
    %dot_general3A_26 = tpu.matmul %add3A_22, %get3A_25, %dot_general3A {dimension_numbers = #tpu.dot_dimension_numbers<[1], [0], [0], [1], [0, 0, 1, 1], [], []>, transpose_lhs_hint = false} : vector<2048x256xf32>, vector<256x256xf32>, vector<2048x256xf32> -> vector<2048x256xf32>
    %get3A_27 = arith.constant 0 : index
    %get3A_28 = arith.constant 0 : index
    %get3A_29 = vector.load %arg6[%get3A_27, %get3A_28] : memref<2048x64xf32, #tpu.memory_space<vmem>>, vector<2048x64xf32>
    %get3A_30 = arith.constant 0 : index
    %get3A_31 = arith.constant 0 : index
    %get3A_32 = vector.load %arg2[%get3A_30, %get3A_31] : memref<64x256xf32, #tpu.memory_space<vmem>>, vector<64x256xf32>
    %dot_general3A_33 = arith.constant dense<0.000000e+00> : vector<2048x256xf32>
    %dot_general3A_34 = tpu.matmul %get3A_29, %get3A_32, %dot_general3A_33 {dimension_numbers = #tpu.dot_dimension_numbers<[1], [0], [0], [1], [0, 0, 1, 1], [], []>, transpose_lhs_hint = false} : vector<2048x64xf32>, vector<64x256xf32>, vector<2048x256xf32> -> vector<2048x256xf32>
    %add3A_35 = arith.addf %dot_general3A_26, %dot_general3A_34 : vector<2048x256xf32>
    %get3A_36 = arith.constant 0 : index
    %get3A_37 = arith.constant 0 : index
    %get3A_38 = vector.load %arg3[%get3A_36, %get3A_37] : memref<1x256xf32, #tpu.memory_space<vmem>>, vector<1x256xf32>
    %add3A_39 = vector.broadcast %get3A_38 : vector<1x256xf32> to vector<2048x256xf32>
    %add3A_40 = arith.addf %add3A_35, %add3A_39 : vector<2048x256xf32>
    %max3A = arith.constant 0.000000e+00 : f32
    %max3A_41 = vector.broadcast %max3A : f32 to vector<2048x256xf32>
    %max3A_42 = arith.maximumf %add3A_40, %max3A_41 : vector<2048x256xf32>
    %get3A_43 = arith.constant 0 : index
    %get3A_44 = arith.constant 0 : index
    %get3A_45 = vector.load %arg4[%get3A_43, %get3A_44] : memref<256x128xf32, #tpu.memory_space<vmem>>, vector<256x128xf32>
    %dot_general3A_46 = arith.constant dense<0.000000e+00> : vector<2048x128xf32>
    %dot_general3A_47 = tpu.matmul %max3A_42, %get3A_45, %dot_general3A_46 {dimension_numbers = #tpu.dot_dimension_numbers<[1], [0], [0], [1], [0, 0, 1, 1], [], []>, transpose_lhs_hint = false} : vector<2048x256xf32>, vector<256x128xf32>, vector<2048x128xf32> -> vector<2048x128xf32>
    %get3A_48 = arith.constant 0 : index
    %get3A_49 = arith.constant 0 : index
    %get3A_50 = vector.load %arg5[%get3A_48, %get3A_49] : memref<1x128xf32, #tpu.memory_space<vmem>>, vector<1x128xf32>
    %add3A_51 = vector.broadcast %get3A_50 : vector<1x128xf32> to vector<2048x128xf32>
    %add3A_52 = arith.addf %dot_general3A_47, %add3A_51 : vector<2048x128xf32>
    %swap3A = arith.constant 0 : index
    %swap3A_53 = arith.constant 0 : index
    %swap3A_54 = vector.load %arg13[%swap3A, %swap3A_53] : memref<2048x128xf32, #tpu.memory_space<vmem>>, vector<2048x128xf32>
    tpu.vector_store %arg13[%swap3A, %swap3A_53], %add3A_52 {strides = array<i32>} : memref<2048x128xf32, #tpu.memory_space<vmem>>, vector<2048x128xf32>,
    return
  }
  func.func @transform_0(%arg0: i32) -> (i32, i32) {
    %c0_i32 = arith.constant 0 : i32
    %c0_i32_0 = arith.constant 0 : i32
    %c0_i32_1 = arith.constant 0 : i32
    return %c0_i32, %c0_i32_0 : i32, i32
  }
  func.func @transform_1(%arg0: i32) -> (i32, i32) {
    %c0_i32 = arith.constant 0 : i32
    %c0_i32_0 = arith.constant 0 : i32
    %c0_i32_1 = arith.constant 0 : i32
    return %c0_i32, %c0_i32_0 : i32, i32
  }
  func.func @transform_2(%arg0: i32) -> (i32, i32) {
    %c0_i32 = arith.constant 0 : i32
    %c0_i32_0 = arith.constant 0 : i32
    %c0_i32_1 = arith.constant 0 : i32
    return %c0_i32, %c0_i32_0 : i32, i32
  }
  func.func @transform_3(%arg0: i32) -> (i32, i32) {
    %c0_i32 = arith.constant 0 : i32
    %c0_i32_0 = arith.constant 0 : i32
    %c0_i32_1 = arith.constant 0 : i32
    return %c0_i32, %c0_i32_0 : i32, i32
  }
  func.func @transform_4(%arg0: i32) -> (i32, i32) {
    %c0_i32 = arith.constant 0 : i32
    %c0_i32_0 = arith.constant 0 : i32
    %c0_i32_1 = arith.constant 0 : i32
    return %c0_i32, %c0_i32_0 : i32, i32
  }
  func.func @transform_5(%arg0: i32) -> (i32, i32) {
    %c0_i32 = arith.constant 0 : i32
    %c0_i32_0 = arith.constant 0 : i32
    return %arg0, %c0_i32 : i32, i32
  }
  func.func @transform_6(%arg0: i32) -> (i32, i32) {
    %c0_i32 = arith.constant 0 : i32
    %c0_i32_0 = arith.constant 0 : i32
    return %arg0, %c0_i32 : i32, i32
  }
  func.func @transform_7(%arg0: i32) -> (i32, i32) {
    %c0_i32 = arith.constant 0 : i32
    %c0_i32_0 = arith.constant 0 : i32
    return %arg0, %c0_i32 : i32, i32
  }
  func.func @transform_8(%arg0: i32) -> (i32, i32) {
    %c0_i32 = arith.constant 0 : i32
    %c0_i32_0 = arith.constant 0 : i32
    return %arg0, %c0_i32 : i32, i32
  }
  func.func @transform_9(%arg0: i32) -> (i32, i32) {
    %c0_i32 = arith.constant 0 : i32
    %c0_i32_0 = arith.constant 0 : i32
    return %arg0, %c0_i32 : i32, i32
  }
  func.func @transform_10(%arg0: i32) -> (i32, i32) {
    %c0_i32 = arith.constant 0 : i32
    %c0_i32_0 = arith.constant 0 : i32
    return %arg0, %c0_i32 : i32, i32
  }
  func.func @transform_11(%arg0: i32) -> (i32, i32) {
    %c0_i32 = arith.constant 0 : i32
    %c0_i32_0 = arith.constant 0 : i32
    return %arg0, %c0_i32 : i32, i32
  }
  func.func @transform_12(%arg0: i32) -> (i32, i32) {
    %c0_i32 = arith.constant 0 : i32
    %c0_i32_0 = arith.constant 0 : i32
    return %arg0, %c0_i32 : i32, i32
  }
}

module attributes {stable_mosaic.version = 14 : i64} {
  func.func @_mlp_body(%arg0: i32, %arg1: memref<128x128xf32, #tpu.memory_space<vmem>>, %arg2: memref<8x128xf32, #tpu.memory_space<vmem>>, %arg3: memref<1x128xf32, #tpu.memory_space<vmem>>, %arg4: memref<128x256xf32, #tpu.memory_space<vmem>>, %arg5: memref<1x256xf32, #tpu.memory_space<vmem>>, %arg6: memref<2048x8xf32, #tpu.memory_space<vmem>>, %arg7: memref<2048x128xf32, #tpu.memory_space<vmem>>, %arg8: memref<2048x128xf32, #tpu.memory_space<vmem>>, %arg9: memref<2048x128xf32, #tpu.memory_space<vmem>>, %arg10: memref<2048x1xf32, #tpu.memory_space<vmem>>, %arg11: memref<2048x1xf32, #tpu.memory_space<vmem>>, %arg12: memref<2048x1xf32, #tpu.memory_space<vmem>>, %arg13: memref<2048x256xf32, #tpu.memory_space<vmem>>) attributes {dimension_semantics = [#tpu.dimension_semantics<arbitrary>], iteration_bounds = array<i64: 8>, scalar_prefetch = 0 : i64, scratch_operands = 0 : i64, tpu.core_type = #tpu.core_type<tc>, window_params = [{pipeline_mode = #tpu.pipeline_mode<synchronous>, transform_indices = @transform_0, window_bounds = array<i64: 128, 128>}, {pipeline_mode = #tpu.pipeline_mode<synchronous>, transform_indices = @transform_1, window_bounds = array<i64: 8, 128>}, {pipeline_mode = #tpu.pipeline_mode<synchronous>, transform_indices = @transform_2, window_bounds = array<i64: 1, 128>}, {pipeline_mode = #tpu.pipeline_mode<synchronous>, transform_indices = @transform_3, window_bounds = array<i64: 128, 256>}, {pipeline_mode = #tpu.pipeline_mode<synchronous>, transform_indices = @transform_4, window_bounds = array<i64: 1, 256>}, {transform_indices = @transform_5, window_bounds = array<i64: 2048, 8>}, {transform_indices = @transform_6, window_bounds = array<i64: 2048, 128>}, {transform_indices = @transform_7, window_bounds = array<i64: 2048, 128>}, {transform_indices = @transform_8, window_bounds = array<i64: 2048, 128>}, {transform_indices = @transform_9, window_bounds = array<i64: 2048, 1>}, {transform_indices = @transform_10, window_bounds = array<i64: 2048, 1>}, {transform_indices = @transform_11, window_bounds = array<i64: 2048, 1>}, {transform_indices = @transform_12, window_bounds = array<i64: 2048, 256>}]} {
    %get3A = arith.constant 0 : index
    %get3A_0 = arith.constant 0 : index
    %get3A_1 = vector.load %arg10[%get3A, %get3A_0] : memref<2048x1xf32, #tpu.memory_space<vmem>>, vector<2048x1xf32>
    %get3A_2 = arith.constant 0 : index
    %get3A_3 = arith.constant 0 : index
    %get3A_4 = vector.load %arg7[%get3A_2, %get3A_3] : memref<2048x128xf32, #tpu.memory_space<vmem>>, vector<2048x128xf32>
    %mul3A = vector.broadcast %get3A_1 : vector<2048x1xf32> to vector<2048x128xf32>
    %mul3A_5 = arith.mulf %mul3A, %get3A_4 : vector<2048x128xf32>
    %get3A_6 = arith.constant 0 : index
    %get3A_7 = arith.constant 0 : index
    %get3A_8 = vector.load %arg11[%get3A_6, %get3A_7] : memref<2048x1xf32, #tpu.memory_space<vmem>>, vector<2048x1xf32>
    %get3A_9 = arith.constant 0 : index
    %get3A_10 = arith.constant 0 : index
    %get3A_11 = vector.load %arg8[%get3A_9, %get3A_10] : memref<2048x128xf32, #tpu.memory_space<vmem>>, vector<2048x128xf32>
    %mul3A_12 = vector.broadcast %get3A_8 : vector<2048x1xf32> to vector<2048x128xf32>
    %mul3A_13 = arith.mulf %mul3A_12, %get3A_11 : vector<2048x128xf32>
    %add3A = arith.addf %mul3A_5, %mul3A_13 : vector<2048x128xf32>
    %get3A_14 = arith.constant 0 : index
    %get3A_15 = arith.constant 0 : index
    %get3A_16 = vector.load %arg12[%get3A_14, %get3A_15] : memref<2048x1xf32, #tpu.memory_space<vmem>>, vector<2048x1xf32>
    %get3A_17 = arith.constant 0 : index
    %get3A_18 = arith.constant 0 : index
    %get3A_19 = vector.load %arg9[%get3A_17, %get3A_18] : memref<2048x128xf32, #tpu.memory_space<vmem>>, vector<2048x128xf32>
    %mul3A_20 = vector.broadcast %get3A_16 : vector<2048x1xf32> to vector<2048x128xf32>
    %mul3A_21 = arith.mulf %mul3A_20, %get3A_19 : vector<2048x128xf32>
    %add3A_22 = arith.addf %add3A, %mul3A_21 : vector<2048x128xf32>
    %get3A_23 = arith.constant 0 : index
    %get3A_24 = arith.constant 0 : index
    %get3A_25 = vector.load %arg1[%get3A_23, %get3A_24] : memref<128x128xf32, #tpu.memory_space<vmem>>, vector<128x128xf32>
    %dot_general3A = arith.constant dense<0.000000e+00> : vector<2048x128xf32>
    %dot_general3A_26 = tpu.matmul %add3A_22, %get3A_25, %dot_general3A {dimension_numbers = #tpu.dot_dimension_numbers<[1], [0], [0], [1], [0, 0, 1, 1], [], []>, transpose_lhs_hint = false} : vector<2048x128xf32>, vector<128x128xf32>, vector<2048x128xf32> -> vector<2048x128xf32>
    %get3A_27 = arith.constant 0 : index
    %get3A_28 = arith.constant 0 : index
    %get3A_29 = vector.load %arg6[%get3A_27, %get3A_28] : memref<2048x8xf32, #tpu.memory_space<vmem>>, vector<2048x8xf32>
    %get3A_30 = arith.constant 0 : index
    %get3A_31 = arith.constant 0 : index
    %get3A_32 = vector.load %arg2[%get3A_30, %get3A_31] : memref<8x128xf32, #tpu.memory_space<vmem>>, vector<8x128xf32>
    %dot_general3A_33 = arith.constant dense<0.000000e+00> : vector<2048x128xf32>
    %dot_general3A_34 = tpu.matmul %get3A_29, %get3A_32, %dot_general3A_33 {dimension_numbers = #tpu.dot_dimension_numbers<[1], [0], [0], [1], [0, 0, 1, 1], [], []>, transpose_lhs_hint = false} : vector<2048x8xf32>, vector<8x128xf32>, vector<2048x128xf32> -> vector<2048x128xf32>
    %add3A_35 = arith.addf %dot_general3A_26, %dot_general3A_34 : vector<2048x128xf32>
    %get3A_36 = arith.constant 0 : index
    %get3A_37 = arith.constant 0 : index
    %get3A_38 = vector.load %arg3[%get3A_36, %get3A_37] : memref<1x128xf32, #tpu.memory_space<vmem>>, vector<1x128xf32>
    %add3A_39 = vector.broadcast %get3A_38 : vector<1x128xf32> to vector<2048x128xf32>
    %add3A_40 = arith.addf %add3A_35, %add3A_39 : vector<2048x128xf32>
    %max3A = arith.constant 0.000000e+00 : f32
    %max3A_41 = vector.broadcast %max3A : f32 to vector<2048x128xf32>
    %max3A_42 = arith.maximumf %add3A_40, %max3A_41 : vector<2048x128xf32>
    %get3A_43 = arith.constant 0 : index
    %get3A_44 = arith.constant 0 : index
    %get3A_45 = vector.load %arg4[%get3A_43, %get3A_44] : memref<128x256xf32, #tpu.memory_space<vmem>>, vector<128x256xf32>
    %dot_general3A_46 = arith.constant dense<0.000000e+00> : vector<2048x256xf32>
    %dot_general3A_47 = tpu.matmul %max3A_42, %get3A_45, %dot_general3A_46 {dimension_numbers = #tpu.dot_dimension_numbers<[1], [0], [0], [1], [0, 0, 1, 1], [], []>, transpose_lhs_hint = false} : vector<2048x128xf32>, vector<128x256xf32>, vector<2048x256xf32> -> vector<2048x256xf32>
    %get3A_48 = arith.constant 0 : index
    %get3A_49 = arith.constant 0 : index
    %get3A_50 = vector.load %arg5[%get3A_48, %get3A_49] : memref<1x256xf32, #tpu.memory_space<vmem>>, vector<1x256xf32>
    %add3A_51 = vector.broadcast %get3A_50 : vector<1x256xf32> to vector<2048x256xf32>
    %add3A_52 = arith.addf %dot_general3A_47, %add3A_51 : vector<2048x256xf32>
    %swap3A = arith.constant 0 : index
    %swap3A_53 = arith.constant 0 : index
    %swap3A_54 = vector.load %arg13[%swap3A, %swap3A_53] : memref<2048x256xf32, #tpu.memory_space<vmem>>, vector<2048x256xf32>
    tpu.vector_store %arg13[%swap3A, %swap3A_53], %add3A_52 {strides = array<i32>} : memref<2048x256xf32, #tpu.memory_space<vmem>>, vector<2048x256xf32>,
    return
  }
  func.func @transform_0(%arg0: i32) -> (i32, i32) {
    %c0_i32 = arith.constant 0 : i32
    %c0_i32_0 = arith.constant 0 : i32
    %c0_i32_1 = arith.constant 0 : i32
    return %c0_i32, %c0_i32_0 : i32, i32
  }
  func.func @transform_1(%arg0: i32) -> (i32, i32) {
    %c0_i32 = arith.constant 0 : i32
    %c0_i32_0 = arith.constant 0 : i32
    %c0_i32_1 = arith.constant 0 : i32
    return %c0_i32, %c0_i32_0 : i32, i32
  }
  func.func @transform_2(%arg0: i32) -> (i32, i32) {
    %c0_i32 = arith.constant 0 : i32
    %c0_i32_0 = arith.constant 0 : i32
    %c0_i32_1 = arith.constant 0 : i32
    return %c0_i32, %c0_i32_0 : i32, i32
  }
  func.func @transform_3(%arg0: i32) -> (i32, i32) {
    %c0_i32 = arith.constant 0 : i32
    %c0_i32_0 = arith.constant 0 : i32
    %c0_i32_1 = arith.constant 0 : i32
    return %c0_i32, %c0_i32_0 : i32, i32
  }
  func.func @transform_4(%arg0: i32) -> (i32, i32) {
    %c0_i32 = arith.constant 0 : i32
    %c0_i32_0 = arith.constant 0 : i32
    %c0_i32_1 = arith.constant 0 : i32
    return %c0_i32, %c0_i32_0 : i32, i32
  }
  func.func @transform_5(%arg0: i32) -> (i32, i32) {
    %c0_i32 = arith.constant 0 : i32
    %c0_i32_0 = arith.constant 0 : i32
    return %arg0, %c0_i32 : i32, i32
  }
  func.func @transform_6(%arg0: i32) -> (i32, i32) {
    %c0_i32 = arith.constant 0 : i32
    %c0_i32_0 = arith.constant 0 : i32
    return %arg0, %c0_i32 : i32, i32
  }
  func.func @transform_7(%arg0: i32) -> (i32, i32) {
    %c0_i32 = arith.constant 0 : i32
    %c0_i32_0 = arith.constant 0 : i32
    return %arg0, %c0_i32 : i32, i32
  }
  func.func @transform_8(%arg0: i32) -> (i32, i32) {
    %c0_i32 = arith.constant 0 : i32
    %c0_i32_0 = arith.constant 0 : i32
    return %arg0, %c0_i32 : i32, i32
  }
  func.func @transform_9(%arg0: i32) -> (i32, i32) {
    %c0_i32 = arith.constant 0 : i32
    %c0_i32_0 = arith.constant 0 : i32
    return %arg0, %c0_i32 : i32, i32
  }
  func.func @transform_10(%arg0: i32) -> (i32, i32) {
    %c0_i32 = arith.constant 0 : i32
    %c0_i32_0 = arith.constant 0 : i32
    return %arg0, %c0_i32 : i32, i32
  }
  func.func @transform_11(%arg0: i32) -> (i32, i32) {
    %c0_i32 = arith.constant 0 : i32
    %c0_i32_0 = arith.constant 0 : i32
    return %arg0, %c0_i32 : i32, i32
  }
  func.func @transform_12(%arg0: i32) -> (i32, i32) {
    %c0_i32 = arith.constant 0 : i32
    %c0_i32_0 = arith.constant 0 : i32
    return %arg0, %c0_i32 : i32, i32
  }
}

</mosaic_0001>

<sc_bundles>
// kernel: kernel.14.cloned.1.call-start
scs
__scs_entry_jumppad:
0x0: {  	(pc) =	sbr.rel $0x88, $3  }
0x1: {  	(tag) =	ssettag $0x0;
	lr =	simm.s32 $0x1  }
0x2: {  	[smem:$0x3F82] =	sst lr;
	_ =	strace $0xD0000000  }
0x3: {  	_ = 	snop  }
0x4: {  	_ = 	snop  }
0x5: {  	_ = 	snop  }
0x6: {  	_ = 	snop  }
0x7: {  	_ = 	snop  }
__scs_overlays_trampoline_lowered:
0x8: {  	[smem:$0x3F91] =	sst s0  }
0x9: {  	[smem:$0x3F92] =	sst s1  }
0xa: {  	[smem:$0x3F93] =	sst s2  }
0xb: {  	[smem:$0x3F94] =	sst s3  }
0xc: {  	[smem:$0x3F95] =	sst s4  }
0xd: {  	[smem:$0x3F96] =	sst s5  }
0xe: {  	[smem:$0x3F97] =	sst s6  }
0xf: {  	[smem:$0x3F98] =	sst s7  }
0x10: {  	[smem:$0x3F99] =	sst s8  }
0x11: {  	[smem:$0x3F9A] =	sst s9;
	s0 =	simm.s32 @!p0 $0x0  }
0x12: {  	s1 =	sld [smem:$0x3F80];
	s0 =	simm.s32 @p0 $0x1  }
0x13: {  	[smem:$0x3F9B] =	sst s0;
	s0 =	simm.s32 @!p1 $0x0  }
0x14: {  	s2 =	sld [smem:$0x3F7F];
	s0 =	simm.s32 @p1 $0x1  }
0x15: {  	[smem:$0x3F9C] =	sst s0;
	s0 =	simm.s32 @!p2 $0x0  }
0x16: {  	s3 =	sld [smem:$0x3FDB];
	s0 =	simm.s32 @p2 $0x1  }
0x17: {  	s4 =	simm.s32 $0x1BF5;
	[smem:$0x3F9E] =	sst s0  }
0x18: {  	s0 =	sld [smem:$0x3F81];
	_ =	swait.ge [sflag:s4], $0x0  }
0x19: {  	s7 =	sld [smem:$0x3F82]  }
0x1a: {  	s8 =	sadd.s32 $0xFFFFE003, lr  }
0x1b: {  	s9 =	sadd.s32 $0xFFFFFEF7, lr;
	s5 =	simm.s32 $0xFFFFFFFF;
	p2 =	slt.u32 s8, $0xFFFFF086  }
0x1c: {  	p1 =	slt.u32 s9, $0xF7A;
	s5 =	simm.s32 @!p2 $0x0  }
0x1d: {  	s5 =	simm.s32 @p1 $0x1;
	p0 =	seq.s32 s7, s2  }
0x1e: {  	s7 =	smul.u32 @!p0 $0xF7A, s2;
	p2 =	seq.s32 @!p0 s5, $0x0  }
0x1f: {  	s9 =	smul.u32 $0xF7A, s1;
	s8 =	simm.s32 @!p0 $0x1BF5;
	p2 =	por !p2, p0  }
0x20: {  	[sflag:s8] =	ssyncset.s32 @!p0 $0xFFFFF086;
	s6 =	sadd.s32 @!p0 s3, s7;
	s7 =	simm.s32 @!p0 $0x108  }
0x21: {  	s3 =	sadd.s32 s3, s9;
	s6 =	sadd.s32 @!p0 $0x88, s6;
	s7 =	simm.s32 @p2 $0x1082  }
0x22: {  	[simem:s7], [sflag:s8] =	dma.local @!p0 [hbm:s6], $0xF7A  }
0x23: {  	s9 =	sor.u32 $0xD0000000, s2;
	s6 =	simm.s32 $0x108;
	_ =	swait.ge @!p0 [sflag:s8], $0x0  }
0x24: {  	s3 =	sadd.s32 $0x88, s3;
	s6 =	simm.s32 @!p1 $0x1082;
	[sflag:s4] =	ssyncset.s32 $0xFFFFF086  }
0x25: {  	[simem:s6], [sflag:s4] =	dma.local [hbm:s3], $0xF7A  }
0x26: {  	[smem:$0x3F82] =	sst s1;
	(tag) =	ssettag s2;
	_ =	strace s9  }
0x27: {  	s1 =	sld [smem:$0x3F92]  }
0x28: {  	s2 =	sld [smem:$0x3F93]  }
0x29: {  	s4 =	sld [smem:$0x3F95]  }
0x2a: {  	p0 =	seq.s32 s5, $0x0;
	s5 =	sld [smem:$0x3F96]  }
0x2b: {  	s6 =	sld [smem:$0x3F97]  }
0x2c: {  	s7 =	sld [smem:$0x3F98]  }
0x2d: {  	s3 =	simm.s32 $0x108;
	s8 =	sld [smem:$0x3F99]  }
0x2e: {  	s3 =	simm.s32 @!p0 $0x1082;
	s9 =	sld [smem:$0x3F9A]  }
0x2f: {  	lr =	sadd.s32 s0, s3;
	s0 =	sld [smem:$0x3F91]  }
0x30: {  	s3 =	sld [smem:$0x3F94]  }
0x31: {  	[smem:$0x3F9D] =	sst s10  }
0x32: {  	s10 =	sld [smem:$0x3F9B];
	_ =	sdelay $0x3  }
0x33: {  	p0 =	seq.s32 s10, $0x1;
	s10 =	sld [smem:$0x3F9D];
	_ =	sdelay $0x3  }
0x34: {  	[smem:$0x3F9D] =	sst s10  }
0x35: {  	s10 =	sld [smem:$0x3F9C];
	_ =	sdelay $0x3  }
0x36: {  	p1 =	seq.s32 s10, $0x1;
	s10 =	sld [smem:$0x3F9D];
	_ =	sdelay $0x3  }
0x37: {  	[smem:$0x3F9D] =	sst s10  }
0x38: {  	s10 =	sld [smem:$0x3F9E]  }
0x39: {  	_ = 	snop;
	(pc) =	sbr.ind lr, $3  }
0x3a: {  	_ = 	snop  }
0x3b: {  	_ = 	snop  }
0x3c: {  	p2 =	seq.s32 s10, $0x1;
	s10 =	sld [smem:$0x3F9D]  }
0x3d: {  	_ =	shalt  }
0x3e: {  	_ =	shalt  }
0x3f: {  	_ =	shalt  }
0x40: {  	_ =	shalt  }
0x41: {  	_ =	shalt  }
0x42: {  	_ =	shalt  }
0x43: {  	_ =	shalt  }
0x44: {  	_ =	shalt  }
0x45: {  	_ =	shalt  }
0x46: {  	_ =	shalt  }
0x47: {  	_ =	shalt  }
0x48: {  	_ =	shalt  }
0x49: {  	_ =	shalt  }
0x4a: {  	_ =	shalt  }
0x4b: {  	_ =	shalt  }
0x4c: {  	_ =	shalt  }
0x4d: {  	_ =	shalt  }
0x4e: {  	_ =	shalt  }
0x4f: {  	_ =	shalt  }
0x50: {  	_ =	shalt  }
0x51: {  	_ =	shalt  }
0x52: {  	_ =	shalt  }
0x53: {  	_ =	shalt  }
0x54: {  	_ =	shalt  }
0x55: {  	_ =	shalt  }
0x56: {  	_ =	shalt  }
0x57: {  	_ =	shalt  }
0x58: {  	_ =	shalt  }
0x59: {  	_ =	shalt  }
0x5a: {  	_ =	shalt  }
0x5b: {  	_ =	shalt  }
0x5c: {  	_ =	shalt  }
0x5d: {  	_ =	shalt  }
0x5e: {  	_ =	shalt  }
0x5f: {  	_ =	shalt  }
0x60: {  	_ =	shalt  }
0x61: {  	_ =	shalt  }
0x62: {  	_ =	shalt  }
0x63: {  	_ =	shalt  }
0x64: {  	_ =	shalt  }
0x65: {  	_ =	shalt  }
0x66: {  	_ =	shalt  }
0x67: {  	_ =	shalt  }
0x68: {  	_ =	shalt  }
0x69: {  	_ =	shalt  }
0x6a: {  	_ =	shalt  }
0x6b: {  	_ =	shalt  }
0x6c: {  	_ =	shalt  }
0x6d: {  	_ =	shalt  }
0x6e: {  	_ =	shalt  }
0x6f: {  	_ =	shalt  }
0x70: {  	_ =	shalt  }
0x71: {  	_ =	shalt  }
0x72: {  	_ =	shalt  }
0x73: {  	_ =	shalt  }
0x74: {  	_ =	shalt  }
0x75: {  	_ =	shalt  }
0x76: {  	_ =	shalt  }
0x77: {  	_ =	shalt  }
0x78: {  	_ =	shalt  }
0x79: {  	_ =	shalt  }
0x7a: {  	_ =	shalt  }
0x7b: {  	_ =	shalt  }
0x7c: {  	_ =	shalt  }
0x7d: {  	_ =	shalt  }
0x7e: {  	_ =	shalt  }
0x7f: {  	_ =	shalt  }
0x80: {  	_ =	shalt  }
0x81: {  	_ =	shalt  }
0x82: {  	_ =	shalt  }
0x83: {  	_ =	shalt  }
0x84: {  	_ =	shalt  }
0x85: {  	_ =	shalt  }
0x86: {  	_ =	shalt  }
0x87: {  	_ =	shalt  }
.Lfunc_end0:
.L_simem_size_0:
called_computation_lowered:
.L_overlay_start_0:
0x88: {  	s2 =	sld [smem:$0x3FD9]  }
0x89: {  	s3 =	sld [smem:$0x3FFE];
	_ =	sdelay $0x1  }
0x8a: {  	s1 =	srdreg.scid  }
0x8b: {  	s0 =	sand.u32 $0x1, s1  }
0x8c: {  	s15 =	sshll.u32 s0, $0xA;
	s2 =	sadd.s32 s3, s2  }
0x8d: {  	s2 =	sadd.s32 s2, s15  }
0x8e: {  	[smem:$0x3FA9] =	sst s2  }
0x8f: {  	_ = 	snop  }
0x90: {  	s2 =	sld [smem:$0x3FD0];
	_ =	sdelay $0x2  }
0x91: {  	s4 =	simm.s32 $0xA;
	s5 =	simm.s32 $0x10;
	s16 =	sld [smem:$0x3FBD]  }
0x92: {  	[smem:s5], [sflag:s4] =	dma.local [hbm:s2], $0x1  }
0x93: {  	_ =	swait.eq [sflag:s4], $0x1  }
0x94: {  	[sflag:s4] =	ssyncset.done $0x0  }
0x95: {  	s17 =	sld [smem:$0x10];
	[sflag:s4] =	ssyncadd.s32 $0xFFFFFFFF  }
0x96: {  	s18 =	sld [smem:$0x11];
	(tm) =	ssettm $0x1  }
0x97: {  	s19 =	sld [smem:$0x3FFB];
	_ =	sdelay $0x3  }
0x98: {  	_ =	strace s19  }
0x99: {  	s5 =	sld [smem:$0x3FFC];
	_ =	sdelay $0x3  }
0x9a: {  	_ =	strace s5  }
0x9b: {  	s5 =	sld [smem:$0x3FFD];
	_ =	sdelay $0x3  }
0x9c: {  	_ =	strace s5  }
0x9d: {  	_ =	strace $0x8FFFFFFF  }
0x9e: {  	s20 =	sld [smem:$0x3FDB];
	_ =	sdelay $0x1  }
0x9f: {  	s6 =	simm.s32 $_scs_section_size  }
0xa0: {  	s7 =	simm.s32 $_size__tile_overlayer_lowered;
	s8 =	simm.s32 $_tile_overlayer_lowered  }
0xa1: {  	s23 =	simm.s32 $0x1BFF;
	s22 =	sshll.u32 s8, $0x1;
	s5 =	sadd.s32 s6, s20  }
0xa2: {  	s9 =	simm.s32 $0x0;
	s21 =	sshll.u32 s7, $0x1;
	s7 =	sadd.s32 s22, s5  }
0xa3: {  	[timem:s9], [sflag:s23] =	dma.local [hbm:s7], s21  }
0xa4: {  	_ =	swait.ge [sflag:s23], s21  }
0xa5: {  	s6 =	ssub.s32 $0x0, s21;
	[sflag:s23] =	ssyncset.done $0x0  }
0xa6: {  	[sflag:s23] =	ssyncadd.s32 s6;
	_ =	sdelay $0x1  }
0xa7: {  	s24 =	simm.s32 $0x1B8B  }
0xa8: {  	_ =	swait.ge [sflag:s24], $0x1  }
0xa9: {  	[sflag:s24] =	ssyncset.done $0x0  }
0xaa: {  	s25 =	simm.s32 $0x1B8E;
	[sflag:s24] =	ssyncadd.s32 $0xFFFFFFFF  }
0xab: {  	s26 =	simm.s32 $execute0_lowered;
	[smem:$0x3FD2] =	sst s25  }
0xac: {  	s6 =	sshll.u32 s26, $0x1;
	_ =	strace $0x80000046;
	[dreg:$0x1] =	wrdreg $0xFFFFFFFF  }
0xad: {  	s28 =	simm.s32 $_size_execute0_lowered;
	s5 =	sadd.s32 s5, s6;
	[dreg:$0x0] =	wrdreg $0x0  }
0xae: {  	s6 =	sshll.u32 s28, $0x1;
	[dreg:$0x2] =	wrdreg s5  }
0xaf: {  	[dreg:$0x3] =	wrdreg s6  }
0xb0: {  	[dreg:$0x4] =	wrdreg $0xC0  }
0xb1: {  	_ =	task [dreg:s9], $0x5FFFF  }
0xb2: {  	[dreg:$0x1] =	wrdreg $0xFFFFFFFF  }
0xb3: {  	[dreg:$0x0] =	wrdreg $0x60  }
0xb4: {  	[dreg:$0x2] =	wrdreg s16  }
0xb5: {  	[dreg:$0x3] =	wrdreg s18  }
0xb6: {  	[dreg:$0x4] =	wrdreg s17  }
0xb7: {  	[dreg:$0x5] =	wrdreg $0x9  }
0xb8: {  	_ =	task.clear_ibuf [dreg:s9], $0x6FFFF;
	_ =	strace $0x90000046  }
0xb9: {  	s29 =	simm.s32 $0x9;
	_ =	strace $0x80000048  }
0xba: {  	_ =	swait.ge [sflag:s29], $0x1  }
0xbb: {  	[sflag:s29] =	ssyncadd.s32 $0xFFFFFFFF  }
0xbc: {  	_ =	strace $0x90000048  }
0xbd: {  	_ =	sfence  }
0xbe: {  	s30 =	sld [smem:$0x0];
	_ =	sdelay $0x2  }
0xbf: {  	s31 =	sshll.u32 s1, $0xD;
	s1 =	sshrl.u32 s1, $0x2  }
0xc0: {  	s3 =	sand.u32 $0x4000, s31;
	s1 =	sadd.s32 s1, s30  }
0xc1: {  	s0 =	sor.u32 s3, s0;
	s1 =	sshll.u32 s1, $0x11  }
0xc2: {  	s0 =	sor.u32 s1, s0  }
0xc3: {  	s0 =	sadd.s32 $0x8F2B, s0  }
0xc4: {  	[sflag:s0] =	ssyncadd.remote.s32 $0x1  }
0xc5: {  	_ =	sfence.sel $0xFFFF  }
0xc6: {  	[dreg:$0x0] =	wrdreg $0xFFFFFFFF;
	(pc) =	sbr.abs _section_cstart, $3  }
0xc7: {  	[dreg:$0x1] =	wrdreg $0xFFFFFFFF  }
0xc8: {  	_ =	task.clear_ibuf [dreg:s9], $0x2FFFF;
	_ =	strace $0x9FFFFFFF  }
0xc9: {  	(tm) =	ssettm $0x7FFFFFFF  }
tec
execute0_lowered:
.L_overlay_start_1:
0x0: {  	(tag) =	ssettag $0x1  }
0x1: {  	s1 =	rddreg [dreg:$0x0];
	s2 =	srdreg.scid  }
0x2: {  	s4 =	rddreg [dreg:$0x1];
	s0 =	stileid.u32;
	s6 =	sand.u32 $0x1, s2  }
0x3: {  	s10 =	rddreg [dreg:$0x2];
	s5 =	sshll.u32 s0, $0x4;
	s7 =	sshll.u32 s6, $0x3  }
0x4: {  	s3 =	simm.s32 $0x0;
	s2 =	rddreg [dreg:$0x3];
	s11 =	sor.u32 s7, s5  }
0x5: {  	[smem:$0x7FF] =	sst s3;
	s5 =	sshrl.u32 s11, $0x3  }
0x6: {  	_ =	strace $0x80000047;
	s5 =	sadd.s32 s4, s5;
	s4 =	simm.s32 $0x2  }
0x7: {  	[tilespmem:s3], [sflag:$0x2] =	stream.linear.gather [hbm4b:s5+s3], $0x8, $0x38;
	[tilespmem:$0x1080] =	vst v63  }
0x8: {  	_ =	swait.ge [sflag:s4], $0x8  }
0x9: {  	[sflag:s4] =	ssyncset.done $0x0  }
0xa: {  	[sflag:s4] =	ssyncadd.s32 $0xFFFFFFF8  }
0xb: {  	v0 =	vld.msk [tilespmem:$0x0], $0xff;
	_ =	sdelay $0x4  }
0xc: {  	v1 =	vshll.u32 v0, $0x2  }
0xd: {  	v2 =	vlaneseq.u32;
	v3 =	vand.u32 $0x7, v0;
	v1 =	vand.u32 $0xFFFFFFE0, v1  }
0xe: {  	v0 =	vand.u32 $0x7, v2;
	v2 =	vshrl.u32 v2, $0x3;
	v3 =	vor.u32 v3, v1  }
0xf: {  	v1 =	vmul.u32 $0x8, v2;
	v2 =	vperm.xlane v3, v0;
	_ =	sdelay $0x1  }
0x10: {  	v2 =	vadd.s32 v1, v2;
	_ =	sdelay $0x1  }
0x11: {  	s12 =	ssub.s32 $0x2, s6  }
0x12: {  	s13 =	sshrl.u32 s12, $0x1  }
0x13: {  	vm0 =	vmmov $0xffff;
	s8 =	simm.s32 $0x880;
	s6 =	simm.s32 $0x80;
	s12 =	ssub.s32 s12, s13  }
0x14: {  	[tilespmem:s6], [sflag:$0x1] =	stream.indirect_vreg.gather [hbm4b:s1+s3], $0x80, v2, vm0, $0xb8;
	[tilespmem:$0x1080] =	vst v63  }
0x15: {  	s9 =	simm.s32 $0x1;
	s7 =	sadd.s32 $0x100, s1;
	s31 =	smax.u32 s12, $0x1  }
0x16: {  	[tilespmem:s8], [sflag:$0x1] =	stream.indirect_vreg.gather [hbm4b:s7+s3], $0x80, v2, vm0, $0xb8;
	[tilespmem:$0x1080] =	vst v63  }
0x17: {  	p0 =	sne.s32 s31, $0x1;
	_ =	swait.ge [sflag:s9], $0x1000  }
.Ltmp0:
0x18: {  	s11 =	sshll.u32 s11, $0x6;
	[sflag:s9] =	ssyncset.done $0x0;
	(pc) =	sbr.rel @!p0 .LBB2_2-.Ltmp0, $4  }
0x19: {  	s10 =	sadd.s32 s10, s11;
	[sflag:s9] =	ssyncadd.s32 $0xFFFFF000  }
0x1a: {  	[hbm4b:s10+s3] =	stream.linear.scatter [tilespmem:s6], [sflag:$0x2], $0x1000, $0x38;
	[tilespmem:$0x1080] =	vst v63  }
0x1b: {  	_ =	swait.ge [sflag:s4], $0x1000  }
0x1c: {  	s11 =	sadd.s32 $0xFFFFFFFF, s31;
	[sflag:s4] =	ssyncset.done $0x0  }
.LBB2_1:
0x1d: {  	p0 =	sne.s32 s11, $0x1;
	s11 =	sadd.s32 $0xFFFFFFFF, s11;
	[sflag:s4] =	ssyncadd.s32 $0xFFFFF000  }
0x1e: {  	[tilespmem:s3], [sflag:$0x2] =	stream.linear.gather [hbm4b:s5+s3], $0x8, $0x38;
	[tilespmem:$0x1080] =	vst v63  }
0x1f: {  	_ =	swait.ge [sflag:s4], $0x8  }
0x20: {  	[sflag:s4] =	ssyncset.done $0x0  }
0x21: {  	[sflag:s4] =	ssyncadd.s32 $0xFFFFFFF8  }
0x22: {  	v2 =	vld.msk [tilespmem:$0x0], $0xff;
	_ =	sdelay $0x4  }
0x23: {  	v3 =	vshll.u32 v2, $0x2  }
0x24: {  	v2 =	vand.u32 $0x7, v2;
	v3 =	vand.u32 $0xFFFFFFE0, v3  }
0x25: {  	v2 =	vor.u32 v2, v3  }
0x26: {  	v2 =	vperm.xlane v2, v0;
	_ =	sdelay $0x1  }
0x27: {  	v2 =	vadd.s32 v1, v2;
	_ =	sdelay $0x4  }
0x28: {  	[tilespmem:s6], [sflag:$0x1] =	stream.indirect_vreg.gather [hbm4b:s1+s3], $0x80, v2, vm0, $0xb8;
	[tilespmem:$0x1080] =	vst v63  }
0x29: {  	_ = 	snop  }
0x2a: {  	[tilespmem:s8], [sflag:$0x1] =	stream.indirect_vreg.gather [hbm4b:s7+s3], $0x80, v2, vm0, $0xb8;
	[tilespmem:$0x1080] =	vst v63  }
0x2b: {  	_ =	swait.ge [sflag:s9], $0x1000  }
.Ltmp1:
0x2c: {  	[sflag:s9] =	ssyncset.done $0x0;
	(pc) =	sbr.rel @p0 .LBB2_1-.Ltmp1, $4  }
0x2d: {  	[sflag:s9] =	ssyncadd.s32 $0xFFFFF000  }
0x2e: {  	[hbm4b:s10+s3] =	stream.linear.scatter [tilespmem:s6], [sflag:$0x2], $0x1000, $0x38;
	[tilespmem:$0x1080] =	vst v63  }
0x2f: {  	_ =	swait.ge [sflag:s4], $0x1000  }
0x30: {  	[sflag:s4] =	ssyncset.done $0x0  }
.LBB2_2:
0x31: {  	[sflag:s4] =	ssyncadd.s32 $0xFFFFF000  }
0x32: {  	_ =	sfence.sel $0x180000  }
0x33: {  	[bflag:$0x0] =	sbarrier.arrive $0xFFFF  }
0x34: {  	p0 =	sne.s32 s0, $0x0;
	_ =	strace $0x90000047  }
0x35: {  	s0 =	sadd.s32 @!p0 $0x100000, s2;
	[bflag:$0x2] =	sbarrier.arrive $0xFFFF  }
0x36: {  	[sflag:s0] =	ssyncadd.tile.s32 @!p0 $0x1;
	_ =	shalt  }
.Lfunc_end2:
_tile_overlayer_lowered:
.L_overlay_start_2:
0x37: {  	(tag) =	ssettag $0x2  }
0x38: {  	s0 =	rddreg [dreg:$0x0];
	s2 =	stileid.u32  }
0x39: {  	s1 =	rddreg [dreg:$0x1];
	p0 =	sne.s32 s2, $0x0  }
0x3a: {  	s3 =	rddreg [dreg:$0x2];
	[bflag:$0x3] =	sbarrier.arrive $0xFFFF;
	s2 =	simm.s32 @!p0 $0x1C02  }
0x3b: {  	[timem:s3], [sflag:s2] =	dma.local @!p0 [hbm:s0], s1  }
0x3c: {  	s0 =	simm.s32 @!p0 $0x2  }
0x3d: {  	_ =	swait.ge @!p0 [sflag:s0], s1  }
0x3e: {  	s1 =	ssub.s32 @!p0 $0x0, s1;
	[sflag:s0] =	ssyncset.done @!p0 $0x0  }
0x3f: {  	[sflag:s0] =	ssyncadd.s32 @!p0 s1  }
0x40: {  	[bflag:$0x3] =	sbarrier.arrive $0xFFFF  }
0x41: {  	_ =	shalt  }

// kernel: kernel.17.cloned.1.call-start
scs
__scs_entry_jumppad:
0x0: {  	(pc) =	sbr.rel $0x88, $3  }
0x1: {  	(tag) =	ssettag $0x0;
	lr =	simm.s32 $0x1  }
0x2: {  	[smem:$0x3F82] =	sst lr;
	_ =	strace $0xD0000000  }
0x3: {  	_ = 	snop  }
0x4: {  	_ = 	snop  }
0x5: {  	_ = 	snop  }
0x6: {  	_ = 	snop  }
0x7: {  	_ = 	snop  }
__scs_overlays_trampoline_lowered:
0x8: {  	[smem:$0x3F91] =	sst s0  }
0x9: {  	[smem:$0x3F92] =	sst s1  }
0xa: {  	[smem:$0x3F93] =	sst s2  }
0xb: {  	[smem:$0x3F94] =	sst s3  }
0xc: {  	[smem:$0x3F95] =	sst s4  }
0xd: {  	[smem:$0x3F96] =	sst s5  }
0xe: {  	[smem:$0x3F97] =	sst s6  }
0xf: {  	[smem:$0x3F98] =	sst s7  }
0x10: {  	[smem:$0x3F99] =	sst s8  }
0x11: {  	[smem:$0x3F9A] =	sst s9;
	s0 =	simm.s32 @!p0 $0x0  }
0x12: {  	s1 =	sld [smem:$0x3F80];
	s0 =	simm.s32 @p0 $0x1  }
0x13: {  	[smem:$0x3F9B] =	sst s0;
	s0 =	simm.s32 @!p1 $0x0  }
0x14: {  	s2 =	sld [smem:$0x3F7F];
	s0 =	simm.s32 @p1 $0x1  }
0x15: {  	[smem:$0x3F9C] =	sst s0;
	s0 =	simm.s32 @!p2 $0x0  }
0x16: {  	s3 =	sld [smem:$0x3FDB];
	s0 =	simm.s32 @p2 $0x1  }
0x17: {  	s4 =	simm.s32 $0x1BF5;
	[smem:$0x3F9E] =	sst s0  }
0x18: {  	s0 =	sld [smem:$0x3F81];
	_ =	swait.ge [sflag:s4], $0x0  }
0x19: {  	s7 =	sld [smem:$0x3F82]  }
0x1a: {  	s8 =	sadd.s32 $0xFFFFE003, lr  }
0x1b: {  	s9 =	sadd.s32 $0xFFFFFEF7, lr;
	s5 =	simm.s32 $0xFFFFFFFF;
	p2 =	slt.u32 s8, $0xFFFFF086  }
0x1c: {  	p1 =	slt.u32 s9, $0xF7A;
	s5 =	simm.s32 @!p2 $0x0  }
0x1d: {  	s5 =	simm.s32 @p1 $0x1;
	p0 =	seq.s32 s7, s2  }
0x1e: {  	s7 =	smul.u32 @!p0 $0xF7A, s2;
	p2 =	seq.s32 @!p0 s5, $0x0  }
0x1f: {  	s9 =	smul.u32 $0xF7A, s1;
	s8 =	simm.s32 @!p0 $0x1BF5;
	p2 =	por !p2, p0  }
0x20: {  	[sflag:s8] =	ssyncset.s32 @!p0 $0xFFFFF086;
	s6 =	sadd.s32 @!p0 s3, s7;
	s7 =	simm.s32 @!p0 $0x108  }
0x21: {  	s3 =	sadd.s32 s3, s9;
	s6 =	sadd.s32 @!p0 $0x88, s6;
	s7 =	simm.s32 @p2 $0x1082  }
0x22: {  	[simem:s7], [sflag:s8] =	dma.local @!p0 [hbm:s6], $0xF7A  }
0x23: {  	s9 =	sor.u32 $0xD0000000, s2;
	s6 =	simm.s32 $0x108;
	_ =	swait.ge @!p0 [sflag:s8], $0x0  }
0x24: {  	s3 =	sadd.s32 $0x88, s3;
	s6 =	simm.s32 @!p1 $0x1082;
	[sflag:s4] =	ssyncset.s32 $0xFFFFF086  }
0x25: {  	[simem:s6], [sflag:s4] =	dma.local [hbm:s3], $0xF7A  }
0x26: {  	[smem:$0x3F82] =	sst s1;
	(tag) =	ssettag s2;
	_ =	strace s9  }
0x27: {  	s1 =	sld [smem:$0x3F92]  }
0x28: {  	s2 =	sld [smem:$0x3F93]  }
0x29: {  	s4 =	sld [smem:$0x3F95]  }
0x2a: {  	p0 =	seq.s32 s5, $0x0;
	s5 =	sld [smem:$0x3F96]  }
0x2b: {  	s6 =	sld [smem:$0x3F97]  }
0x2c: {  	s7 =	sld [smem:$0x3F98]  }
0x2d: {  	s3 =	simm.s32 $0x108;
	s8 =	sld [smem:$0x3F99]  }
0x2e: {  	s3 =	simm.s32 @!p0 $0x1082;
	s9 =	sld [smem:$0x3F9A]  }
0x2f: {  	lr =	sadd.s32 s0, s3;
	s0 =	sld [smem:$0x3F91]  }
0x30: {  	s3 =	sld [smem:$0x3F94]  }
0x31: {  	[smem:$0x3F9D] =	sst s10  }
0x32: {  	s10 =	sld [smem:$0x3F9B];
	_ =	sdelay $0x3  }
0x33: {  	p0 =	seq.s32 s10, $0x1;
	s10 =	sld [smem:$0x3F9D];
	_ =	sdelay $0x3  }
0x34: {  	[smem:$0x3F9D] =	sst s10  }
0x35: {  	s10 =	sld [smem:$0x3F9C];
	_ =	sdelay $0x3  }
0x36: {  	p1 =	seq.s32 s10, $0x1;
	s10 =	sld [smem:$0x3F9D];
	_ =	sdelay $0x3  }
0x37: {  	[smem:$0x3F9D] =	sst s10  }
0x38: {  	s10 =	sld [smem:$0x3F9E]  }
0x39: {  	_ = 	snop;
	(pc) =	sbr.ind lr, $3  }
0x3a: {  	_ = 	snop  }
0x3b: {  	_ = 	snop  }
0x3c: {  	p2 =	seq.s32 s10, $0x1;
	s10 =	sld [smem:$0x3F9D]  }
0x3d: {  	_ =	shalt  }
0x3e: {  	_ =	shalt  }
0x3f: {  	_ =	shalt  }
0x40: {  	_ =	shalt  }
0x41: {  	_ =	shalt  }
0x42: {  	_ =	shalt  }
0x43: {  	_ =	shalt  }
0x44: {  	_ =	shalt  }
0x45: {  	_ =	shalt  }
0x46: {  	_ =	shalt  }
0x47: {  	_ =	shalt  }
0x48: {  	_ =	shalt  }
0x49: {  	_ =	shalt  }
0x4a: {  	_ =	shalt  }
0x4b: {  	_ =	shalt  }
0x4c: {  	_ =	shalt  }
0x4d: {  	_ =	shalt  }
0x4e: {  	_ =	shalt  }
0x4f: {  	_ =	shalt  }
0x50: {  	_ =	shalt  }
0x51: {  	_ =	shalt  }
0x52: {  	_ =	shalt  }
0x53: {  	_ =	shalt  }
0x54: {  	_ =	shalt  }
0x55: {  	_ =	shalt  }
0x56: {  	_ =	shalt  }
0x57: {  	_ =	shalt  }
0x58: {  	_ =	shalt  }
0x59: {  	_ =	shalt  }
0x5a: {  	_ =	shalt  }
0x5b: {  	_ =	shalt  }
0x5c: {  	_ =	shalt  }
0x5d: {  	_ =	shalt  }
0x5e: {  	_ =	shalt  }
0x5f: {  	_ =	shalt  }
0x60: {  	_ =	shalt  }
0x61: {  	_ =	shalt  }
0x62: {  	_ =	shalt  }
0x63: {  	_ =	shalt  }
0x64: {  	_ =	shalt  }
0x65: {  	_ =	shalt  }
0x66: {  	_ =	shalt  }
0x67: {  	_ =	shalt  }
0x68: {  	_ =	shalt  }
0x69: {  	_ =	shalt  }
0x6a: {  	_ =	shalt  }
0x6b: {  	_ =	shalt  }
0x6c: {  	_ =	shalt  }
0x6d: {  	_ =	shalt  }
0x6e: {  	_ =	shalt  }
0x6f: {  	_ =	shalt  }
0x70: {  	_ =	shalt  }
0x71: {  	_ =	shalt  }
0x72: {  	_ =	shalt  }
0x73: {  	_ =	shalt  }
0x74: {  	_ =	shalt  }
0x75: {  	_ =	shalt  }
0x76: {  	_ =	shalt  }
0x77: {  	_ =	shalt  }
0x78: {  	_ =	shalt  }
0x79: {  	_ =	shalt  }
0x7a: {  	_ =	shalt  }
0x7b: {  	_ =	shalt  }
0x7c: {  	_ =	shalt  }
0x7d: {  	_ =	shalt  }
0x7e: {  	_ =	shalt  }
0x7f: {  	_ =	shalt  }
0x80: {  	_ =	shalt  }
0x81: {  	_ =	shalt  }
0x82: {  	_ =	shalt  }
0x83: {  	_ =	shalt  }
0x84: {  	_ =	shalt  }
0x85: {  	_ =	shalt  }
0x86: {  	_ =	shalt  }
0x87: {  	_ =	shalt  }
.Lfunc_end0:
.L_simem_size_0:
called_computation.1_lowered:
.L_overlay_start_0:
0x88: {  	s2 =	sld [smem:$0x3FD9]  }
0x89: {  	s3 =	sld [smem:$0x3FFE];
	_ =	sdelay $0x1  }
0x8a: {  	s1 =	srdreg.scid  }
0x8b: {  	s0 =	sand.u32 $0x1, s1  }
0x8c: {  	s14 =	sshll.u32 s0, $0xA;
	s2 =	sadd.s32 s3, s2  }
0x8d: {  	s2 =	sadd.s32 s2, s14  }
0x8e: {  	[smem:$0x3FA9] =	sst s2  }
0x8f: {  	_ = 	snop  }
0x90: {  	s2 =	sld [smem:$0x3FD0];
	_ =	sdelay $0x2  }
0x91: {  	s15 =	simm.s32 $0xA;
	s4 =	simm.s32 $0x10  }
0x92: {  	[smem:s4], [sflag:s15] =	dma.local [hbm:s2], $0x1  }
0x93: {  	_ =	swait.eq [sflag:s15], $0x1  }
0x94: {  	s16 =	sld [smem:$0x10];
	[sflag:s15] =	ssyncset.done $0x0  }
0x95: {  	s17 =	sld [smem:$0x11];
	[sflag:s15] =	ssyncadd.s32 $0xFFFFFFFF  }
0x96: {  	s18 =	sld [smem:$0x12];
	(tm) =	ssettm $0x1  }
0x97: {  	s5 =	sld [smem:$0x3FFB];
	_ =	sdelay $0x3  }
0x98: {  	_ =	strace s5  }
0x99: {  	s5 =	sld [smem:$0x3FFC];
	_ =	sdelay $0x3  }
0x9a: {  	_ =	strace s5  }
0x9b: {  	s5 =	sld [smem:$0x3FFD];
	_ =	sdelay $0x3  }
0x9c: {  	_ =	strace s5  }
0x9d: {  	_ =	strace $0x8FFFFFFF  }
0x9e: {  	s19 =	sld [smem:$0x3FDB];
	_ =	sdelay $0x1  }
0x9f: {  	s6 =	simm.s32 $_scs_section_size  }
0xa0: {  	s7 =	simm.s32 $_size__tile_overlayer_lowered;
	s8 =	simm.s32 $_tile_overlayer_lowered  }
0xa1: {  	s22 =	simm.s32 $0x1BFF;
	s21 =	sshll.u32 s8, $0x1;
	s5 =	sadd.s32 s6, s19  }
0xa2: {  	s9 =	simm.s32 $0x0;
	s20 =	sshll.u32 s7, $0x1;
	s7 =	sadd.s32 s21, s5  }
0xa3: {  	[timem:s9], [sflag:s22] =	dma.local [hbm:s7], s20  }
0xa4: {  	_ =	swait.ge [sflag:s22], s20  }
0xa5: {  	s6 =	ssub.s32 $0x0, s20;
	[sflag:s22] =	ssyncset.done $0x0  }
0xa6: {  	[sflag:s22] =	ssyncadd.s32 s6;
	_ =	sdelay $0x1  }
0xa7: {  	s23 =	simm.s32 $0x1B8B  }
0xa8: {  	_ =	swait.ge [sflag:s23], $0x1  }
0xa9: {  	[sflag:s23] =	ssyncset.done $0x0  }
0xaa: {  	s25 =	simm.s32 $0x1B8E;
	s24 =	sld [smem:$0x3FFE];
	[sflag:s23] =	ssyncadd.s32 $0xFFFFFFFF  }
0xab: {  	s26 =	simm.s32 $execute0_lowered;
	[smem:$0x3FD2] =	sst s25  }
0xac: {  	s7 =	sshll.u32 s26, $0x1;
	_ =	strace $0x80000049;
	[dreg:$0x1] =	wrdreg $0xFFFFFFFF  }
0xad: {  	s28 =	simm.s32 $_size_execute0_lowered;
	s5 =	sadd.s32 s5, s7;
	[dreg:$0x0] =	wrdreg $0x0  }
0xae: {  	s7 =	sshll.u32 s28, $0x1;
	[dreg:$0x2] =	wrdreg s5  }
0xaf: {  	[dreg:$0x3] =	wrdreg s7  }
0xb0: {  	[dreg:$0x4] =	wrdreg $0xC0  }
0xb1: {  	_ =	task [dreg:s9], $0x5FFFF  }
0xb2: {  	[dreg:$0x1] =	wrdreg $0xFFFFFFFF  }
0xb3: {  	[dreg:$0x0] =	wrdreg $0x60  }
0xb4: {  	[dreg:$0x2] =	wrdreg s17  }
0xb5: {  	[dreg:$0x3] =	wrdreg s18  }
0xb6: {  	[dreg:$0x4] =	wrdreg s24  }
0xb7: {  	[dreg:$0x5] =	wrdreg s16  }
0xb8: {  	[dreg:$0x6] =	wrdreg $0x9  }
0xb9: {  	_ =	task.clear_ibuf [dreg:s9], $0x7FFFF;
	_ =	strace $0x90000049  }
0xba: {  	s29 =	simm.s32 $0x9;
	_ =	strace $0x8000004B  }
0xbb: {  	_ =	swait.ge [sflag:s29], $0x1  }
0xbc: {  	[sflag:s29] =	ssyncadd.s32 $0xFFFFFFFF  }
0xbd: {  	_ =	strace $0x9000004B  }
0xbe: {  	_ =	sfence  }
0xbf: {  	s30 =	sld [smem:$0x0];
	_ =	sdelay $0x2  }
0xc0: {  	s31 =	sshll.u32 s1, $0xD;
	s1 =	sshrl.u32 s1, $0x2  }
0xc1: {  	s3 =	sand.u32 $0x4000, s31;
	s1 =	sadd.s32 s1, s30  }
0xc2: {  	s0 =	sor.u32 s3, s0;
	s1 =	sshll.u32 s1, $0x11  }
0xc3: {  	s0 =	sor.u32 s1, s0  }
0xc4: {  	s0 =	sadd.s32 $0x8F2B, s0  }
0xc5: {  	[sflag:s0] =	ssyncadd.remote.s32 $0x1  }
0xc6: {  	_ =	sfence.sel $0xFFFF  }
0xc7: {  	[dreg:$0x0] =	wrdreg $0xFFFFFFFF;
	(pc) =	sbr.abs _section_cstart, $3  }
0xc8: {  	[dreg:$0x1] =	wrdreg $0xFFFFFFFF  }
0xc9: {  	_ =	task.clear_ibuf [dreg:s9], $0x2FFFF;
	_ =	strace $0x9FFFFFFF  }
0xca: {  	(tm) =	ssettm $0x7FFFFFFF  }
0xcb: {  	_ =	shalt  }
tec
execute0_lowered:
.L_overlay_start_1:
0x0: {  	(tag) =	ssettag $0x1  }
0x1: {  	s1 =	rddreg [dreg:$0x0]  }
0x2: {  	s4 =	rddreg [dreg:$0x1]  }
0x3: {  	s5 =	rddreg [dreg:$0x2]  }
0x4: {  	s6 =	rddreg [dreg:$0x3];
	s3 =	srdreg.scid  }
0x5: {  	s0 =	rddreg [dreg:$0x4];
	s2 =	stileid.u32  }
0x6: {  	s13 =	simm.s32 $0x880;
	s14 =	simm.s32 $0x1080;
	s15 =	simm.s32 $0x1880  }
0x7: {  	s16 =	simm.s32 $0x1;
	s7 =	sand.u32 $0x1, s3;
	s3 =	simm.s32 $0x0  }
0x8: {  	s8 =	sshll.u32 s2, $0x6;
	s9 =	sshll.u32 s7, $0x5;
	[smem:$0x7FF] =	sst s3  }
0x9: {  	s7 =	ssub.s32 $0x2, s7;
	s8 =	sor.u32 s9, s8;
	_ =	strace $0x8000004A  }
0xa: {  	s11 =	sshrl.u32 s7, $0x1;
	s9 =	sshrl.u32 s8, $0x3;
	s8 =	sshll.u32 s8, $0x5  }
0xb: {  	s11 =	ssub.s32 s7, s11;
	s10 =	sadd.s32 s9, s5;
	s12 =	sadd.s32 s8, s5  }
0xc: {  	v2 =	vlaneseq.u32;
	s4 =	sadd.s32 s4, s9;
	s5 =	sadd.s32 s6, s8;
	s6 =	sadd.s32 $0x3C00, s10  }
0xd: {  	vm0 =	vmmov $0xffff;
	v1 =	vshrl.u32 v2, $0x3;
	s7 =	sadd.s32 $0x4000, s12;
	s8 =	sadd.s32 $0x3E00, s10;
	s9 =	sadd.s32 $0xC000, s12  }
0xe: {  	v0 =	vand.u32 $0x7, v2;
	v2 =	vor.u32 $0x8, v2;
	v1 =	vmul.u32 $0x8, v1;
	s10 =	smax.u32 s11, $0x1;
	s11 =	simm.s32 $0x2;
	s12 =	simm.s32 $0x80  }
.LBB2_1:
0xf: {  	[tilespmem:s3], [sflag:$0x2] =	stream.linear.gather [hbm4b:s4+s3], $0x20, $0x38;
	[tilespmem:$0x2080] =	vst v63  }
0x10: {  	_ =	swait.ge [sflag:s11], $0x20  }
0x11: {  	[sflag:s11] =	ssyncset.done $0x0  }
0x12: {  	[sflag:s11] =	ssyncadd.s32 $0xFFFFFFE0  }
0x13: {  	v3 =	vld [tilespmem:$0x0];
	_ =	sdelay $0x4  }
0x14: {  	v4 =	vshll.u32 v3, $0x1  }
0x15: {  	v3 =	vand.u32 $0x7, v3;
	v4 =	vand.u32 $0xFFFFFFF0, v4  }
0x16: {  	v3 =	vor.u32 v3, v4  }
0x17: {  	v4 =	vperm.xlane v3, v0;
	_ =	sdelay $0x1  }
0x18: {  	v3 =	vperm.xlane v3, v2;
	v4 =	vadd.s32 v1, v4;
	_ =	sdelay $0x1  }
0x19: {  	v3 =	vadd.s32 v1, v3;
	_ =	sdelay $0x2  }
0x1a: {  	[tilespmem:s12], [sflag:$0x1] =	stream.indirect_vreg.gather [hbm4b:s1+s3], $0x80, v4, vm0, $0xb8;
	[tilespmem:$0x2080] =	vst v63  }
0x1b: {  	_ = 	snop  }
0x1c: {  	[tilespmem:s13], [sflag:$0x1] =	stream.indirect_vreg.gather [hbm4b:s1+s3], $0x80, v3, vm0, $0xb8;
	[tilespmem:$0x2080] =	vst v63  }
0x1d: {  	v3 =	vld [tilespmem:$0x10];
	_ =	sdelay $0x4  }
0x1e: {  	v59 =	vshll.u32 v3, $0x1  }
0x1f: {  	v3 =	vand.u32 $0x7, v3;
	v4 =	vand.u32 $0xFFFFFFF0, v59  }
0x20: {  	v3 =	vor.u32 v3, v4  }
0x21: {  	v4 =	vperm.xlane v3, v0;
	_ =	sdelay $0x1  }
0x22: {  	v3 =	vperm.xlane v3, v2;
	v4 =	vadd.s32 v1, v4;
	_ =	sdelay $0x1  }
0x23: {  	v3 =	vadd.s32 v1, v3;
	_ =	sdelay $0x2  }
0x24: {  	[tilespmem:s14], [sflag:$0x1] =	stream.indirect_vreg.gather [hbm4b:s1+s3], $0x80, v4, vm0, $0xb8;
	[tilespmem:$0x2080] =	vst v63  }
0x25: {  	_ = 	snop  }
0x26: {  	[tilespmem:s15], [sflag:$0x1] =	stream.indirect_vreg.gather [hbm4b:s1+s3], $0x80, v3, vm0, $0xb8;
	[tilespmem:$0x2080] =	vst v63  }
0x27: {  	_ =	swait.ge [sflag:s16], $0x2000  }
0x28: {  	[sflag:s16] =	ssyncset.done $0x0  }
0x29: {  	[sflag:s16] =	ssyncadd.s32 $0xFFFFE000  }
0x2a: {  	[hbm4b:s5+s3] =	stream.linear.scatter [tilespmem:s12], [sflag:$0x2], $0x2000, $0x38;
	[tilespmem:$0x2080] =	vst v63  }
0x2b: {  	_ =	swait.ge [sflag:s11], $0x2000  }
0x2c: {  	[sflag:s11] =	ssyncset.done $0x0  }
0x2d: {  	[sflag:s11] =	ssyncadd.s32 $0xFFFFE000  }
0x2e: {  	[tilespmem:s3], [sflag:$0x2] =	stream.linear.gather [hbm4b:s6+s3], $0x20, $0x38;
	[tilespmem:$0x2080] =	vst v63  }
0x2f: {  	_ =	swait.ge [sflag:s11], $0x20  }
0x30: {  	[sflag:s11] =	ssyncset.done $0x0  }
0x31: {  	[sflag:s11] =	ssyncadd.s32 $0xFFFFFFE0  }
0x32: {  	v3 =	vld [tilespmem:$0x0];
	_ =	sdelay $0x4  }
0x33: {  	v60 =	vshll.u32 v3, $0x1  }
0x34: {  	v3 =	vand.u32 $0x7, v3;
	v4 =	vand.u32 $0xFFFFFFF0, v60  }
0x35: {  	v3 =	vor.u32 v3, v4  }
0x36: {  	v4 =	vperm.xlane v3, v0;
	_ =	sdelay $0x1  }
0x37: {  	v3 =	vperm.xlane v3, v2;
	v4 =	vadd.s32 v1, v4;
	_ =	sdelay $0x1  }
0x38: {  	v3 =	vadd.s32 v1, v3;
	_ =	sdelay $0x2  }
0x39: {  	[tilespmem:s12], [sflag:$0x1] =	stream.indirect_vreg.gather [hbm4b:s1+s3], $0x80, v4, vm0, $0xb8;
	[tilespmem:$0x2080] =	vst v63  }
0x3a: {  	_ = 	snop  }
0x3b: {  	[tilespmem:s13], [sflag:$0x1] =	stream.indirect_vreg.gather [hbm4b:s1+s3], $0x80, v3, vm0, $0xb8;
	[tilespmem:$0x2080] =	vst v63  }
0x3c: {  	v3 =	vld [tilespmem:$0x10];
	_ =	sdelay $0x4  }
0x3d: {  	v61 =	vshll.u32 v3, $0x1  }
0x3e: {  	v3 =	vand.u32 $0x7, v3;
	v4 =	vand.u32 $0xFFFFFFF0, v61  }
0x3f: {  	v3 =	vor.u32 v3, v4  }
0x40: {  	v4 =	vperm.xlane v3, v0;
	_ =	sdelay $0x1  }
0x41: {  	v3 =	vperm.xlane v3, v2;
	v4 =	vadd.s32 v1, v4;
	_ =	sdelay $0x1  }
0x42: {  	v3 =	vadd.s32 v1, v3;
	_ =	sdelay $0x2  }
0x43: {  	[tilespmem:s14], [sflag:$0x1] =	stream.indirect_vreg.gather [hbm4b:s1+s3], $0x80, v4, vm0, $0xb8;
	[tilespmem:$0x2080] =	vst v63  }
0x44: {  	_ = 	snop  }
0x45: {  	[tilespmem:s15], [sflag:$0x1] =	stream.indirect_vreg.gather [hbm4b:s1+s3], $0x80, v3, vm0, $0xb8;
	[tilespmem:$0x2080] =	vst v63  }
0x46: {  	_ =	swait.ge [sflag:s16], $0x2000  }
0x47: {  	[sflag:s16] =	ssyncset.done $0x0  }
0x48: {  	[sflag:s16] =	ssyncadd.s32 $0xFFFFE000  }
0x49: {  	[hbm4b:s7+s3] =	stream.linear.scatter [tilespmem:s12], [sflag:$0x2], $0x2000, $0x38;
	[tilespmem:$0x2080] =	vst v63  }
0x4a: {  	_ =	swait.ge [sflag:s11], $0x2000  }
0x4b: {  	[sflag:s11] =	ssyncset.done $0x0  }
0x4c: {  	[sflag:s11] =	ssyncadd.s32 $0xFFFFE000  }
0x4d: {  	[tilespmem:s3], [sflag:$0x2] =	stream.linear.gather [hbm4b:s8+s3], $0x20, $0x38;
	[tilespmem:$0x2080] =	vst v63  }
0x4e: {  	_ =	swait.ge [sflag:s11], $0x20  }
0x4f: {  	[sflag:s11] =	ssyncset.done $0x0  }
0x50: {  	[sflag:s11] =	ssyncadd.s32 $0xFFFFFFE0  }
0x51: {  	v3 =	vld [tilespmem:$0x0];
	_ =	sdelay $0x4  }
0x52: {  	v62 =	vshll.u32 v3, $0x1  }
0x53: {  	v3 =	vand.u32 $0x7, v3;
	v4 =	vand.u32 $0xFFFFFFF0, v62  }
0x54: {  	v3 =	vor.u32 v3, v4  }
0x55: {  	v4 =	vperm.xlane v3, v0;
	_ =	sdelay $0x1  }
0x56: {  	v3 =	vperm.xlane v3, v2;
	v4 =	vadd.s32 v1, v4;
	_ =	sdelay $0x1  }
0x57: {  	v3 =	vadd.s32 v1, v3;
	_ =	sdelay $0x2  }
0x58: {  	[tilespmem:s12], [sflag:$0x1] =	stream.indirect_vreg.gather [hbm4b:s1+s3], $0x80, v4, vm0, $0xb8;
	[tilespmem:$0x2080] =	vst v63  }
0x59: {  	_ = 	snop  }
0x5a: {  	[tilespmem:s13], [sflag:$0x1] =	stream.indirect_vreg.gather [hbm4b:s1+s3], $0x80, v3, vm0, $0xb8;
	[tilespmem:$0x2080] =	vst v63  }
0x5b: {  	v3 =	vld [tilespmem:$0x10];
	_ =	sdelay $0x4  }
0x5c: {  	v63 =	vshll.u32 v3, $0x1  }
0x5d: {  	v3 =	vand.u32 $0x7, v3;
	v4 =	vand.u32 $0xFFFFFFF0, v63  }
0x5e: {  	v3 =	vor.u32 v3, v4  }
0x5f: {  	v4 =	vperm.xlane v3, v0;
	_ =	sdelay $0x1  }
0x60: {  	v3 =	vperm.xlane v3, v2;
	v4 =	vadd.s32 v1, v4;
	_ =	sdelay $0x1  }
0x61: {  	v3 =	vadd.s32 v1, v3;
	_ =	sdelay $0x2  }
0x62: {  	[tilespmem:s14], [sflag:$0x1] =	stream.indirect_vreg.gather [hbm4b:s1+s3], $0x80, v4, vm0, $0xb8;
	[tilespmem:$0x2080] =	vst v63  }
0x63: {  	_ = 	snop  }
0x64: {  	[tilespmem:s15], [sflag:$0x1] =	stream.indirect_vreg.gather [hbm4b:s1+s3], $0x80, v3, vm0, $0xb8;
	[tilespmem:$0x2080] =	vst v63  }
0x65: {  	_ =	swait.ge [sflag:s16], $0x2000  }
0x66: {  	p0 =	sne.s32 s10, $0x1;
	[sflag:s16] =	ssyncset.done $0x0  }
.Ltmp0:
0x67: {  	[sflag:s16] =	ssyncadd.s32 $0xFFFFE000;
	(pc) =	sbr.rel @p0 .LBB2_1-.Ltmp0, $4  }
0x68: {  	[hbm4b:s9+s3] =	stream.linear.scatter [tilespmem:s12], [sflag:$0x2], $0x2000, $0x38;
	[tilespmem:$0x2080] =	vst v63  }
0x69: {  	_ =	swait.ge [sflag:s11], $0x2000  }
0x6a: {  	[sflag:s11] =	ssyncset.done $0x0  }
0x6b: {  	s10 =	sadd.s32 $0xFFFFFFFF, s10;
	[sflag:s11] =	ssyncadd.s32 $0xFFFFE000  }
0x6c: {  	_ =	sfence.sel $0x180000  }
0x6d: {  	[bflag:$0x0] =	sbarrier.arrive $0xFFFF  }
0x6e: {  	p0 =	sne.s32 s2, $0x0;
	_ =	strace $0x9000004A  }
0x6f: {  	s0 =	sadd.s32 @!p0 $0x100000, s0;
	[bflag:$0x2] =	sbarrier.arrive $0xFFFF  }
0x70: {  	[sflag:s0] =	ssyncadd.tile.s32 @!p0 $0x1;
	_ =	shalt  }
.Lfunc_end2:
_tile_overlayer_lowered:
.L_overlay_start_2:
0x71: {  	(tag) =	ssettag $0x2  }
0x72: {  	s0 =	rddreg [dreg:$0x0];
	s2 =	stileid.u32  }
0x73: {  	s1 =	rddreg [dreg:$0x1];
	p0 =	sne.s32 s2, $0x0  }
0x74: {  	s3 =	rddreg [dreg:$0x2];
	[bflag:$0x3] =	sbarrier.arrive $0xFFFF;
	s2 =	simm.s32 @!p0 $0x1C02  }
0x75: {  	[timem:s3], [sflag:s2] =	dma.local @!p0 [hbm:s0], s1  }
0x76: {  	s0 =	simm.s32 @!p0 $0x2  }
0x77: {  	_ =	swait.ge @!p0 [sflag:s0], s1  }
0x78: {  	s1 =	ssub.s32 @!p0 $0x0, s1;
	[sflag:s0] =	ssyncset.done @!p0 $0x0  }
0x79: {  	[sflag:s0] =	ssyncadd.s32 @!p0 s1  }
0x7a: {  	[bflag:$0x3] =	sbarrier.arrive $0xFFFF  }
0x7b: {  	_ =	shalt  }

// kernel: kernel.20.cloned.1.call-start
scs
__scs_entry_jumppad:
0x0: {  	(pc) =	sbr.rel $0x88, $3  }
0x1: {  	(tag) =	ssettag $0x0;
	lr =	simm.s32 $0x1  }
0x2: {  	[smem:$0x3F82] =	sst lr;
	_ =	strace $0xD0000000  }
0x3: {  	_ = 	snop  }
0x4: {  	_ = 	snop  }
0x5: {  	_ = 	snop  }
0x6: {  	_ = 	snop  }
0x7: {  	_ = 	snop  }
__scs_overlays_trampoline_lowered:
0x8: {  	[smem:$0x3F91] =	sst s0  }
0x9: {  	[smem:$0x3F92] =	sst s1  }
0xa: {  	[smem:$0x3F93] =	sst s2  }
0xb: {  	[smem:$0x3F94] =	sst s3  }
0xc: {  	[smem:$0x3F95] =	sst s4  }
0xd: {  	[smem:$0x3F96] =	sst s5  }
0xe: {  	[smem:$0x3F97] =	sst s6  }
0xf: {  	[smem:$0x3F98] =	sst s7  }
0x10: {  	[smem:$0x3F99] =	sst s8  }
0x11: {  	[smem:$0x3F9A] =	sst s9;
	s0 =	simm.s32 @!p0 $0x0  }
0x12: {  	s1 =	sld [smem:$0x3F80];
	s0 =	simm.s32 @p0 $0x1  }
0x13: {  	[smem:$0x3F9B] =	sst s0;
	s0 =	simm.s32 @!p1 $0x0  }
0x14: {  	s2 =	sld [smem:$0x3F7F];
	s0 =	simm.s32 @p1 $0x1  }
0x15: {  	[smem:$0x3F9C] =	sst s0;
	s0 =	simm.s32 @!p2 $0x0  }
0x16: {  	s3 =	sld [smem:$0x3FDB];
	s0 =	simm.s32 @p2 $0x1  }
0x17: {  	s4 =	simm.s32 $0x1BF5;
	[smem:$0x3F9E] =	sst s0  }
0x18: {  	s0 =	sld [smem:$0x3F81];
	_ =	swait.ge [sflag:s4], $0x0  }
0x19: {  	s7 =	sld [smem:$0x3F82]  }
0x1a: {  	s8 =	sadd.s32 $0xFFFFE003, lr  }
0x1b: {  	s9 =	sadd.s32 $0xFFFFFEF7, lr;
	s5 =	simm.s32 $0xFFFFFFFF;
	p2 =	slt.u32 s8, $0xFFFFF086  }
0x1c: {  	p1 =	slt.u32 s9, $0xF7A;
	s5 =	simm.s32 @!p2 $0x0  }
0x1d: {  	s5 =	simm.s32 @p1 $0x1;
	p0 =	seq.s32 s7, s2  }
0x1e: {  	s7 =	smul.u32 @!p0 $0xF7A, s2;
	p2 =	seq.s32 @!p0 s5, $0x0  }
0x1f: {  	s9 =	smul.u32 $0xF7A, s1;
	s8 =	simm.s32 @!p0 $0x1BF5;
	p2 =	por !p2, p0  }
0x20: {  	[sflag:s8] =	ssyncset.s32 @!p0 $0xFFFFF086;
	s6 =	sadd.s32 @!p0 s3, s7;
	s7 =	simm.s32 @!p0 $0x108  }
0x21: {  	s3 =	sadd.s32 s3, s9;
	s6 =	sadd.s32 @!p0 $0x88, s6;
	s7 =	simm.s32 @p2 $0x1082  }
0x22: {  	[simem:s7], [sflag:s8] =	dma.local @!p0 [hbm:s6], $0xF7A  }
0x23: {  	s9 =	sor.u32 $0xD0000000, s2;
	s6 =	simm.s32 $0x108;
	_ =	swait.ge @!p0 [sflag:s8], $0x0  }
0x24: {  	s3 =	sadd.s32 $0x88, s3;
	s6 =	simm.s32 @!p1 $0x1082;
	[sflag:s4] =	ssyncset.s32 $0xFFFFF086  }
0x25: {  	[simem:s6], [sflag:s4] =	dma.local [hbm:s3], $0xF7A  }
0x26: {  	[smem:$0x3F82] =	sst s1;
	(tag) =	ssettag s2;
	_ =	strace s9  }
0x27: {  	s1 =	sld [smem:$0x3F92]  }
0x28: {  	s2 =	sld [smem:$0x3F93]  }
0x29: {  	s4 =	sld [smem:$0x3F95]  }
0x2a: {  	p0 =	seq.s32 s5, $0x0;
	s5 =	sld [smem:$0x3F96]  }
0x2b: {  	s6 =	sld [smem:$0x3F97]  }
0x2c: {  	s7 =	sld [smem:$0x3F98]  }
0x2d: {  	s3 =	simm.s32 $0x108;
	s8 =	sld [smem:$0x3F99]  }
0x2e: {  	s3 =	simm.s32 @!p0 $0x1082;
	s9 =	sld [smem:$0x3F9A]  }
0x2f: {  	lr =	sadd.s32 s0, s3;
	s0 =	sld [smem:$0x3F91]  }
0x30: {  	s3 =	sld [smem:$0x3F94]  }
0x31: {  	[smem:$0x3F9D] =	sst s10  }
0x32: {  	s10 =	sld [smem:$0x3F9B];
	_ =	sdelay $0x3  }
0x33: {  	p0 =	seq.s32 s10, $0x1;
	s10 =	sld [smem:$0x3F9D];
	_ =	sdelay $0x3  }
0x34: {  	[smem:$0x3F9D] =	sst s10  }
0x35: {  	s10 =	sld [smem:$0x3F9C];
	_ =	sdelay $0x3  }
0x36: {  	p1 =	seq.s32 s10, $0x1;
	s10 =	sld [smem:$0x3F9D];
	_ =	sdelay $0x3  }
0x37: {  	[smem:$0x3F9D] =	sst s10  }
0x38: {  	s10 =	sld [smem:$0x3F9E]  }
0x39: {  	_ = 	snop;
	(pc) =	sbr.ind lr, $3  }
0x3a: {  	_ = 	snop  }
0x3b: {  	_ = 	snop  }
0x3c: {  	p2 =	seq.s32 s10, $0x1;
	s10 =	sld [smem:$0x3F9D]  }
0x3d: {  	_ =	shalt  }
0x3e: {  	_ =	shalt  }
0x3f: {  	_ =	shalt  }
0x40: {  	_ =	shalt  }
0x41: {  	_ =	shalt  }
0x42: {  	_ =	shalt  }
0x43: {  	_ =	shalt  }
0x44: {  	_ =	shalt  }
0x45: {  	_ =	shalt  }
0x46: {  	_ =	shalt  }
0x47: {  	_ =	shalt  }
0x48: {  	_ =	shalt  }
0x49: {  	_ =	shalt  }
0x4a: {  	_ =	shalt  }
0x4b: {  	_ =	shalt  }
0x4c: {  	_ =	shalt  }
0x4d: {  	_ =	shalt  }
0x4e: {  	_ =	shalt  }
0x4f: {  	_ =	shalt  }
0x50: {  	_ =	shalt  }
0x51: {  	_ =	shalt  }
0x52: {  	_ =	shalt  }
0x53: {  	_ =	shalt  }
0x54: {  	_ =	shalt  }
0x55: {  	_ =	shalt  }
0x56: {  	_ =	shalt  }
0x57: {  	_ =	shalt  }
0x58: {  	_ =	shalt  }
0x59: {  	_ =	shalt  }
0x5a: {  	_ =	shalt  }
0x5b: {  	_ =	shalt  }
0x5c: {  	_ =	shalt  }
0x5d: {  	_ =	shalt  }
0x5e: {  	_ =	shalt  }
0x5f: {  	_ =	shalt  }
0x60: {  	_ =	shalt  }
0x61: {  	_ =	shalt  }
0x62: {  	_ =	shalt  }
0x63: {  	_ =	shalt  }
0x64: {  	_ =	shalt  }
0x65: {  	_ =	shalt  }
0x66: {  	_ =	shalt  }
0x67: {  	_ =	shalt  }
0x68: {  	_ =	shalt  }
0x69: {  	_ =	shalt  }
0x6a: {  	_ =	shalt  }
0x6b: {  	_ =	shalt  }
0x6c: {  	_ =	shalt  }
0x6d: {  	_ =	shalt  }
0x6e: {  	_ =	shalt  }
0x6f: {  	_ =	shalt  }
0x70: {  	_ =	shalt  }
0x71: {  	_ =	shalt  }
0x72: {  	_ =	shalt  }
0x73: {  	_ =	shalt  }
0x74: {  	_ =	shalt  }
0x75: {  	_ =	shalt  }
0x76: {  	_ =	shalt  }
0x77: {  	_ =	shalt  }
0x78: {  	_ =	shalt  }
0x79: {  	_ =	shalt  }
0x7a: {  	_ =	shalt  }
0x7b: {  	_ =	shalt  }
0x7c: {  	_ =	shalt  }
0x7d: {  	_ =	shalt  }
0x7e: {  	_ =	shalt  }
0x7f: {  	_ =	shalt  }
0x80: {  	_ =	shalt  }
0x81: {  	_ =	shalt  }
0x82: {  	_ =	shalt  }
0x83: {  	_ =	shalt  }
0x84: {  	_ =	shalt  }
0x85: {  	_ =	shalt  }
0x86: {  	_ =	shalt  }
0x87: {  	_ =	shalt  }
.Lfunc_end0:
.L_simem_size_0:
called_computation.2_lowered:
.L_overlay_start_0:
0x88: {  	s2 =	sld [smem:$0x3FD9]  }
0x89: {  	s3 =	sld [smem:$0x3FFE];
	_ =	sdelay $0x1  }
0x8a: {  	s1 =	srdreg.scid  }
0x8b: {  	s0 =	sand.u32 $0x1, s1  }
0x8c: {  	s16 =	sshll.u32 s0, $0xA;
	s2 =	sadd.s32 s3, s2  }
0x8d: {  	s2 =	sadd.s32 s2, s16  }
0x8e: {  	[smem:$0x3FA9] =	sst s2  }
0x8f: {  	_ = 	snop  }
0x90: {  	(tm) =	ssettm $0x1  }
0x91: {  	s17 =	sld [smem:$0x3FFB];
	_ =	sdelay $0x3  }
0x92: {  	_ =	strace s17  }
0x93: {  	s2 =	sld [smem:$0x3FFC];
	_ =	sdelay $0x3  }
0x94: {  	_ =	strace s2  }
0x95: {  	s2 =	sld [smem:$0x3FFD];
	_ =	sdelay $0x3  }
0x96: {  	_ =	strace s2  }
0x97: {  	_ =	strace $0x8FFFFFFF  }
0x98: {  	s18 =	sld [smem:$0x3FDB];
	_ =	sdelay $0x1  }
0x99: {  	s19 =	simm.s32 $_scs_section_size  }
0x9a: {  	s4 =	simm.s32 $_size__tile_overlayer_lowered;
	s5 =	simm.s32 $_tile_overlayer_lowered  }
0x9b: {  	s22 =	simm.s32 $0x1BFF;
	s21 =	sshll.u32 s5, $0x1;
	s2 =	sadd.s32 s19, s18  }
0x9c: {  	s6 =	simm.s32 $0x0;
	s20 =	sshll.u32 s4, $0x1;
	s4 =	sadd.s32 s21, s2  }
0x9d: {  	[timem:s6], [sflag:s22] =	dma.local [hbm:s4], s20  }
0x9e: {  	_ =	swait.ge [sflag:s22], s20  }
0x9f: {  	s3 =	ssub.s32 $0x0, s20;
	[sflag:s22] =	ssyncset.done $0x0  }
0xa0: {  	[sflag:s22] =	ssyncadd.s32 s3;
	_ =	sdelay $0x1  }
0xa1: {  	s23 =	simm.s32 $0x1B8B  }
0xa2: {  	_ =	swait.ge [sflag:s23], $0x1  }
0xa3: {  	[sflag:s23] =	ssyncset.done $0x0  }
0xa4: {  	s25 =	simm.s32 $0x1B8E;
	s24 =	sld [smem:$0x3FFE];
	[sflag:s23] =	ssyncadd.s32 $0xFFFFFFFF  }
0xa5: {  	s26 =	simm.s32 $execute0_lowered;
	[smem:$0x3FD2] =	sst s25  }
0xa6: {  	s4 =	sshll.u32 s26, $0x1;
	_ =	strace $0x8000004C;
	[dreg:$0x1] =	wrdreg $0xFFFFFFFF  }
0xa7: {  	s28 =	simm.s32 $_size_execute0_lowered;
	s2 =	sadd.s32 s2, s4;
	[dreg:$0x0] =	wrdreg $0x0  }
0xa8: {  	s4 =	sshll.u32 s28, $0x1;
	[dreg:$0x2] =	wrdreg s2  }
0xa9: {  	[dreg:$0x3] =	wrdreg s4  }
0xaa: {  	[dreg:$0x4] =	wrdreg $0xC0  }
0xab: {  	_ =	task [dreg:s6], $0x5FFFF  }
0xac: {  	[dreg:$0x1] =	wrdreg $0xFFFFFFFF  }
0xad: {  	[dreg:$0x0] =	wrdreg $0x60  }
0xae: {  	[dreg:$0x2] =	wrdreg s24  }
0xaf: {  	[dreg:$0x3] =	wrdreg $0x9  }
0xb0: {  	_ =	task.clear_ibuf [dreg:s6], $0x4FFFF;
	_ =	strace $0x9000004C  }
0xb1: {  	s29 =	simm.s32 $0x9;
	_ =	strace $0x8000004E  }
0xb2: {  	_ =	swait.ge [sflag:s29], $0x1  }
0xb3: {  	[sflag:s29] =	ssyncadd.s32 $0xFFFFFFFF  }
0xb4: {  	_ =	strace $0x9000004E  }
0xb5: {  	_ =	sfence  }
0xb6: {  	s30 =	sld [smem:$0x0];
	_ =	sdelay $0x2  }
0xb7: {  	s31 =	sshll.u32 s1, $0xD;
	s1 =	sshrl.u32 s1, $0x2  }
0xb8: {  	s3 =	sand.u32 $0x4000, s31;
	s1 =	sadd.s32 s1, s30  }
0xb9: {  	s0 =	sor.u32 s3, s0;
	s1 =	sshll.u32 s1, $0x11  }
0xba: {  	s0 =	sor.u32 s1, s0  }
0xbb: {  	s0 =	sadd.s32 $0x8F2B, s0  }
0xbc: {  	[sflag:s0] =	ssyncadd.remote.s32 $0x1  }
0xbd: {  	_ =	sfence.sel $0xFFFF  }
0xbe: {  	[dreg:$0x0] =	wrdreg $0xFFFFFFFF;
	(pc) =	sbr.abs _section_cstart, $3  }
0xbf: {  	[dreg:$0x1] =	wrdreg $0xFFFFFFFF  }
0xc0: {  	_ =	task.clear_ibuf [dreg:s6], $0x2FFFF;
	_ =	strace $0x9FFFFFFF  }
0xc1: {  	(tm) =	ssettm $0x7FFFFFFF  }
tec
execute0_lowered:
.L_overlay_start_1:
0x0: {  	(tag) =	ssettag $0x1  }
0x1: {  	s4 =	rddreg [dreg:$0x0]  }
0x2: {  	s0 =	rddreg [dreg:$0x1]  }
0x3: {  	s3 =	srdreg.scid;
	s2 =	simm.s32 $0x0;
	s1 =	stileid.u32  }
0x4: {  	s11 =	simm.s32 $0x2;
	s12 =	simm.s32 $0x80;
	s13 =	simm.s32 $0x880  }
0x5: {  	s14 =	simm.s32 $0x1080;
	s15 =	simm.s32 $0x1880;
	s16 =	simm.s32 $0x2080  }
0x6: {  	s17 =	simm.s32 $0x2880;
	s18 =	simm.s32 $0x3080;
	s19 =	simm.s32 $0x3880  }
0x7: {  	s20 =	simm.s32 $0x4080;
	s21 =	simm.s32 $0x4880;
	s22 =	simm.s32 $0x5080  }
0x8: {  	s23 =	simm.s32 $0x5880;
	s24 =	simm.s32 $0x6080;
	s25 =	simm.s32 $0x6880  }
0x9: {  	s26 =	simm.s32 $0x7080;
	s28 =	simm.s32 $0x7880;
	s29 =	simm.s32 $0x1  }
0xa: {  	s5 =	sand.u32 $0x1, s3;
	[smem:$0x7FF] =	sst s2;
	s30 =	sshll.u32 s1, $0x8  }
0xb: {  	s3 =	sadd.s32 $0x3C00, s4;
	s6 =	sshll.u32 s5, $0x7;
	s5 =	ssub.s32 $0x2, s5  }
0xc: {  	_ =	strace $0x8000004D;
	s6 =	sor.u32 s6, s30;
	s31 =	sshrl.u32 s5, $0x1  }
0xd: {  	s7 =	sshrl.u32 s6, $0x3;
	s6 =	sshll.u32 s6, $0x5;
	s10 =	ssub.s32 s5, s31  }
0xe: {  	v2 =	vlaneseq.u32;
	s8 =	sadd.s32 s7, s4;
	s9 =	sadd.s32 s6, s4;
	s10 =	smax.u32 s10, $0x1  }
0xf: {  	vm0 =	vmmov $0xffff;
	v1 =	vshrl.u32 v2, $0x3;
	s4 =	sadd.s32 $0x14000, s8;
	s5 =	sadd.s32 $0x14600, s9;
	s6 =	sadd.s32 $0x14200, s8  }
0x10: {  	v0 =	vand.u32 $0x7, v2;
	v2 =	vor.u32 $0x8, v2;
	v1 =	vmul.u32 $0x8, v1;
	s7 =	sadd.s32 $0x34600, s9;
	s8 =	sadd.s32 $0x14400, s8;
	s9 =	sadd.s32 $0x54600, s9  }
.LBB2_1:
0x11: {  	[tilespmem:s2], [sflag:$0x2] =	stream.linear.gather [hbm4b:s4+s2], $0x80, $0x38;
	[tilespmem:$0x8080] =	vst v63  }
0x12: {  	_ =	swait.ge [sflag:s11], $0x80  }
0x13: {  	[sflag:s11] =	ssyncset.done $0x0  }
0x14: {  	[sflag:s11] =	ssyncadd.s32 $0xFFFFFF80  }
0x15: {  	v3 =	vld [tilespmem:$0x0];
	_ =	sdelay $0x4  }
0x16: {  	v4 =	vshll.u32 v3, $0x1  }
0x17: {  	v3 =	vand.u32 $0x7, v3;
	v4 =	vand.u32 $0xFFFFFFF0, v4  }
0x18: {  	v3 =	vor.u32 v3, v4  }
0x19: {  	v4 =	vperm.xlane v3, v0;
	_ =	sdelay $0x1  }
0x1a: {  	v3 =	vperm.xlane v3, v2;
	v4 =	vadd.s32 v1, v4;
	_ =	sdelay $0x1  }
0x1b: {  	v3 =	vadd.s32 v1, v3;
	_ =	sdelay $0x2  }
0x1c: {  	[tilespmem:s12], [sflag:$0x1] =	stream.indirect_vreg.gather [hbm4b:s3+s2], $0x80, v4, vm0, $0xb8;
	[tilespmem:$0x8080] =	vst v63  }
0x1d: {  	_ = 	snop  }
0x1e: {  	[tilespmem:s13], [sflag:$0x1] =	stream.indirect_vreg.gather [hbm4b:s3+s2], $0x80, v3, vm0, $0xb8;
	[tilespmem:$0x8080] =	vst v63  }
0x1f: {  	v3 =	vld [tilespmem:$0x10];
	_ =	sdelay $0x4  }
0x20: {  	v41 =	vshll.u32 v3, $0x1  }
0x21: {  	v3 =	vand.u32 $0x7, v3;
	v4 =	vand.u32 $0xFFFFFFF0, v41  }
0x22: {  	v3 =	vor.u32 v3, v4  }
0x23: {  	v4 =	vperm.xlane v3, v0;
	_ =	sdelay $0x1  }
0x24: {  	v3 =	vperm.xlane v3, v2;
	v4 =	vadd.s32 v1, v4;
	_ =	sdelay $0x1  }
0x25: {  	v3 =	vadd.s32 v1, v3;
	_ =	sdelay $0x2  }
0x26: {  	[tilespmem:s14], [sflag:$0x1] =	stream.indirect_vreg.gather [hbm4b:s3+s2], $0x80, v4, vm0, $0xb8;
	[tilespmem:$0x8080] =	vst v63  }
0x27: {  	_ = 	snop  }
0x28: {  	[tilespmem:s15], [sflag:$0x1] =	stream.indirect_vreg.gather [hbm4b:s3+s2], $0x80, v3, vm0, $0xb8;
	[tilespmem:$0x8080] =	vst v63  }
0x29: {  	v3 =	vld [tilespmem:$0x20];
	_ =	sdelay $0x4  }
0x2a: {  	v42 =	vshll.u32 v3, $0x1  }
0x2b: {  	v3 =	vand.u32 $0x7, v3;
	v4 =	vand.u32 $0xFFFFFFF0, v42  }
0x2c: {  	v3 =	vor.u32 v3, v4  }
0x2d: {  	v4 =	vperm.xlane v3, v0;
	_ =	sdelay $0x1  }
0x2e: {  	v3 =	vperm.xlane v3, v2;
	v4 =	vadd.s32 v1, v4;
	_ =	sdelay $0x1  }
0x2f: {  	v3 =	vadd.s32 v1, v3;
	_ =	sdelay $0x2  }
0x30: {  	[tilespmem:s16], [sflag:$0x1] =	stream.indirect_vreg.gather [hbm4b:s3+s2], $0x80, v4, vm0, $0xb8;
	[tilespmem:$0x8080] =	vst v63  }
0x31: {  	_ = 	snop  }
0x32: {  	[tilespmem:s17], [sflag:$0x1] =	stream.indirect_vreg.gather [hbm4b:s3+s2], $0x80, v3, vm0, $0xb8;
	[tilespmem:$0x8080] =	vst v63  }
0x33: {  	v3 =	vld [tilespmem:$0x30];
	_ =	sdelay $0x4  }
0x34: {  	v43 =	vshll.u32 v3, $0x1  }
0x35: {  	v3 =	vand.u32 $0x7, v3;
	v4 =	vand.u32 $0xFFFFFFF0, v43  }
0x36: {  	v3 =	vor.u32 v3, v4  }
0x37: {  	v4 =	vperm.xlane v3, v0;
	_ =	sdelay $0x1  }
0x38: {  	v3 =	vperm.xlane v3, v2;
	v4 =	vadd.s32 v1, v4;
	_ =	sdelay $0x1  }
0x39: {  	v3 =	vadd.s32 v1, v3;
	_ =	sdelay $0x2  }
0x3a: {  	[tilespmem:s18], [sflag:$0x1] =	stream.indirect_vreg.gather [hbm4b:s3+s2], $0x80, v4, vm0, $0xb8;
	[tilespmem:$0x8080] =	vst v63  }
0x3b: {  	_ = 	snop  }
0x3c: {  	[tilespmem:s19], [sflag:$0x1] =	stream.indirect_vreg.gather [hbm4b:s3+s2], $0x80, v3, vm0, $0xb8;
	[tilespmem:$0x8080] =	vst v63  }
0x3d: {  	v3 =	vld [tilespmem:$0x40];
	_ =	sdelay $0x4  }
0x3e: {  	v44 =	vshll.u32 v3, $0x1  }
0x3f: {  	v3 =	vand.u32 $0x7, v3;
	v4 =	vand.u32 $0xFFFFFFF0, v44  }
0x40: {  	v3 =	vor.u32 v3, v4  }
0x41: {  	v4 =	vperm.xlane v3, v0;
	_ =	sdelay $0x1  }
0x42: {  	v3 =	vperm.xlane v3, v2;
	v4 =	vadd.s32 v1, v4;
	_ =	sdelay $0x1  }
0x43: {  	v3 =	vadd.s32 v1, v3;
	_ =	sdelay $0x2  }
0x44: {  	[tilespmem:s20], [sflag:$0x1] =	stream.indirect_vreg.gather [hbm4b:s3+s2], $0x80, v4, vm0, $0xb8;
	[tilespmem:$0x8080] =	vst v63  }
0x45: {  	_ = 	snop  }
0x46: {  	[tilespmem:s21], [sflag:$0x1] =	stream.indirect_vreg.gather [hbm4b:s3+s2], $0x80, v3, vm0, $0xb8;
	[tilespmem:$0x8080] =	vst v63  }
0x47: {  	v3 =	vld [tilespmem:$0x50];
	_ =	sdelay $0x4  }
0x48: {  	v45 =	vshll.u32 v3, $0x1  }
0x49: {  	v3 =	vand.u32 $0x7, v3;
	v4 =	vand.u32 $0xFFFFFFF0, v45  }
0x4a: {  	v3 =	vor.u32 v3, v4  }
0x4b: {  	v4 =	vperm.xlane v3, v0;
	_ =	sdelay $0x1  }
0x4c: {  	v3 =	vperm.xlane v3, v2;
	v4 =	vadd.s32 v1, v4;
	_ =	sdelay $0x1  }
0x4d: {  	v3 =	vadd.s32 v1, v3;
	_ =	sdelay $0x2  }
0x4e: {  	[tilespmem:s22], [sflag:$0x1] =	stream.indirect_vreg.gather [hbm4b:s3+s2], $0x80, v4, vm0, $0xb8;
	[tilespmem:$0x8080] =	vst v63  }
0x4f: {  	_ = 	snop  }
0x50: {  	[tilespmem:s23], [sflag:$0x1] =	stream.indirect_vreg.gather [hbm4b:s3+s2], $0x80, v3, vm0, $0xb8;
	[tilespmem:$0x8080] =	vst v63  }
0x51: {  	v3 =	vld [tilespmem:$0x60];
	_ =	sdelay $0x4  }
0x52: {  	v46 =	vshll.u32 v3, $0x1  }
0x53: {  	v3 =	vand.u32 $0x7, v3;
	v4 =	vand.u32 $0xFFFFFFF0, v46  }
0x54: {  	v3 =	vor.u32 v3, v4  }
0x55: {  	v4 =	vperm.xlane v3, v0;
	_ =	sdelay $0x1  }
0x56: {  	v3 =	vperm.xlane v3, v2;
	v4 =	vadd.s32 v1, v4;
	_ =	sdelay $0x1  }
0x57: {  	v3 =	vadd.s32 v1, v3;
	_ =	sdelay $0x2  }
0x58: {  	[tilespmem:s24], [sflag:$0x1] =	stream.indirect_vreg.gather [hbm4b:s3+s2], $0x80, v4, vm0, $0xb8;
	[tilespmem:$0x8080] =	vst v63  }
0x59: {  	_ = 	snop  }
0x5a: {  	[tilespmem:s25], [sflag:$0x1] =	stream.indirect_vreg.gather [hbm4b:s3+s2], $0x80, v3, vm0, $0xb8;
	[tilespmem:$0x8080] =	vst v63  }
0x5b: {  	v3 =	vld [tilespmem:$0x70];
	_ =	sdelay $0x4  }
0x5c: {  	v47 =	vshll.u32 v3, $0x1  }
0x5d: {  	v3 =	vand.u32 $0x7, v3;
	v4 =	vand.u32 $0xFFFFFFF0, v47  }
0x5e: {  	v3 =	vor.u32 v3, v4  }
0x5f: {  	v4 =	vperm.xlane v3, v0;
	_ =	sdelay $0x1  }
0x60: {  	v3 =	vperm.xlane v3, v2;
	v4 =	vadd.s32 v1, v4;
	_ =	sdelay $0x1  }
0x61: {  	v3 =	vadd.s32 v1, v3;
	_ =	sdelay $0x2  }
0x62: {  	[tilespmem:s26], [sflag:$0x1] =	stream.indirect_vreg.gather [hbm4b:s3+s2], $0x80, v4, vm0, $0xb8;
	[tilespmem:$0x8080] =	vst v63  }
0x63: {  	_ = 	snop  }
0x64: {  	[tilespmem:s28], [sflag:$0x1] =	stream.indirect_vreg.gather [hbm4b:s3+s2], $0x80, v3, vm0, $0xb8;
	[tilespmem:$0x8080] =	vst v63  }
0x65: {  	_ =	swait.ge [sflag:s29], $0x8000  }
0x66: {  	[sflag:s29] =	ssyncset.done $0x0  }
0x67: {  	[sflag:s29] =	ssyncadd.s32 $0xFFFF8000  }
0x68: {  	[hbm4b:s5+s2] =	stream.linear.scatter [tilespmem:s12], [sflag:$0x2], $0x8000, $0x38;
	[tilespmem:$0x8080] =	vst v63  }
0x69: {  	_ =	swait.ge [sflag:s11], $0x8000  }
0x6a: {  	[sflag:s11] =	ssyncset.done $0x0  }
0x6b: {  	[sflag:s11] =	ssyncadd.s32 $0xFFFF8000  }
0x6c: {  	[tilespmem:s2], [sflag:$0x2] =	stream.linear.gather [hbm4b:s6+s2], $0x80, $0x38;
	[tilespmem:$0x8080] =	vst v63  }
0x6d: {  	_ =	swait.ge [sflag:s11], $0x80  }
0x6e: {  	[sflag:s11] =	ssyncset.done $0x0  }
0x6f: {  	[sflag:s11] =	ssyncadd.s32 $0xFFFFFF80  }
0x70: {  	v3 =	vld [tilespmem:$0x0];
	_ =	sdelay $0x4  }
0x71: {  	v48 =	vshll.u32 v3, $0x1  }
0x72: {  	v3 =	vand.u32 $0x7, v3;
	v4 =	vand.u32 $0xFFFFFFF0, v48  }
0x73: {  	v3 =	vor.u32 v3, v4  }
0x74: {  	v4 =	vperm.xlane v3, v0;
	_ =	sdelay $0x1  }
0x75: {  	v3 =	vperm.xlane v3, v2;
	v4 =	vadd.s32 v1, v4;
	_ =	sdelay $0x1  }
0x76: {  	v3 =	vadd.s32 v1, v3;
	_ =	sdelay $0x2  }
0x77: {  	[tilespmem:s12], [sflag:$0x1] =	stream.indirect_vreg.gather [hbm4b:s3+s2], $0x80, v4, vm0, $0xb8;
	[tilespmem:$0x8080] =	vst v63  }
0x78: {  	_ = 	snop  }
0x79: {  	[tilespmem:s13], [sflag:$0x1] =	stream.indirect_vreg.gather [hbm4b:s3+s2], $0x80, v3, vm0, $0xb8;
	[tilespmem:$0x8080] =	vst v63  }
0x7a: {  	v3 =	vld [tilespmem:$0x10];
	_ =	sdelay $0x4  }
0x7b: {  	v49 =	vshll.u32 v3, $0x1  }
0x7c: {  	v3 =	vand.u32 $0x7, v3;
	v4 =	vand.u32 $0xFFFFFFF0, v49  }
0x7d: {  	v3 =	vor.u32 v3, v4  }
0x7e: {  	v4 =	vperm.xlane v3, v0;
	_ =	sdelay $0x1  }
0x7f: {  	v3 =	vperm.xlane v3, v2;
	v4 =	vadd.s32 v1, v4;
	_ =	sdelay $0x1  }
0x80: {  	v3 =	vadd.s32 v1, v3;
	_ =	sdelay $0x2  }
0x81: {  	[tilespmem:s14], [sflag:$0x1] =	stream.indirect_vreg.gather [hbm4b:s3+s2], $0x80, v4, vm0, $0xb8;
	[tilespmem:$0x8080] =	vst v63  }
0x82: {  	_ = 	snop  }
0x83: {  	[tilespmem:s15], [sflag:$0x1] =	stream.indirect_vreg.gather [hbm4b:s3+s2], $0x80, v3, vm0, $0xb8;
	[tilespmem:$0x8080] =	vst v63  }
0x84: {  	v3 =	vld [tilespmem:$0x20];
	_ =	sdelay $0x4  }
0x85: {  	v50 =	vshll.u32 v3, $0x1  }
0x86: {  	v3 =	vand.u32 $0x7, v3;
	v4 =	vand.u32 $0xFFFFFFF0, v50  }
0x87: {  	v3 =	vor.u32 v3, v4  }
0x88: {  	v4 =	vperm.xlane v3, v0;
	_ =	sdelay $0x1  }
0x89: {  	v3 =	vperm.xlane v3, v2;
	v4 =	vadd.s32 v1, v4;
	_ =	sdelay $0x1  }
0x8a: {  	v3 =	vadd.s32 v1, v3;
	_ =	sdelay $0x2  }
0x8b: {  	[tilespmem:s16], [sflag:$0x1] =	stream.indirect_vreg.gather [hbm4b:s3+s2], $0x80, v4, vm0, $0xb8;
	[tilespmem:$0x8080] =	vst v63  }
0x8c: {  	_ = 	snop  }
0x8d: {  	[tilespmem:s17], [sflag:$0x1] =	stream.indirect_vreg.gather [hbm4b:s3+s2], $0x80, v3, vm0, $0xb8;
	[tilespmem:$0x8080] =	vst v63  }
0x8e: {  	v3 =	vld [tilespmem:$0x30];
	_ =	sdelay $0x4  }
0x8f: {  	v51 =	vshll.u32 v3, $0x1  }
0x90: {  	v3 =	vand.u32 $0x7, v3;
	v4 =	vand.u32 $0xFFFFFFF0, v51  }
0x91: {  	v3 =	vor.u32 v3, v4  }
0x92: {  	v4 =	vperm.xlane v3, v0;
	_ =	sdelay $0x1  }
0x93: {  	v3 =	vperm.xlane v3, v2;
	v4 =	vadd.s32 v1, v4;
	_ =	sdelay $0x1  }
0x94: {  	v3 =	vadd.s32 v1, v3;
	_ =	sdelay $0x2  }
0x95: {  	[tilespmem:s18], [sflag:$0x1] =	stream.indirect_vreg.gather [hbm4b:s3+s2], $0x80, v4, vm0, $0xb8;
	[tilespmem:$0x8080] =	vst v63  }
0x96: {  	_ = 	snop  }
0x97: {  	[tilespmem:s19], [sflag:$0x1] =	stream.indirect_vreg.gather [hbm4b:s3+s2], $0x80, v3, vm0, $0xb8;
	[tilespmem:$0x8080] =	vst v63  }
0x98: {  	v3 =	vld [tilespmem:$0x40];
	_ =	sdelay $0x4  }
0x99: {  	v52 =	vshll.u32 v3, $0x1  }
0x9a: {  	v3 =	vand.u32 $0x7, v3;
	v4 =	vand.u32 $0xFFFFFFF0, v52  }
0x9b: {  	v3 =	vor.u32 v3, v4  }
0x9c: {  	v4 =	vperm.xlane v3, v0;
	_ =	sdelay $0x1  }
0x9d: {  	v3 =	vperm.xlane v3, v2;
	v4 =	vadd.s32 v1, v4;
	_ =	sdelay $0x1  }
0x9e: {  	v3 =	vadd.s32 v1, v3;
	_ =	sdelay $0x2  }
0x9f: {  	[tilespmem:s20], [sflag:$0x1] =	stream.indirect_vreg.gather [hbm4b:s3+s2], $0x80, v4, vm0, $0xb8;
	[tilespmem:$0x8080] =	vst v63  }
0xa0: {  	_ = 	snop  }
0xa1: {  	[tilespmem:s21], [sflag:$0x1] =	stream.indirect_vreg.gather [hbm4b:s3+s2], $0x80, v3, vm0, $0xb8;
	[tilespmem:$0x8080] =	vst v63  }
0xa2: {  	v3 =	vld [tilespmem:$0x50];
	_ =	sdelay $0x4  }
0xa3: {  	v53 =	vshll.u32 v3, $0x1  }
0xa4: {  	v3 =	vand.u32 $0x7, v3;
	v4 =	vand.u32 $0xFFFFFFF0, v53  }
0xa5: {  	v3 =	vor.u32 v3, v4  }
0xa6: {  	v4 =	vperm.xlane v3, v0;
	_ =	sdelay $0x1  }
0xa7: {  	v3 =	vperm.xlane v3, v2;
	v4 =	vadd.s32 v1, v4;
	_ =	sdelay $0x1  }
0xa8: {  	v3 =	vadd.s32 v1, v3;
	_ =	sdelay $0x2  }
0xa9: {  	[tilespmem:s22], [sflag:$0x1] =	stream.indirect_vreg.gather [hbm4b:s3+s2], $0x80, v4, vm0, $0xb8;
	[tilespmem:$0x8080] =	vst v63  }
0xaa: {  	_ = 	snop  }
0xab: {  	[tilespmem:s23], [sflag:$0x1] =	stream.indirect_vreg.gather [hbm4b:s3+s2], $0x80, v3, vm0, $0xb8;
	[tilespmem:$0x8080] =	vst v63  }
0xac: {  	v3 =	vld [tilespmem:$0x60];
	_ =	sdelay $0x4  }
0xad: {  	v54 =	vshll.u32 v3, $0x1  }
0xae: {  	v3 =	vand.u32 $0x7, v3;
	v4 =	vand.u32 $0xFFFFFFF0, v54  }
0xaf: {  	v3 =	vor.u32 v3, v4  }
0xb0: {  	v4 =	vperm.xlane v3, v0;
	_ =	sdelay $0x1  }
0xb1: {  	v3 =	vperm.xlane v3, v2;
	v4 =	vadd.s32 v1, v4;
	_ =	sdelay $0x1  }
0xb2: {  	v3 =	vadd.s32 v1, v3;
	_ =	sdelay $0x2  }
0xb3: {  	[tilespmem:s24], [sflag:$0x1] =	stream.indirect_vreg.gather [hbm4b:s3+s2], $0x80, v4, vm0, $0xb8;
	[tilespmem:$0x8080] =	vst v63  }
0xb4: {  	_ = 	snop  }
0xb5: {  	[tilespmem:s25], [sflag:$0x1] =	stream.indirect_vreg.gather [hbm4b:s3+s2], $0x80, v3, vm0, $0xb8;
	[tilespmem:$0x8080] =	vst v63  }
0xb6: {  	v3 =	vld [tilespmem:$0x70];
	_ =	sdelay $0x4  }
0xb7: {  	v55 =	vshll.u32 v3, $0x1  }
0xb8: {  	v3 =	vand.u32 $0x7, v3;
	v4 =	vand.u32 $0xFFFFFFF0, v55  }
0xb9: {  	v3 =	vor.u32 v3, v4  }
0xba: {  	v4 =	vperm.xlane v3, v0;
	_ =	sdelay $0x1  }
0xbb: {  	v3 =	vperm.xlane v3, v2;
	v4 =	vadd.s32 v1, v4;
	_ =	sdelay $0x1  }
0xbc: {  	v3 =	vadd.s32 v1, v3;
	_ =	sdelay $0x2  }
0xbd: {  	[tilespmem:s26], [sflag:$0x1] =	stream.indirect_vreg.gather [hbm4b:s3+s2], $0x80, v4, vm0, $0xb8;
	[tilespmem:$0x8080] =	vst v63  }
0xbe: {  	_ = 	snop  }
0xbf: {  	[tilespmem:s28], [sflag:$0x1] =	stream.indirect_vreg.gather [hbm4b:s3+s2], $0x80, v3, vm0, $0xb8;
	[tilespmem:$0x8080] =	vst v63  }
0xc0: {  	_ =	swait.ge [sflag:s29], $0x8000  }
0xc1: {  	[sflag:s29] =	ssyncset.done $0x0  }
0xc2: {  	[sflag:s29] =	ssyncadd.s32 $0xFFFF8000  }
0xc3: {  	[hbm4b:s7+s2] =	stream.linear.scatter [tilespmem:s12], [sflag:$0x2], $0x8000, $0x38;
	[tilespmem:$0x8080] =	vst v63  }
0xc4: {  	_ =	swait.ge [sflag:s11], $0x8000  }
0xc5: {  	[sflag:s11] =	ssyncset.done $0x0  }
0xc6: {  	[sflag:s11] =	ssyncadd.s32 $0xFFFF8000  }
0xc7: {  	[tilespmem:s2], [sflag:$0x2] =	stream.linear.gather [hbm4b:s8+s2], $0x80, $0x38;
	[tilespmem:$0x8080] =	vst v63  }
0xc8: {  	_ =	swait.ge [sflag:s11], $0x80  }
0xc9: {  	[sflag:s11] =	ssyncset.done $0x0  }
0xca: {  	[sflag:s11] =	ssyncadd.s32 $0xFFFFFF80  }
0xcb: {  	v3 =	vld [tilespmem:$0x0];
	_ =	sdelay $0x4  }
0xcc: {  	v56 =	vshll.u32 v3, $0x1  }
0xcd: {  	v3 =	vand.u32 $0x7, v3;
	v4 =	vand.u32 $0xFFFFFFF0, v56  }
0xce: {  	v3 =	vor.u32 v3, v4  }
0xcf: {  	v4 =	vperm.xlane v3, v0;
	_ =	sdelay $0x1  }
0xd0: {  	v3 =	vperm.xlane v3, v2;
	v4 =	vadd.s32 v1, v4;
	_ =	sdelay $0x1  }
0xd1: {  	v3 =	vadd.s32 v1, v3;
	_ =	sdelay $0x2  }
0xd2: {  	[tilespmem:s12], [sflag:$0x1] =	stream.indirect_vreg.gather [hbm4b:s3+s2], $0x80, v4, vm0, $0xb8;
	[tilespmem:$0x8080] =	vst v63  }
0xd3: {  	_ = 	snop  }
0xd4: {  	[tilespmem:s13], [sflag:$0x1] =	stream.indirect_vreg.gather [hbm4b:s3+s2], $0x80, v3, vm0, $0xb8;
	[tilespmem:$0x8080] =	vst v63  }
0xd5: {  	v3 =	vld [tilespmem:$0x10];
	_ =	sdelay $0x4  }
0xd6: {  	v57 =	vshll.u32 v3, $0x1  }
0xd7: {  	v3 =	vand.u32 $0x7, v3;
	v4 =	vand.u32 $0xFFFFFFF0, v57  }
0xd8: {  	v3 =	vor.u32 v3, v4  }
0xd9: {  	v4 =	vperm.xlane v3, v0;
	_ =	sdelay $0x1  }
0xda: {  	v3 =	vperm.xlane v3, v2;
	v4 =	vadd.s32 v1, v4;
	_ =	sdelay $0x1  }
0xdb: {  	v3 =	vadd.s32 v1, v3;
	_ =	sdelay $0x2  }
0xdc: {  	[tilespmem:s14], [sflag:$0x1] =	stream.indirect_vreg.gather [hbm4b:s3+s2], $0x80, v4, vm0, $0xb8;
	[tilespmem:$0x8080] =	vst v63  }
0xdd: {  	_ = 	snop  }
0xde: {  	[tilespmem:s15], [sflag:$0x1] =	stream.indirect_vreg.gather [hbm4b:s3+s2], $0x80, v3, vm0, $0xb8;
	[tilespmem:$0x8080] =	vst v63  }
0xdf: {  	v3 =	vld [tilespmem:$0x20];
	_ =	sdelay $0x4  }
0xe0: {  	v58 =	vshll.u32 v3, $0x1  }
0xe1: {  	v3 =	vand.u32 $0x7, v3;
	v4 =	vand.u32 $0xFFFFFFF0, v58  }
0xe2: {  	v3 =	vor.u32 v3, v4  }
0xe3: {  	v4 =	vperm.xlane v3, v0;
	_ =	sdelay $0x1  }
0xe4: {  	v3 =	vperm.xlane v3, v2;
	v4 =	vadd.s32 v1, v4;
	_ =	sdelay $0x1  }
0xe5: {  	v3 =	vadd.s32 v1, v3;
	_ =	sdelay $0x2  }
0xe6: {  	[tilespmem:s16], [sflag:$0x1] =	stream.indirect_vreg.gather [hbm4b:s3+s2], $0x80, v4, vm0, $0xb8;
	[tilespmem:$0x8080] =	vst v63  }
0xe7: {  	_ = 	snop  }
0xe8: {  	[tilespmem:s17], [sflag:$0x1] =	stream.indirect_vreg.gather [hbm4b:s3+s2], $0x80, v3, vm0, $0xb8;
	[tilespmem:$0x8080] =	vst v63  }
0xe9: {  	v3 =	vld [tilespmem:$0x30];
	_ =	sdelay $0x4  }
0xea: {  	v59 =	vshll.u32 v3, $0x1  }
0xeb: {  	v3 =	vand.u32 $0x7, v3;
	v4 =	vand.u32 $0xFFFFFFF0, v59  }
0xec: {  	v3 =	vor.u32 v3, v4  }
0xed: {  	v4 =	vperm.xlane v3, v0;
	_ =	sdelay $0x1  }
0xee: {  	v3 =	vperm.xlane v3, v2;
	v4 =	vadd.s32 v1, v4;
	_ =	sdelay $0x1  }
0xef: {  	v3 =	vadd.s32 v1, v3;
	_ =	sdelay $0x2  }
0xf0: {  	[tilespmem:s18], [sflag:$0x1] =	stream.indirect_vreg.gather [hbm4b:s3+s2], $0x80, v4, vm0, $0xb8;
	[tilespmem:$0x8080] =	vst v63  }
0xf1: {  	_ = 	snop  }
0xf2: {  	[tilespmem:s19], [sflag:$0x1] =	stream.indirect_vreg.gather [hbm4b:s3+s2], $0x80, v3, vm0, $0xb8;
	[tilespmem:$0x8080] =	vst v63  }
0xf3: {  	v3 =	vld [tilespmem:$0x40];
	_ =	sdelay $0x4  }
0xf4: {  	v60 =	vshll.u32 v3, $0x1  }
0xf5: {  	v3 =	vand.u32 $0x7, v3;
	v4 =	vand.u32 $0xFFFFFFF0, v60  }
0xf6: {  	v3 =	vor.u32 v3, v4  }
0xf7: {  	v4 =	vperm.xlane v3, v0;
	_ =	sdelay $0x1  }
0xf8: {  	v3 =	vperm.xlane v3, v2;
	v4 =	vadd.s32 v1, v4;
	_ =	sdelay $0x1  }
0xf9: {  	v3 =	vadd.s32 v1, v3;
	_ =	sdelay $0x2  }
0xfa: {  	[tilespmem:s20], [sflag:$0x1] =	stream.indirect_vreg.gather [hbm4b:s3+s2], $0x80, v4, vm0, $0xb8;
	[tilespmem:$0x8080] =	vst v63  }
0xfb: {  	_ = 	snop  }
0xfc: {  	[tilespmem:s21], [sflag:$0x1] =	stream.indirect_vreg.gather [hbm4b:s3+s2], $0x80, v3, vm0, $0xb8;
	[tilespmem:$0x8080] =	vst v63  }
0xfd: {  	v3 =	vld [tilespmem:$0x50];
	_ =	sdelay $0x4  }
0xfe: {  	v61 =	vshll.u32 v3, $0x1  }
0xff: {  	v3 =	vand.u32 $0x7, v3;
	v4 =	vand.u32 $0xFFFFFFF0, v61  }
0x100: {  	v3 =	vor.u32 v3, v4  }
0x101: {  	v4 =	vperm.xlane v3, v0;
	_ =	sdelay $0x1  }
0x102: {  	v3 =	vperm.xlane v3, v2;
	v4 =	vadd.s32 v1, v4;
	_ =	sdelay $0x1  }
0x103: {  	v3 =	vadd.s32 v1, v3;
	_ =	sdelay $0x2  }
0x104: {  	[tilespmem:s22], [sflag:$0x1] =	stream.indirect_vreg.gather [hbm4b:s3+s2], $0x80, v4, vm0, $0xb8;
	[tilespmem:$0x8080] =	vst v63  }
0x105: {  	_ = 	snop  }
0x106: {  	[tilespmem:s23], [sflag:$0x1] =	stream.indirect_vreg.gather [hbm4b:s3+s2], $0x80, v3, vm0, $0xb8;
	[tilespmem:$0x8080] =	vst v63  }
0x107: {  	v3 =	vld [tilespmem:$0x60];
	_ =	sdelay $0x4  }
0x108: {  	v62 =	vshll.u32 v3, $0x1  }
0x109: {  	v3 =	vand.u32 $0x7, v3;
	v4 =	vand.u32 $0xFFFFFFF0, v62  }
0x10a: {  	v3 =	vor.u32 v3, v4  }
0x10b: {  	v4 =	vperm.xlane v3, v0;
	_ =	sdelay $0x1  }
0x10c: {  	v3 =	vperm.xlane v3, v2;
	v4 =	vadd.s32 v1, v4;
	_ =	sdelay $0x1  }
0x10d: {  	v3 =	vadd.s32 v1, v3;
	_ =	sdelay $0x2  }
0x10e: {  	[tilespmem:s24], [sflag:$0x1] =	stream.indirect_vreg.gather [hbm4b:s3+s2], $0x80, v4, vm0, $0xb8;
	[tilespmem:$0x8080] =	vst v63  }
0x10f: {  	_ = 	snop  }
0x110: {  	[tilespmem:s25], [sflag:$0x1] =	stream.indirect_vreg.gather [hbm4b:s3+s2], $0x80, v3, vm0, $0xb8;
	[tilespmem:$0x8080] =	vst v63  }
0x111: {  	v3 =	vld [tilespmem:$0x70];
	_ =	sdelay $0x4  }
0x112: {  	v63 =	vshll.u32 v3, $0x1  }
0x113: {  	v3 =	vand.u32 $0x7, v3;
	v4 =	vand.u32 $0xFFFFFFF0, v63  }
0x114: {  	v3 =	vor.u32 v3, v4  }
0x115: {  	v4 =	vperm.xlane v3, v0;
	_ =	sdelay $0x1  }
0x116: {  	v3 =	vperm.xlane v3, v2;
	v4 =	vadd.s32 v1, v4;
	_ =	sdelay $0x1  }
0x117: {  	v3 =	vadd.s32 v1, v3;
	_ =	sdelay $0x2  }
0x118: {  	[tilespmem:s26], [sflag:$0x1] =	stream.indirect_vreg.gather [hbm4b:s3+s2], $0x80, v4, vm0, $0xb8;
	[tilespmem:$0x8080] =	vst v63  }
0x119: {  	_ = 	snop  }
0x11a: {  	[tilespmem:s28], [sflag:$0x1] =	stream.indirect_vreg.gather [hbm4b:s3+s2], $0x80, v3, vm0, $0xb8;
	[tilespmem:$0x8080] =	vst v63  }
0x11b: {  	_ =	swait.ge [sflag:s29], $0x8000  }
0x11c: {  	p0 =	sne.s32 s10, $0x1;
	[sflag:s29] =	ssyncset.done $0x0  }
.Ltmp0:
0x11d: {  	[sflag:s29] =	ssyncadd.s32 $0xFFFF8000;
	(pc) =	sbr.rel @p0 .LBB2_1-.Ltmp0, $4  }
0x11e: {  	[hbm4b:s9+s2] =	stream.linear.scatter [tilespmem:s12], [sflag:$0x2], $0x8000, $0x38;
	[tilespmem:$0x8080] =	vst v63  }
0x11f: {  	_ =	swait.ge [sflag:s11], $0x8000  }
0x120: {  	[sflag:s11] =	ssyncset.done $0x0  }
0x121: {  	s10 =	sadd.s32 $0xFFFFFFFF, s10;
	[sflag:s11] =	ssyncadd.s32 $0xFFFF8000  }
0x122: {  	_ =	sfence.sel $0x180000  }
0x123: {  	[bflag:$0x0] =	sbarrier.arrive $0xFFFF  }
0x124: {  	p0 =	sne.s32 s1, $0x0;
	_ =	strace $0x9000004D  }
0x125: {  	s0 =	sadd.s32 @!p0 $0x100000, s0;
	[bflag:$0x2] =	sbarrier.arrive $0xFFFF  }
0x126: {  	[sflag:s0] =	ssyncadd.tile.s32 @!p0 $0x1;
	_ =	shalt  }
.Lfunc_end2:
_tile_overlayer_lowered:
.L_overlay_start_2:
0x127: {  	(tag) =	ssettag $0x2  }
0x128: {  	s0 =	rddreg [dreg:$0x0];
	s2 =	stileid.u32  }
0x129: {  	s1 =	rddreg [dreg:$0x1];
	p0 =	sne.s32 s2, $0x0  }
0x12a: {  	s3 =	rddreg [dreg:$0x2];
	[bflag:$0x3] =	sbarrier.arrive $0xFFFF;
	s2 =	simm.s32 @!p0 $0x1C02  }
0x12b: {  	[timem:s3], [sflag:s2] =	dma.local @!p0 [hbm:s0], s1  }
0x12c: {  	s0 =	simm.s32 @!p0 $0x2  }
0x12d: {  	_ =	swait.ge @!p0 [sflag:s0], s1  }
0x12e: {  	s1 =	ssub.s32 @!p0 $0x0, s1;
	[sflag:s0] =	ssyncset.done @!p0 $0x0  }
0x12f: {  	[sflag:s0] =	ssyncadd.s32 @!p0 s1  }
0x130: {  	[bflag:$0x3] =	sbarrier.arrive $0xFFFF  }
0x131: {  	_ =	shalt  }

// kernel: kernel.23.cloned.1.call-start
scs
__scs_entry_jumppad:
0x0: {  	(pc) =	sbr.rel $0x88, $3  }
0x1: {  	(tag) =	ssettag $0x0;
	lr =	simm.s32 $0x1  }
0x2: {  	[smem:$0x3F82] =	sst lr;
	_ =	strace $0xD0000000  }
0x3: {  	_ = 	snop  }
0x4: {  	_ = 	snop  }
0x5: {  	_ = 	snop  }
0x6: {  	_ = 	snop  }
0x7: {  	_ = 	snop  }
__scs_overlays_trampoline_lowered:
0x8: {  	[smem:$0x3F91] =	sst s0  }
0x9: {  	[smem:$0x3F92] =	sst s1  }
0xa: {  	[smem:$0x3F93] =	sst s2  }
0xb: {  	[smem:$0x3F94] =	sst s3  }
0xc: {  	[smem:$0x3F95] =	sst s4  }
0xd: {  	[smem:$0x3F96] =	sst s5  }
0xe: {  	[smem:$0x3F97] =	sst s6  }
0xf: {  	[smem:$0x3F98] =	sst s7  }
0x10: {  	[smem:$0x3F99] =	sst s8  }
0x11: {  	[smem:$0x3F9A] =	sst s9;
	s0 =	simm.s32 @!p0 $0x0  }
0x12: {  	s1 =	sld [smem:$0x3F80];
	s0 =	simm.s32 @p0 $0x1  }
0x13: {  	[smem:$0x3F9B] =	sst s0;
	s0 =	simm.s32 @!p1 $0x0  }
0x14: {  	s2 =	sld [smem:$0x3F7F];
	s0 =	simm.s32 @p1 $0x1  }
0x15: {  	[smem:$0x3F9C] =	sst s0;
	s0 =	simm.s32 @!p2 $0x0  }
0x16: {  	s3 =	sld [smem:$0x3FDB];
	s0 =	simm.s32 @p2 $0x1  }
0x17: {  	s4 =	simm.s32 $0x1BF5;
	[smem:$0x3F9E] =	sst s0  }
0x18: {  	s0 =	sld [smem:$0x3F81];
	_ =	swait.ge [sflag:s4], $0x0  }
0x19: {  	s7 =	sld [smem:$0x3F82]  }
0x1a: {  	s8 =	sadd.s32 $0xFFFFE003, lr  }
0x1b: {  	s9 =	sadd.s32 $0xFFFFFEF7, lr;
	s5 =	simm.s32 $0xFFFFFFFF;
	p2 =	slt.u32 s8, $0xFFFFF086  }
0x1c: {  	p1 =	slt.u32 s9, $0xF7A;
	s5 =	simm.s32 @!p2 $0x0  }
0x1d: {  	s5 =	simm.s32 @p1 $0x1;
	p0 =	seq.s32 s7, s2  }
0x1e: {  	s7 =	smul.u32 @!p0 $0xF7A, s2;
	p2 =	seq.s32 @!p0 s5, $0x0  }
0x1f: {  	s9 =	smul.u32 $0xF7A, s1;
	s8 =	simm.s32 @!p0 $0x1BF5;
	p2 =	por !p2, p0  }
0x20: {  	[sflag:s8] =	ssyncset.s32 @!p0 $0xFFFFF086;
	s6 =	sadd.s32 @!p0 s3, s7;
	s7 =	simm.s32 @!p0 $0x108  }
0x21: {  	s3 =	sadd.s32 s3, s9;
	s6 =	sadd.s32 @!p0 $0x88, s6;
	s7 =	simm.s32 @p2 $0x1082  }
0x22: {  	[simem:s7], [sflag:s8] =	dma.local @!p0 [hbm:s6], $0xF7A  }
0x23: {  	s9 =	sor.u32 $0xD0000000, s2;
	s6 =	simm.s32 $0x108;
	_ =	swait.ge @!p0 [sflag:s8], $0x0  }
0x24: {  	s3 =	sadd.s32 $0x88, s3;
	s6 =	simm.s32 @!p1 $0x1082;
	[sflag:s4] =	ssyncset.s32 $0xFFFFF086  }
0x25: {  	[simem:s6], [sflag:s4] =	dma.local [hbm:s3], $0xF7A  }
0x26: {  	[smem:$0x3F82] =	sst s1;
	(tag) =	ssettag s2;
	_ =	strace s9  }
0x27: {  	s1 =	sld [smem:$0x3F92]  }
0x28: {  	s2 =	sld [smem:$0x3F93]  }
0x29: {  	s4 =	sld [smem:$0x3F95]  }
0x2a: {  	p0 =	seq.s32 s5, $0x0;
	s5 =	sld [smem:$0x3F96]  }
0x2b: {  	s6 =	sld [smem:$0x3F97]  }
0x2c: {  	s7 =	sld [smem:$0x3F98]  }
0x2d: {  	s3 =	simm.s32 $0x108;
	s8 =	sld [smem:$0x3F99]  }
0x2e: {  	s3 =	simm.s32 @!p0 $0x1082;
	s9 =	sld [smem:$0x3F9A]  }
0x2f: {  	lr =	sadd.s32 s0, s3;
	s0 =	sld [smem:$0x3F91]  }
0x30: {  	s3 =	sld [smem:$0x3F94]  }
0x31: {  	[smem:$0x3F9D] =	sst s10  }
0x32: {  	s10 =	sld [smem:$0x3F9B];
	_ =	sdelay $0x3  }
0x33: {  	p0 =	seq.s32 s10, $0x1;
	s10 =	sld [smem:$0x3F9D];
	_ =	sdelay $0x3  }
0x34: {  	[smem:$0x3F9D] =	sst s10  }
0x35: {  	s10 =	sld [smem:$0x3F9C];
	_ =	sdelay $0x3  }
0x36: {  	p1 =	seq.s32 s10, $0x1;
	s10 =	sld [smem:$0x3F9D];
	_ =	sdelay $0x3  }
0x37: {  	[smem:$0x3F9D] =	sst s10  }
0x38: {  	s10 =	sld [smem:$0x3F9E]  }
0x39: {  	_ = 	snop;
	(pc) =	sbr.ind lr, $3  }
0x3a: {  	_ = 	snop  }
0x3b: {  	_ = 	snop  }
0x3c: {  	p2 =	seq.s32 s10, $0x1;
	s10 =	sld [smem:$0x3F9D]  }
0x3d: {  	_ =	shalt  }
0x3e: {  	_ =	shalt  }
0x3f: {  	_ =	shalt  }
0x40: {  	_ =	shalt  }
0x41: {  	_ =	shalt  }
0x42: {  	_ =	shalt  }
0x43: {  	_ =	shalt  }
0x44: {  	_ =	shalt  }
0x45: {  	_ =	shalt  }
0x46: {  	_ =	shalt  }
0x47: {  	_ =	shalt  }
0x48: {  	_ =	shalt  }
0x49: {  	_ =	shalt  }
0x4a: {  	_ =	shalt  }
0x4b: {  	_ =	shalt  }
0x4c: {  	_ =	shalt  }
0x4d: {  	_ =	shalt  }
0x4e: {  	_ =	shalt  }
0x4f: {  	_ =	shalt  }
0x50: {  	_ =	shalt  }
0x51: {  	_ =	shalt  }
0x52: {  	_ =	shalt  }
0x53: {  	_ =	shalt  }
0x54: {  	_ =	shalt  }
0x55: {  	_ =	shalt  }
0x56: {  	_ =	shalt  }
0x57: {  	_ =	shalt  }
0x58: {  	_ =	shalt  }
0x59: {  	_ =	shalt  }
0x5a: {  	_ =	shalt  }
0x5b: {  	_ =	shalt  }
0x5c: {  	_ =	shalt  }
0x5d: {  	_ =	shalt  }
0x5e: {  	_ =	shalt  }
0x5f: {  	_ =	shalt  }
0x60: {  	_ =	shalt  }
0x61: {  	_ =	shalt  }
0x62: {  	_ =	shalt  }
0x63: {  	_ =	shalt  }
0x64: {  	_ =	shalt  }
0x65: {  	_ =	shalt  }
0x66: {  	_ =	shalt  }
0x67: {  	_ =	shalt  }
0x68: {  	_ =	shalt  }
0x69: {  	_ =	shalt  }
0x6a: {  	_ =	shalt  }
0x6b: {  	_ =	shalt  }
0x6c: {  	_ =	shalt  }
0x6d: {  	_ =	shalt  }
0x6e: {  	_ =	shalt  }
0x6f: {  	_ =	shalt  }
0x70: {  	_ =	shalt  }
0x71: {  	_ =	shalt  }
0x72: {  	_ =	shalt  }
0x73: {  	_ =	shalt  }
0x74: {  	_ =	shalt  }
0x75: {  	_ =	shalt  }
0x76: {  	_ =	shalt  }
0x77: {  	_ =	shalt  }
0x78: {  	_ =	shalt  }
0x79: {  	_ =	shalt  }
0x7a: {  	_ =	shalt  }
0x7b: {  	_ =	shalt  }
0x7c: {  	_ =	shalt  }
0x7d: {  	_ =	shalt  }
0x7e: {  	_ =	shalt  }
0x7f: {  	_ =	shalt  }
0x80: {  	_ =	shalt  }
0x81: {  	_ =	shalt  }
0x82: {  	_ =	shalt  }
0x83: {  	_ =	shalt  }
0x84: {  	_ =	shalt  }
0x85: {  	_ =	shalt  }
0x86: {  	_ =	shalt  }
0x87: {  	_ =	shalt  }
.Lfunc_end0:
.L_simem_size_0:
called_computation.3_lowered:
.L_overlay_start_0:
0x88: {  	s2 =	sld [smem:$0x3FD9]  }
0x89: {  	s3 =	sld [smem:$0x3FFE];
	_ =	sdelay $0x1  }
0x8a: {  	s1 =	srdreg.scid  }
0x8b: {  	s0 =	sand.u32 $0x1, s1  }
0x8c: {  	s14 =	sshll.u32 s0, $0xA;
	s2 =	sadd.s32 s3, s2  }
0x8d: {  	s2 =	sadd.s32 s2, s14  }
0x8e: {  	[smem:$0x3FA9] =	sst s2  }
0x8f: {  	_ = 	snop  }
0x90: {  	s2 =	sld [smem:$0x3FD0];
	_ =	sdelay $0x2  }
0x91: {  	s15 =	simm.s32 $0xA;
	s4 =	simm.s32 $0x10  }
0x92: {  	[smem:s4], [sflag:s15] =	dma.local [hbm:s2], $0x1  }
0x93: {  	_ =	swait.eq [sflag:s15], $0x1  }
0x94: {  	s16 =	sld [smem:$0x10];
	[sflag:s15] =	ssyncset.done $0x0  }
0x95: {  	s17 =	sld [smem:$0x11];
	[sflag:s15] =	ssyncadd.s32 $0xFFFFFFFF  }
0x96: {  	s18 =	sld [smem:$0x12];
	(tm) =	ssettm $0x1  }
0x97: {  	s5 =	sld [smem:$0x3FFB];
	_ =	sdelay $0x3  }
0x98: {  	_ =	strace s5  }
0x99: {  	s5 =	sld [smem:$0x3FFC];
	_ =	sdelay $0x3  }
0x9a: {  	_ =	strace s5  }
0x9b: {  	s5 =	sld [smem:$0x3FFD];
	_ =	sdelay $0x3  }
0x9c: {  	_ =	strace s5  }
0x9d: {  	_ =	strace $0x8FFFFFFF  }
0x9e: {  	s19 =	sld [smem:$0x3FDB];
	_ =	sdelay $0x1  }
0x9f: {  	s6 =	simm.s32 $_scs_section_size  }
0xa0: {  	s7 =	simm.s32 $_size__tile_overlayer_lowered;
	s8 =	simm.s32 $_tile_overlayer_lowered  }
0xa1: {  	s22 =	simm.s32 $0x1BFF;
	s21 =	sshll.u32 s8, $0x1;
	s5 =	sadd.s32 s6, s19  }
0xa2: {  	s9 =	simm.s32 $0x0;
	s20 =	sshll.u32 s7, $0x1;
	s7 =	sadd.s32 s21, s5  }
0xa3: {  	[timem:s9], [sflag:s22] =	dma.local [hbm:s7], s20  }
0xa4: {  	_ =	swait.ge [sflag:s22], s20  }
0xa5: {  	s6 =	ssub.s32 $0x0, s20;
	[sflag:s22] =	ssyncset.done $0x0  }
0xa6: {  	[sflag:s22] =	ssyncadd.s32 s6;
	_ =	sdelay $0x1  }
0xa7: {  	s23 =	simm.s32 $0x1B8B  }
0xa8: {  	_ =	swait.ge [sflag:s23], $0x1  }
0xa9: {  	[sflag:s23] =	ssyncset.done $0x0  }
0xaa: {  	s25 =	simm.s32 $0x1B8E;
	s24 =	sld [smem:$0x3FFE];
	[sflag:s23] =	ssyncadd.s32 $0xFFFFFFFF  }
0xab: {  	s26 =	simm.s32 $execute0_lowered;
	[smem:$0x3FD2] =	sst s25  }
0xac: {  	s7 =	sshll.u32 s26, $0x1;
	_ =	strace $0x8000004F;
	[dreg:$0x1] =	wrdreg $0xFFFFFFFF  }
0xad: {  	s28 =	simm.s32 $_size_execute0_lowered;
	s5 =	sadd.s32 s5, s7;
	[dreg:$0x0] =	wrdreg $0x0  }
0xae: {  	s7 =	sshll.u32 s28, $0x1;
	[dreg:$0x2] =	wrdreg s5  }
0xaf: {  	[dreg:$0x3] =	wrdreg s7  }
0xb0: {  	[dreg:$0x4] =	wrdreg $0xC0  }
0xb1: {  	_ =	task [dreg:s9], $0x5FFFF  }
0xb2: {  	[dreg:$0x1] =	wrdreg $0xFFFFFFFF  }
0xb3: {  	[dreg:$0x0] =	wrdreg $0x60  }
0xb4: {  	[dreg:$0x2] =	wrdreg s24  }
0xb5: {  	[dreg:$0x3] =	wrdreg s18  }
0xb6: {  	[dreg:$0x4] =	wrdreg s17  }
0xb7: {  	[dreg:$0x5] =	wrdreg s16  }
0xb8: {  	[dreg:$0x6] =	wrdreg $0x9  }
0xb9: {  	_ =	task.clear_ibuf [dreg:s9], $0x7FFFF;
	_ =	strace $0x9000004F  }
0xba: {  	s29 =	simm.s32 $0x9;
	_ =	strace $0x80000051  }
0xbb: {  	_ =	swait.ge [sflag:s29], $0x1  }
0xbc: {  	[sflag:s29] =	ssyncadd.s32 $0xFFFFFFFF  }
0xbd: {  	_ =	strace $0x90000051  }
0xbe: {  	_ =	sfence  }
0xbf: {  	s30 =	sld [smem:$0x0];
	_ =	sdelay $0x2  }
0xc0: {  	s31 =	sshll.u32 s1, $0xD;
	s1 =	sshrl.u32 s1, $0x2  }
0xc1: {  	s3 =	sand.u32 $0x4000, s31;
	s1 =	sadd.s32 s1, s30  }
0xc2: {  	s0 =	sor.u32 s3, s0;
	s1 =	sshll.u32 s1, $0x11  }
0xc3: {  	s0 =	sor.u32 s1, s0  }
0xc4: {  	s0 =	sadd.s32 $0x8F2B, s0  }
0xc5: {  	[sflag:s0] =	ssyncadd.remote.s32 $0x1  }
0xc6: {  	_ =	sfence.sel $0xFFFF  }
0xc7: {  	[dreg:$0x0] =	wrdreg $0xFFFFFFFF;
	(pc) =	sbr.abs _section_cstart, $3  }
0xc8: {  	[dreg:$0x1] =	wrdreg $0xFFFFFFFF  }
0xc9: {  	_ =	task.clear_ibuf [dreg:s9], $0x2FFFF;
	_ =	strace $0x9FFFFFFF  }
0xca: {  	(tm) =	ssettm $0x7FFFFFFF  }
0xcb: {  	_ =	shalt  }
tec
execute0_lowered:
.L_overlay_start_1:
0x0: {  	(tag) =	ssettag $0x1  }
0x1: {  	s21 =	rddreg [dreg:$0x0]  }
0x2: {  	s3 =	rddreg [dreg:$0x1];
	s1 =	srdreg.scid  }
0x3: {  	s15 =	rddreg [dreg:$0x2];
	s0 =	stileid.u32;
	s24 =	sand.u32 $0x1, s1  }
0x4: {  	s14 =	rddreg [dreg:$0x3];
	s4 =	sshll.u32 s0, $0xA;
	s5 =	sshll.u32 s24, $0x9  }
0x5: {  	s2 =	simm.s32 $0x0;
	s1 =	rddreg [dreg:$0x4];
	s9 =	sor.u32 s5, s4  }
0x6: {  	[smem:$0x7FF] =	sst s2;
	s20 =	sshrl.u32 s9, $0x3  }
0x7: {  	_ =	strace $0x80000050;
	s4 =	sadd.s32 s3, s20;
	s3 =	simm.s32 $0x2  }
0x8: {  	[tilespmem:s2], [sflag:$0x2] =	stream.linear.gather [hbm4b:s4+s2], $0x200, $0x38;
	[tilespmem:$0x4200] =	vst v63  }
0x9: {  	_ =	swait.ge [sflag:s3], $0x200  }
0xa: {  	s6 =	simm.s32 $0x80;
	s7 =	simm.s32 $0x200;
	[sflag:s3] =	ssyncset.done $0x0  }
0xb: {  	s8 =	simm.s32 $0x1;
	s5 =	sadd.s32 $0xC400, s21;
	[sflag:s3] =	ssyncadd.s32 $0xFFFFFE00  }
0xc: {  	[tilespmem:s7], [sflag:$0x1] =	stream.indirect.gather [hbm4b:s5+s6], $0x80, s2, s6, $0xb8;
	[tilespmem:$0x4200] =	vst v63  }
0xd: {  	_ =	swait.ge [sflag:s8], $0x4000  }
0xe: {  	s22 =	sshll.u32 s9, $0x4;
	[sflag:s8] =	ssyncset.done $0x0  }
0xf: {  	s9 =	sadd.s32 s14, s22;
	[sflag:s8] =	ssyncadd.s32 $0xFFFFC000  }
0x10: {  	[hbm4b:s9+s2] =	stream.linear.scatter [tilespmem:s7], [sflag:$0x2], $0x4000, $0x38;
	[tilespmem:$0x4200] =	vst v63  }
0x11: {  	_ =	swait.ge [sflag:s3], $0x4000  }
0x12: {  	[sflag:s3] =	ssyncset.done $0x0  }
0x13: {  	[sflag:s3] =	ssyncadd.s32 $0xFFFFC000  }
0x14: {  	[tilespmem:s7], [sflag:$0x1] =	stream.indirect.gather [hbm4b:s5+s6], $0x80, s6, s6, $0xb8;
	[tilespmem:$0x4200] =	vst v63  }
0x15: {  	_ =	swait.ge [sflag:s8], $0x4000  }
0x16: {  	s23 =	sor.u32 $0x800, s22;
	[sflag:s8] =	ssyncset.done $0x0  }
0x17: {  	s10 =	sadd.s32 s14, s23;
	[sflag:s8] =	ssyncadd.s32 $0xFFFFC000  }
0x18: {  	[hbm4b:s10+s2] =	stream.linear.scatter [tilespmem:s7], [sflag:$0x2], $0x4000, $0x38;
	[tilespmem:$0x4200] =	vst v63  }
0x19: {  	_ =	swait.ge [sflag:s3], $0x4000  }
0x1a: {  	[sflag:s3] =	ssyncset.done $0x0  }
0x1b: {  	s11 =	simm.s32 $0x100;
	[sflag:s3] =	ssyncadd.s32 $0xFFFFC000  }
0x1c: {  	[tilespmem:s7], [sflag:$0x1] =	stream.indirect.gather [hbm4b:s5+s6], $0x80, s11, s6, $0xb8;
	[tilespmem:$0x4200] =	vst v63  }
0x1d: {  	_ =	swait.ge [sflag:s8], $0x4000  }
0x1e: {  	s26 =	sor.u32 $0x1000, s22;
	[sflag:s8] =	ssyncset.done $0x0  }
0x1f: {  	s12 =	sadd.s32 s14, s26;
	[sflag:s8] =	ssyncadd.s32 $0xFFFFC000  }
0x20: {  	[hbm4b:s12+s2] =	stream.linear.scatter [tilespmem:s7], [sflag:$0x2], $0x4000, $0x38;
	[tilespmem:$0x4200] =	vst v63  }
0x21: {  	_ =	swait.ge [sflag:s3], $0x4000  }
0x22: {  	[sflag:s3] =	ssyncset.done $0x0  }
0x23: {  	s13 =	simm.s32 $0x180;
	[sflag:s3] =	ssyncadd.s32 $0xFFFFC000  }
0x24: {  	[tilespmem:s7], [sflag:$0x1] =	stream.indirect.gather [hbm4b:s5+s6], $0x80, s13, s6, $0xb8;
	[tilespmem:$0x4200] =	vst v63  }
0x25: {  	_ =	swait.ge [sflag:s8], $0x4000  }
0x26: {  	s25 =	sor.u32 $0x1800, s22;
	[sflag:s8] =	ssyncset.done $0x0  }
0x27: {  	s14 =	sadd.s32 s14, s25;
	[sflag:s8] =	ssyncadd.s32 $0xFFFFC000  }
0x28: {  	[hbm4b:s14+s2] =	stream.linear.scatter [tilespmem:s7], [sflag:$0x2], $0x4000, $0x38;
	[tilespmem:$0x4200] =	vst v63  }
0x29: {  	_ =	swait.ge [sflag:s3], $0x4000  }
0x2a: {  	[sflag:s3] =	ssyncset.done $0x0  }
0x2b: {  	s15 =	sadd.s32 s15, s20;
	[sflag:s3] =	ssyncadd.s32 $0xFFFFC000  }
0x2c: {  	[tilespmem:s2], [sflag:$0x2] =	stream.linear.gather [hbm4b:s15+s2], $0x200, $0x38;
	[tilespmem:$0x4200] =	vst v63  }
0x2d: {  	_ =	swait.ge [sflag:s3], $0x200  }
0x2e: {  	[sflag:s3] =	ssyncset.done $0x0  }
0x2f: {  	[sflag:s3] =	ssyncadd.s32 $0xFFFFFE00  }
0x30: {  	[tilespmem:s7], [sflag:$0x1] =	stream.indirect.gather [hbm4b:s5+s6], $0x80, s2, s6, $0xb8;
	[tilespmem:$0x4200] =	vst v63  }
0x31: {  	_ =	swait.ge [sflag:s8], $0x4000  }
0x32: {  	s19 =	sadd.s32 $0x1C400, s21;
	[sflag:s8] =	ssyncset.done $0x0  }
0x33: {  	s16 =	sadd.s32 s19, s22;
	[sflag:s8] =	ssyncadd.s32 $0xFFFFC000  }
0x34: {  	[hbm4b:s16+s2] =	stream.linear.scatter [tilespmem:s7], [sflag:$0x2], $0x4000, $0x38;
	[tilespmem:$0x4200] =	vst v63  }
0x35: {  	_ =	swait.ge [sflag:s3], $0x4000  }
0x36: {  	[sflag:s3] =	ssyncset.done $0x0  }
0x37: {  	[sflag:s3] =	ssyncadd.s32 $0xFFFFC000  }
0x38: {  	[tilespmem:s7], [sflag:$0x1] =	stream.indirect.gather [hbm4b:s5+s6], $0x80, s6, s6, $0xb8;
	[tilespmem:$0x4200] =	vst v63  }
0x39: {  	_ =	swait.ge [sflag:s8], $0x4000  }
0x3a: {  	[sflag:s8] =	ssyncset.done $0x0  }
0x3b: {  	s17 =	sadd.s32 s19, s23;
	[sflag:s8] =	ssyncadd.s32 $0xFFFFC000  }
0x3c: {  	[hbm4b:s17+s2] =	stream.linear.scatter [tilespmem:s7], [sflag:$0x2], $0x4000, $0x38;
	[tilespmem:$0x4200] =	vst v63  }
0x3d: {  	_ =	swait.ge [sflag:s3], $0x4000  }
0x3e: {  	[sflag:s3] =	ssyncset.done $0x0  }
0x3f: {  	[sflag:s3] =	ssyncadd.s32 $0xFFFFC000  }
0x40: {  	[tilespmem:s7], [sflag:$0x1] =	stream.indirect.gather [hbm4b:s5+s6], $0x80, s11, s6, $0xb8;
	[tilespmem:$0x4200] =	vst v63  }
0x41: {  	_ =	swait.ge [sflag:s8], $0x4000  }
0x42: {  	[sflag:s8] =	ssyncset.done $0x0  }
0x43: {  	s18 =	sadd.s32 s19, s26;
	[sflag:s8] =	ssyncadd.s32 $0xFFFFC000  }
0x44: {  	[hbm4b:s18+s2] =	stream.linear.scatter [tilespmem:s7], [sflag:$0x2], $0x4000, $0x38;
	[tilespmem:$0x4200] =	vst v63  }
0x45: {  	_ =	swait.ge [sflag:s3], $0x4000  }
0x46: {  	[sflag:s3] =	ssyncset.done $0x0  }
0x47: {  	[sflag:s3] =	ssyncadd.s32 $0xFFFFC000  }
0x48: {  	[tilespmem:s7], [sflag:$0x1] =	stream.indirect.gather [hbm4b:s5+s6], $0x80, s13, s6, $0xb8;
	[tilespmem:$0x4200] =	vst v63  }
0x49: {  	_ =	swait.ge [sflag:s8], $0x4000  }
0x4a: {  	[sflag:s8] =	ssyncset.done $0x0  }
0x4b: {  	s19 =	sadd.s32 s19, s25;
	[sflag:s8] =	ssyncadd.s32 $0xFFFFC000  }
0x4c: {  	[hbm4b:s19+s2] =	stream.linear.scatter [tilespmem:s7], [sflag:$0x2], $0x4000, $0x38;
	[tilespmem:$0x4200] =	vst v63  }
0x4d: {  	_ =	swait.ge [sflag:s3], $0x4000  }
0x4e: {  	s20 =	sadd.s32 s20, s21;
	[sflag:s3] =	ssyncset.done $0x0  }
0x4f: {  	s20 =	sadd.s32 $0xBC00, s20;
	[sflag:s3] =	ssyncadd.s32 $0xFFFFC000  }
0x50: {  	[tilespmem:s2], [sflag:$0x2] =	stream.linear.gather [hbm4b:s20+s2], $0x200, $0x38;
	[tilespmem:$0x4200] =	vst v63  }
0x51: {  	_ =	swait.ge [sflag:s3], $0x200  }
0x52: {  	[sflag:s3] =	ssyncset.done $0x0  }
0x53: {  	[sflag:s3] =	ssyncadd.s32 $0xFFFFFE00  }
0x54: {  	[tilespmem:s7], [sflag:$0x1] =	stream.indirect.gather [hbm4b:s5+s6], $0x80, s2, s6, $0xb8;
	[tilespmem:$0x4200] =	vst v63  }
0x55: {  	_ =	swait.ge [sflag:s8], $0x4000  }
0x56: {  	s28 =	sadd.s32 $0x5C400, s21;
	[sflag:s8] =	ssyncset.done $0x0  }
0x57: {  	s21 =	sadd.s32 s28, s22;
	[sflag:s8] =	ssyncadd.s32 $0xFFFFC000  }
0x58: {  	[hbm4b:s21+s2] =	stream.linear.scatter [tilespmem:s7], [sflag:$0x2], $0x4000, $0x38;
	[tilespmem:$0x4200] =	vst v63  }
0x59: {  	_ =	swait.ge [sflag:s3], $0x4000  }
0x5a: {  	[sflag:s3] =	ssyncset.done $0x0  }
0x5b: {  	[sflag:s3] =	ssyncadd.s32 $0xFFFFC000  }
0x5c: {  	[tilespmem:s7], [sflag:$0x1] =	stream.indirect.gather [hbm4b:s5+s6], $0x80, s6, s6, $0xb8;
	[tilespmem:$0x4200] =	vst v63  }
0x5d: {  	_ =	swait.ge [sflag:s8], $0x4000  }
0x5e: {  	[sflag:s8] =	ssyncset.done $0x0  }
0x5f: {  	s22 =	sadd.s32 s28, s23;
	[sflag:s8] =	ssyncadd.s32 $0xFFFFC000  }
0x60: {  	[hbm4b:s22+s2] =	stream.linear.scatter [tilespmem:s7], [sflag:$0x2], $0x4000, $0x38;
	[tilespmem:$0x4200] =	vst v63  }
0x61: {  	_ =	swait.ge [sflag:s3], $0x4000  }
0x62: {  	[sflag:s3] =	ssyncset.done $0x0  }
0x63: {  	[sflag:s3] =	ssyncadd.s32 $0xFFFFC000  }
0x64: {  	[tilespmem:s7], [sflag:$0x1] =	stream.indirect.gather [hbm4b:s5+s6], $0x80, s11, s6, $0xb8;
	[tilespmem:$0x4200] =	vst v63  }
0x65: {  	_ =	swait.ge [sflag:s8], $0x4000  }
0x66: {  	[sflag:s8] =	ssyncset.done $0x0  }
0x67: {  	s24 =	ssub.s32 $0x2, s24;
	s23 =	sadd.s32 s28, s26;
	[sflag:s8] =	ssyncadd.s32 $0xFFFFC000  }
0x68: {  	[hbm4b:s23+s2] =	stream.linear.scatter [tilespmem:s7], [sflag:$0x2], $0x4000, $0x38;
	[tilespmem:$0x4200] =	vst v63  }
0x69: {  	s30 =	sshrl.u32 s24, $0x1;
	_ =	swait.ge [sflag:s3], $0x4000  }
0x6a: {  	s26 =	ssub.s32 s24, s30;
	[sflag:s3] =	ssyncset.done $0x0  }
0x6b: {  	s31 =	smax.u32 s26, $0x1;
	[sflag:s3] =	ssyncadd.s32 $0xFFFFC000  }
0x6c: {  	[tilespmem:s7], [sflag:$0x1] =	stream.indirect.gather [hbm4b:s5+s6], $0x80, s13, s6, $0xb8;
	[tilespmem:$0x4200] =	vst v63  }
0x6d: {  	p0 =	sne.s32 s31, $0x1;
	_ =	swait.ge [sflag:s8], $0x4000  }
.Ltmp0:
0x6e: {  	[sflag:s8] =	ssyncset.done $0x0;
	(pc) =	sbr.rel @!p0 .LBB2_2-.Ltmp0, $4  }
0x6f: {  	s24 =	sadd.s32 s28, s25;
	[sflag:s8] =	ssyncadd.s32 $0xFFFFC000  }
0x70: {  	[hbm4b:s24+s2] =	stream.linear.scatter [tilespmem:s7], [sflag:$0x2], $0x4000, $0x38;
	[tilespmem:$0x4200] =	vst v63  }
0x71: {  	_ =	swait.ge [sflag:s3], $0x4000  }
0x72: {  	s25 =	sadd.s32 $0xFFFFFFFF, s31;
	[sflag:s3] =	ssyncset.done $0x0  }
.LBB2_1:
0x73: {  	p0 =	sne.s32 s25, $0x1;
	s25 =	sadd.s32 $0xFFFFFFFF, s25;
	[sflag:s3] =	ssyncadd.s32 $0xFFFFC000  }
0x74: {  	[tilespmem:s2], [sflag:$0x2] =	stream.linear.gather [hbm4b:s4+s2], $0x200, $0x38;
	[tilespmem:$0x4200] =	vst v63  }
0x75: {  	_ =	swait.ge [sflag:s3], $0x200  }
0x76: {  	[sflag:s3] =	ssyncset.done $0x0  }
0x77: {  	[sflag:s3] =	ssyncadd.s32 $0xFFFFFE00  }
0x78: {  	[tilespmem:s7], [sflag:$0x1] =	stream.indirect.gather [hbm4b:s5+s6], $0x80, s2, s6, $0xb8;
	[tilespmem:$0x4200] =	vst v63  }
0x79: {  	_ =	swait.ge [sflag:s8], $0x4000  }
0x7a: {  	[sflag:s8] =	ssyncset.done $0x0  }
0x7b: {  	[sflag:s8] =	ssyncadd.s32 $0xFFFFC000  }
0x7c: {  	[hbm4b:s9+s2] =	stream.linear.scatter [tilespmem:s7], [sflag:$0x2], $0x4000, $0x38;
	[tilespmem:$0x4200] =	vst v63  }
0x7d: {  	_ =	swait.ge [sflag:s3], $0x4000  }
0x7e: {  	[sflag:s3] =	ssyncset.done $0x0  }
0x7f: {  	[sflag:s3] =	ssyncadd.s32 $0xFFFFC000  }
0x80: {  	[tilespmem:s7], [sflag:$0x1] =	stream.indirect.gather [hbm4b:s5+s6], $0x80, s6, s6, $0xb8;
	[tilespmem:$0x4200] =	vst v63  }
0x81: {  	_ =	swait.ge [sflag:s8], $0x4000  }
0x82: {  	[sflag:s8] =	ssyncset.done $0x0  }
0x83: {  	[sflag:s8] =	ssyncadd.s32 $0xFFFFC000  }
0x84: {  	[hbm4b:s10+s2] =	stream.linear.scatter [tilespmem:s7], [sflag:$0x2], $0x4000, $0x38;
	[tilespmem:$0x4200] =	vst v63  }
0x85: {  	_ =	swait.ge [sflag:s3], $0x4000  }
0x86: {  	[sflag:s3] =	ssyncset.done $0x0  }
0x87: {  	[sflag:s3] =	ssyncadd.s32 $0xFFFFC000  }
0x88: {  	[tilespmem:s7], [sflag:$0x1] =	stream.indirect.gather [hbm4b:s5+s6], $0x80, s11, s6, $0xb8;
	[tilespmem:$0x4200] =	vst v63  }
0x89: {  	_ =	swait.ge [sflag:s8], $0x4000  }
0x8a: {  	[sflag:s8] =	ssyncset.done $0x0  }
0x8b: {  	[sflag:s8] =	ssyncadd.s32 $0xFFFFC000  }
0x8c: {  	[hbm4b:s12+s2] =	stream.linear.scatter [tilespmem:s7], [sflag:$0x2], $0x4000, $0x38;
	[tilespmem:$0x4200] =	vst v63  }
0x8d: {  	_ =	swait.ge [sflag:s3], $0x4000  }
0x8e: {  	[sflag:s3] =	ssyncset.done $0x0  }
0x8f: {  	[sflag:s3] =	ssyncadd.s32 $0xFFFFC000  }
0x90: {  	[tilespmem:s7], [sflag:$0x1] =	stream.indirect.gather [hbm4b:s5+s6], $0x80, s13, s6, $0xb8;
	[tilespmem:$0x4200] =	vst v63  }
0x91: {  	_ =	swait.ge [sflag:s8], $0x4000  }
0x92: {  	[sflag:s8] =	ssyncset.done $0x0  }
0x93: {  	[sflag:s8] =	ssyncadd.s32 $0xFFFFC000  }
0x94: {  	[hbm4b:s14+s2] =	stream.linear.scatter [tilespmem:s7], [sflag:$0x2], $0x4000, $0x38;
	[tilespmem:$0x4200] =	vst v63  }
0x95: {  	_ =	swait.ge [sflag:s3], $0x4000  }
0x96: {  	[sflag:s3] =	ssyncset.done $0x0  }
0x97: {  	[sflag:s3] =	ssyncadd.s32 $0xFFFFC000  }
0x98: {  	[tilespmem:s2], [sflag:$0x2] =	stream.linear.gather [hbm4b:s15+s2], $0x200, $0x38;
	[tilespmem:$0x4200] =	vst v63  }
0x99: {  	_ =	swait.ge [sflag:s3], $0x200  }
0x9a: {  	[sflag:s3] =	ssyncset.done $0x0  }
0x9b: {  	[sflag:s3] =	ssyncadd.s32 $0xFFFFFE00  }
0x9c: {  	[tilespmem:s7], [sflag:$0x1] =	stream.indirect.gather [hbm4b:s5+s6], $0x80, s2, s6, $0xb8;
	[tilespmem:$0x4200] =	vst v63  }
0x9d: {  	_ =	swait.ge [sflag:s8], $0x4000  }
0x9e: {  	[sflag:s8] =	ssyncset.done $0x0  }
0x9f: {  	[sflag:s8] =	ssyncadd.s32 $0xFFFFC000  }
0xa0: {  	[hbm4b:s16+s2] =	stream.linear.scatter [tilespmem:s7], [sflag:$0x2], $0x4000, $0x38;
	[tilespmem:$0x4200] =	vst v63  }
0xa1: {  	_ =	swait.ge [sflag:s3], $0x4000  }
0xa2: {  	[sflag:s3] =	ssyncset.done $0x0  }
0xa3: {  	[sflag:s3] =	ssyncadd.s32 $0xFFFFC000  }
0xa4: {  	[tilespmem:s7], [sflag:$0x1] =	stream.indirect.gather [hbm4b:s5+s6], $0x80, s6, s6, $0xb8;
	[tilespmem:$0x4200] =	vst v63  }
0xa5: {  	_ =	swait.ge [sflag:s8], $0x4000  }
0xa6: {  	[sflag:s8] =	ssyncset.done $0x0  }
0xa7: {  	[sflag:s8] =	ssyncadd.s32 $0xFFFFC000  }
0xa8: {  	[hbm4b:s17+s2] =	stream.linear.scatter [tilespmem:s7], [sflag:$0x2], $0x4000, $0x38;
	[tilespmem:$0x4200] =	vst v63  }
0xa9: {  	_ =	swait.ge [sflag:s3], $0x4000  }
0xaa: {  	[sflag:s3] =	ssyncset.done $0x0  }
0xab: {  	[sflag:s3] =	ssyncadd.s32 $0xFFFFC000  }
0xac: {  	[tilespmem:s7], [sflag:$0x1] =	stream.indirect.gather [hbm4b:s5+s6], $0x80, s11, s6, $0xb8;
	[tilespmem:$0x4200] =	vst v63  }
0xad: {  	_ =	swait.ge [sflag:s8], $0x4000  }
0xae: {  	[sflag:s8] =	ssyncset.done $0x0  }
0xaf: {  	[sflag:s8] =	ssyncadd.s32 $0xFFFFC000  }
0xb0: {  	[hbm4b:s18+s2] =	stream.linear.scatter [tilespmem:s7], [sflag:$0x2], $0x4000, $0x38;
	[tilespmem:$0x4200] =	vst v63  }
0xb1: {  	_ =	swait.ge [sflag:s3], $0x4000  }
0xb2: {  	[sflag:s3] =	ssyncset.done $0x0  }
0xb3: {  	[sflag:s3] =	ssyncadd.s32 $0xFFFFC000  }
0xb4: {  	[tilespmem:s7], [sflag:$0x1] =	stream.indirect.gather [hbm4b:s5+s6], $0x80, s13, s6, $0xb8;
	[tilespmem:$0x4200] =	vst v63  }
0xb5: {  	_ =	swait.ge [sflag:s8], $0x4000  }
0xb6: {  	[sflag:s8] =	ssyncset.done $0x0  }
0xb7: {  	[sflag:s8] =	ssyncadd.s32 $0xFFFFC000  }
0xb8: {  	[hbm4b:s19+s2] =	stream.linear.scatter [tilespmem:s7], [sflag:$0x2], $0x4000, $0x38;
	[tilespmem:$0x4200] =	vst v63  }
0xb9: {  	_ =	swait.ge [sflag:s3], $0x4000  }
0xba: {  	[sflag:s3] =	ssyncset.done $0x0  }
0xbb: {  	[sflag:s3] =	ssyncadd.s32 $0xFFFFC000  }
0xbc: {  	[tilespmem:s2], [sflag:$0x2] =	stream.linear.gather [hbm4b:s20+s2], $0x200, $0x38;
	[tilespmem:$0x4200] =	vst v63  }
0xbd: {  	_ =	swait.ge [sflag:s3], $0x200  }
0xbe: {  	[sflag:s3] =	ssyncset.done $0x0  }
0xbf: {  	[sflag:s3] =	ssyncadd.s32 $0xFFFFFE00  }
0xc0: {  	[tilespmem:s7], [sflag:$0x1] =	stream.indirect.gather [hbm4b:s5+s6], $0x80, s2, s6, $0xb8;
	[tilespmem:$0x4200] =	vst v63  }
0xc1: {  	_ =	swait.ge [sflag:s8], $0x4000  }
0xc2: {  	[sflag:s8] =	ssyncset.done $0x0  }
0xc3: {  	[sflag:s8] =	ssyncadd.s32 $0xFFFFC000  }
0xc4: {  	[hbm4b:s21+s2] =	stream.linear.scatter [tilespmem:s7], [sflag:$0x2], $0x4000, $0x38;
	[tilespmem:$0x4200] =	vst v63  }
0xc5: {  	_ =	swait.ge [sflag:s3], $0x4000  }
0xc6: {  	[sflag:s3] =	ssyncset.done $0x0  }
0xc7: {  	[sflag:s3] =	ssyncadd.s32 $0xFFFFC000  }
0xc8: {  	[tilespmem:s7], [sflag:$0x1] =	stream.indirect.gather [hbm4b:s5+s6], $0x80, s6, s6, $0xb8;
	[tilespmem:$0x4200] =	vst v63  }
0xc9: {  	_ =	swait.ge [sflag:s8], $0x4000  }
0xca: {  	[sflag:s8] =	ssyncset.done $0x0  }
0xcb: {  	[sflag:s8] =	ssyncadd.s32 $0xFFFFC000  }
0xcc: {  	[hbm4b:s22+s2] =	stream.linear.scatter [tilespmem:s7], [sflag:$0x2], $0x4000, $0x38;
	[tilespmem:$0x4200] =	vst v63  }
0xcd: {  	_ =	swait.ge [sflag:s3], $0x4000  }
0xce: {  	[sflag:s3] =	ssyncset.done $0x0  }
0xcf: {  	[sflag:s3] =	ssyncadd.s32 $0xFFFFC000  }
0xd0: {  	[tilespmem:s7], [sflag:$0x1] =	stream.indirect.gather [hbm4b:s5+s6], $0x80, s11, s6, $0xb8;
	[tilespmem:$0x4200] =	vst v63  }
0xd1: {  	_ =	swait.ge [sflag:s8], $0x4000  }
0xd2: {  	[sflag:s8] =	ssyncset.done $0x0  }
0xd3: {  	[sflag:s8] =	ssyncadd.s32 $0xFFFFC000  }
0xd4: {  	[hbm4b:s23+s2] =	stream.linear.scatter [tilespmem:s7], [sflag:$0x2], $0x4000, $0x38;
	[tilespmem:$0x4200] =	vst v63  }
0xd5: {  	_ =	swait.ge [sflag:s3], $0x4000  }
0xd6: {  	[sflag:s3] =	ssyncset.done $0x0  }
0xd7: {  	[sflag:s3] =	ssyncadd.s32 $0xFFFFC000  }
0xd8: {  	[tilespmem:s7], [sflag:$0x1] =	stream.indirect.gather [hbm4b:s5+s6], $0x80, s13, s6, $0xb8;
	[tilespmem:$0x4200] =	vst v63  }
0xd9: {  	_ =	swait.ge [sflag:s8], $0x4000  }
.Ltmp1:
0xda: {  	[sflag:s8] =	ssyncset.done $0x0;
	(pc) =	sbr.rel @p0 .LBB2_1-.Ltmp1, $4  }
0xdb: {  	[sflag:s8] =	ssyncadd.s32 $0xFFFFC000  }
0xdc: {  	[hbm4b:s24+s2] =	stream.linear.scatter [tilespmem:s7], [sflag:$0x2], $0x4000, $0x38;
	[tilespmem:$0x4200] =	vst v63  }
0xdd: {  	_ =	swait.ge [sflag:s3], $0x4000  }
0xde: {  	[sflag:s3] =	ssyncset.done $0x0  }
.LBB2_2:
0xdf: {  	[sflag:s3] =	ssyncadd.s32 $0xFFFFC000  }
0xe0: {  	_ =	sfence.sel $0x180000  }
0xe1: {  	[bflag:$0x0] =	sbarrier.arrive $0xFFFF  }
0xe2: {  	p0 =	sne.s32 s0, $0x0;
	_ =	strace $0x90000050  }
0xe3: {  	s0 =	sadd.s32 @!p0 $0x100000, s1;
	[bflag:$0x2] =	sbarrier.arrive $0xFFFF  }
0xe4: {  	[sflag:s0] =	ssyncadd.tile.s32 @!p0 $0x1;
	_ =	shalt  }
.Lfunc_end2:
_tile_overlayer_lowered:
.L_overlay_start_2:
0xe5: {  	(tag) =	ssettag $0x2  }
0xe6: {  	s0 =	rddreg [dreg:$0x0];
	s2 =	stileid.u32  }
0xe7: {  	s1 =	rddreg [dreg:$0x1];
	p0 =	sne.s32 s2, $0x0  }
0xe8: {  	s3 =	rddreg [dreg:$0x2];
	[bflag:$0x3] =	sbarrier.arrive $0xFFFF;
	s2 =	simm.s32 @!p0 $0x1C02  }
0xe9: {  	[timem:s3], [sflag:s2] =	dma.local @!p0 [hbm:s0], s1  }
0xea: {  	s0 =	simm.s32 @!p0 $0x2  }
0xeb: {  	_ =	swait.ge @!p0 [sflag:s0], s1  }
0xec: {  	s1 =	ssub.s32 @!p0 $0x0, s1;
	[sflag:s0] =	ssyncset.done @!p0 $0x0  }
0xed: {  	[sflag:s0] =	ssyncadd.s32 @!p0 s1  }
0xee: {  	[bflag:$0x3] =	sbarrier.arrive $0xFFFF  }
0xef: {  	_ =	shalt  }

</sc_bundles>
